<compile_context>
chip_gen: v7x
topology: tpu7x:2x2x1
jax: 0.10.2.dev20260603
libtpu: 0.0.44.dev20260713+nightly
codegen_flags: <defaults>
</compile_context>

<pallas_src>
import functools

import jax
import jax.numpy as jnp
from jax import lax
from jax.experimental import pallas as pl
from jax.experimental.pallas import tpu as pltpu
from jax.experimental.pallas import tpu_sc as plsc

NC = 2
NS = 16
LK = 128
NB = 25


def _mm_scale(hin, Wr, deg2):
    S, N, _ = hin.shape
    br = N // NB

    def body(hin_ref, w_ref, deg_ref, out_ref):
        deg = deg_ref[0, :, 0] + deg_ref[1, :, 0] + 1.0
        dinv = lax.rsqrt(deg)
        acc = jnp.zeros((br, 128), jnp.float32)
        for a in range(S):
            acc = acc + jnp.dot(hin_ref[a], w_ref[a],
                                preferred_element_type=jnp.float32)
        out_ref[0] = acc * dinv[:, None]

    return pl.pallas_call(
        body,
        grid=(NB, 2),
        in_specs=[
            pl.BlockSpec((S, br, 128), lambda i, c: (0, i, 0)),
            pl.BlockSpec((S, 128, 128), lambda i, c: (0, 0, c)),
            pl.BlockSpec((2, br, 16), lambda i, c: (0, i, 0)),
        ],
        out_specs=pl.BlockSpec((1, br, 128), lambda i, c: (c, i, 0)),
        out_shape=jax.ShapeDtypeStruct((2, N, 128), jnp.float32),
    )(hin, Wr, deg2)


def _stats(agg2, hs2, deg2):
    _, N, _ = hs2.shape
    br = N // NB

    def body(agg_ref, hs_ref, deg_ref, t_ref, m_ref):
        i = pl.program_id(1)
        deg = deg_ref[0, :, 0] + deg_ref[1, :, 0] + 1.0
        dinv = lax.rsqrt(deg)
        t = (agg_ref[0] + hs_ref[0]) * dinv[:, None]
        t_ref[0] = t

        @pl.when(i == 0)
        def _():
            m_ref[...] = jnp.zeros_like(m_ref)

        m_ref[0, 0, :] += jnp.sum(t, axis=0)
        m_ref[0, 1, :] += jnp.sum(t * t, axis=0)

    return pl.pallas_call(
        body,
        grid=(2, NB),
        in_specs=[
            pl.BlockSpec((1, br, 128), lambda c, i: (c, i, 0)),
            pl.BlockSpec((1, br, 128), lambda c, i: (c, i, 0)),
            pl.BlockSpec((2, br, 16), lambda c, i: (0, i, 0)),
        ],
        out_specs=[
            pl.BlockSpec((1, br, 128), lambda c, i: (c, i, 0)),
            pl.BlockSpec((1, 2, 128), lambda c, i: (c, 0, 0)),
        ],
        out_shape=[
            jax.ShapeDtypeStruct((2, N, 128), jnp.float32),
            jax.ShapeDtypeStruct((2, 2, 128), jnp.float32),
        ],
    )(agg2, hs2, deg2)


def _bnrelu(t2, m2, gr, ber, eps=1e-5):
    _, N, _ = t2.shape
    br = N // NB
    n_f = float(N)

    def body(t_ref, m_ref, g_ref, be_ref, y_ref):
        mu = m_ref[0, 0, :] / n_f
        var = m_ref[0, 1, :] / n_f - mu * mu
        scale = lax.rsqrt(var + eps) * g_ref[0, 0, :]
        y = (t_ref[0] - mu[None, :]) * scale[None, :] + be_ref[0, 0, :][None, :]
        y_ref[0] = jnp.maximum(y, 0.0)

    return pl.pallas_call(
        body,
        grid=(2, NB),
        in_specs=[
            pl.BlockSpec((1, br, 128), lambda c, i: (c, i, 0)),
            pl.BlockSpec((1, 2, 128), lambda c, i: (c, 0, 0)),
            pl.BlockSpec((1, 1, 128), lambda c, i: (c, 0, 0)),
            pl.BlockSpec((1, 1, 128), lambda c, i: (c, 0, 0)),
        ],
        out_specs=pl.BlockSpec((1, br, 128), lambda c, i: (c, i, 0)),
        out_shape=jax.ShapeDtypeStruct((2, N, 128), jnp.float32),
    )(t2, m2, gr, ber)


def _head(y1, y2, y3, Wjr, bjr):
    _, N, _ = y1.shape
    C = Wjr.shape[3]
    br = N // NB

    def body(y1_ref, y2_ref, y3_ref, w_ref, b_ref, out_ref):
        acc = jnp.broadcast_to(b_ref[...], (br, C)).astype(jnp.float32)
        for l, yr in enumerate((y1_ref, y2_ref, y3_ref)):
            for a in range(2):
                acc = acc + jnp.dot(yr[a], w_ref[l, a],
                                    preferred_element_type=jnp.float32)
        m = jnp.max(acc, axis=1, keepdims=True)
        z = acc - m
        lse = jnp.log(jnp.sum(jnp.exp(z), axis=1, keepdims=True))
        out_ref[...] = z - lse

    yspec = pl.BlockSpec((2, br, 128), lambda i: (0, i, 0))
    return pl.pallas_call(
        body,
        grid=(NB,),
        in_specs=[
            yspec, yspec, yspec,
            pl.BlockSpec((3, 2, 128, C), lambda i: (0, 0, 0, 0)),
            pl.BlockSpec((1, C), lambda i: (0, 0)),
        ],
        out_specs=pl.BlockSpec((br, C), lambda i: (i, 0)),
        out_shape=jax.ShapeDtypeStruct((N, C), jnp.float32),
    )(y1, y2, y3, Wjr, bjr)


def _deg_sc(dstd, ones_rows, zrows, npad, td):
    rpt = npad // NS
    mesh = plsc.VectorSubcoreMesh(core_axis_name="c", subcore_axis_name="s")

    @functools.partial(
        pl.kernel,
        out_type=jax.ShapeDtypeStruct((2, npad, 16), jnp.float32),
        mesh=mesh,
        scratch_types=[
            pltpu.VMEM((td, LK), jnp.int32),
            pltpu.VMEM((LK, 16), jnp.float32),
            pltpu.VMEM_SHARED((npad, 16), jnp.float32),
        ],
    )
    def k(dstd_hbm, ones_hbm, z_hbm, out_hbm, dst_v, ones_v, acc):
        c = lax.axis_index("c")
        s = lax.axis_index("s")
        pltpu.sync_copy(z_hbm, acc.at[pl.ds(s * rpt, rpt)])
        pltpu.sync_copy(dstd_hbm.at[c, s], dst_v)
        pltpu.sync_copy(ones_hbm, ones_v)
        plsc.subcore_barrier()

        def body(j, carry):
            pltpu.sync_copy(ones_v, acc.at[dst_v.at[j]], add=True)
            return carry

        lax.fori_loop(0, td, body, 0)
        plsc.subcore_barrier()
        pltpu.sync_copy(acc.at[pl.ds(s * rpt, rpt)],
                        out_hbm.at[c].at[pl.ds(s * rpt, rpt)])

    return k(dstd, ones_rows, zrows)


SB = 16


def _agg_sc(hs_flat, srcg, dstg, zrows, npad, t):
    rpt = npad // NS
    nsb = t // SB
    mesh = plsc.VectorSubcoreMesh(core_axis_name="c", subcore_axis_name="s")

    @functools.partial(
        pl.kernel,
        out_type=jax.ShapeDtypeStruct((2, npad, 128), jnp.float32),
        mesh=mesh,
        scratch_types=[
            pltpu.VMEM((SB, LK), jnp.int32),
            pltpu.VMEM((SB, LK), jnp.int32),
            pltpu.VMEM((LK, 128), jnp.float32),
            pltpu.VMEM((LK, 128), jnp.float32),
            pltpu.VMEM_SHARED((npad, 128), jnp.float32),
            pltpu.SemaphoreType.DMA,
        ],
    )
    def k(hs_hbm, srcg_hbm, dstg_hbm, z_hbm, out_hbm,
          src_v, dst_v, rows0, rows1, acc, sem):
        c = lax.axis_index("c")
        s = lax.axis_index("s")
        pltpu.sync_copy(z_hbm, acc.at[pl.ds(s * rpt, rpt)])
        plsc.subcore_barrier()

        def super_body(sb, carry):
            pltpu.sync_copy(srcg_hbm.at[c, s, pl.ds(sb * SB, SB)], src_v)
            pltpu.sync_copy(dstg_hbm.at[s, pl.ds(sb * SB, SB)], dst_v)
            pltpu.async_copy(hs_hbm.at[src_v.at[0]], rows0, sem)

            def body(i, carry2):
                j0 = 2 * i
                pltpu.make_async_copy(
                    hs_hbm.at[src_v.at[0]], rows0, sem).wait()
                pltpu.async_copy(hs_hbm.at[src_v.at[j0 + 1]], rows1, sem)
                pltpu.sync_copy(rows0, acc.at[dst_v.at[j0]], add=True)
                pltpu.make_async_copy(
                    hs_hbm.at[src_v.at[0]], rows1, sem).wait()

                @pl.when(i + 1 < SB // 2)
                def _():
                    pltpu.async_copy(hs_hbm.at[src_v.at[j0 + 2]], rows0, sem)

                pltpu.sync_copy(rows1, acc.at[dst_v.at[j0 + 1]], add=True)
                return carry2

            lax.fori_loop(0, SB // 2, body, 0)
            return carry

        lax.fori_loop(0, nsb, super_body, 0)
        plsc.subcore_barrier()
        pltpu.sync_copy(acc.at[pl.ds(s * rpt, rpt)],
                        out_hbm.at[c].at[pl.ds(s * rpt, rpt)])

    return k(hs_flat, srcg, dstg, zrows)


def kernel(x, edge_index, W1, b1, g1, be1, W2, b2, g2, be2,
           W3, b3, g3, be3, Wj, bj):
    N, F = x.shape
    H = W1.shape[1]
    C = Wj.shape[1]
    E = edge_index.shape[1]
    src = edge_index[0]
    dst = edge_index[1]
    npad = 10240

    ept = E // NS
    t = -(-ept // (LK * SB)) * SB
    padn = t * LK - ept
    srcp = jnp.concatenate(
        [src.reshape(NS, ept),
         jnp.zeros((NS, padn), jnp.int32)], axis=1)
    dstp = jnp.concatenate(
        [dst.reshape(NS, ept),
         jnp.full((NS, padn), N, jnp.int32)], axis=1)
    srcg = jnp.stack([srcp, srcp + N]).reshape(2, NS, t, LK)
    dstg = dstp.reshape(NS, t, LK)

    ept2 = E // (2 * NS)
    td = -(-ept2 // LK)
    padd = td * LK - ept2
    dstd = jnp.concatenate(
        [dst.reshape(2, NS, ept2),
         jnp.full((2, NS, padd), N, jnp.int32)], axis=2).reshape(2, NS, td, LK)

    zr_a = jnp.zeros((npad // NS, 128), jnp.float32)
    zr_d = jnp.zeros((npad // NS, 16), jnp.float32)
    ones_rows = jnp.ones((LK, 16), jnp.float32)

    deg2 = _deg_sc(dstd, ones_rows, zr_d, npad, td)

    h = x.reshape(1, N, F)
    ys = []
    for (W, g, be) in ((W1, g1, be1), (W2, g2, be2), (W3, g3, be3)):
        S = h.shape[0]
        Wr = W.reshape(S, 128, H)
        hs2 = _mm_scale(h, Wr, deg2)
        agg2 = _agg_sc(hs2.reshape(2 * N, 128), srcg, dstg, zr_a, npad, t)
        t2, m2 = _stats(agg2, hs2, deg2)
        y = _bnrelu(t2, m2, g.reshape(2, 1, 128), be.reshape(2, 1, 128))
        ys.append(y)
        h = y

    return _head(ys[0], ys[1], ys[2], Wj.reshape(3, 2, 128, C),
                 bj.reshape(1, C))

# --- scband reference (transcript-rebuilt; emitter-appended) ---
"""Pipeline reference for scband-gin-adv-30288109371816 (READ-ONLY COPY).

The authoritative reference and input builder live on the scoring server;
editing this copy changes nothing except your own understanding.
"""

import jax, jax.numpy as jnp
import numpy as np

N = 10000
E = 320000
F_IN = 128
H = 256
C = 40


def _glorot(k, fi, fo):
    lim = (6.0 / (fi + fo)) ** 0.5
    return jax.random.uniform(k, (fi, fo), minval=-lim, maxval=lim, dtype=jnp.float32)


def setup_inputs(seed: int = 0) -> dict:
    key = jax.random.key(seed)
    ks = jax.random.split(key, 12)
    x = jax.random.normal(ks[0], (N, F_IN), dtype=jnp.float32)
    edge_index = jax.random.randint(ks[1], (2, E), 0, N, dtype=jnp.int32)
    W1 = _glorot(ks[2], F_IN, H)
    b1 = jnp.zeros((H,), jnp.float32)
    W2 = _glorot(ks[3], H, H)
    b2 = jnp.zeros((H,), jnp.float32)
    W3 = _glorot(ks[4], H, H)
    b3 = jnp.zeros((H,), jnp.float32)
    g1 = jnp.ones((H,), jnp.float32); be1 = jnp.zeros((H,), jnp.float32)
    g2 = jnp.ones((H,), jnp.float32); be2 = jnp.zeros((H,), jnp.float32)
    g3 = jnp.ones((H,), jnp.float32); be3 = jnp.zeros((H,), jnp.float32)
    Wj = _glorot(ks[5], 3 * H, C)
    bj = jnp.zeros((C,), jnp.float32)
    return {"x": x, "edge_index": edge_index,
            "W1": W1, "b1": b1, "g1": g1, "be1": be1,
            "W2": W2, "b2": b2, "g2": g2, "be2": be2,
            "W3": W3, "b3": b3, "g3": g3, "be3": be3,
            "Wj": Wj, "bj": bj}


def _gcn_conv(h_in, src, dst, W, b):
    # GCNConv: linear transform, add self-loops, symmetric normalization, sum-aggregate, bias
    h = h_in @ W
    loop = jnp.arange(N, dtype=src.dtype)
    si = jnp.concatenate([src, loop])
    di = jnp.concatenate([dst, loop])
    deg = jnp.zeros((N,), h.dtype).at[di].add(1.0)
    dinv = jnp.where(deg > 0, deg ** -0.5, 0.0)
    norm = dinv[si] * dinv[di]
    msg = h[si] * norm[:, None]
    out = jnp.zeros_like(h).at[di].add(msg)
    return out + b


def _bn_train(h, g, be, eps=1e-5):
    mu = h.mean(axis=0)
    var = h.var(axis=0)
    return (h - mu) / jnp.sqrt(var + eps) * g + be


def reference(x, edge_index, W1, b1, g1, be1, W2, b2, g2, be2, W3, b3, g3, be3, Wj, bj):
    src = edge_index[0]
    dst = edge_index[1]
    xs = []
    h = x
    for (W, b, g, be) in ((W1, b1, g1, be1), (W2, b2, g2, be2), (W3, b3, g3, be3)):
        h = _gcn_conv(h, src, dst, W, b)
        h = _bn_train(h, g, be)
        h = jax.nn.relu(h)
        xs.append(h)
    h = jnp.concatenate(xs, axis=1)
    out = h @ Wj + bj
    return jax.nn.log_softmax(out, axis=-1)

if __name__ == "__main__":
    import jax
    _d = setup_inputs()
    print(jax.jit(kernel)(*tuple(_d.values())))

</pallas_src>

<mosaic_0001>
#map = affine_map<(d0, d1) -> (0, 0)>
#map1 = affine_map<(d0, d1) -> (0, 0, 0, 0)>
#map2 = affine_map<(d0, d1) -> (0, 0, 0)>
module attributes {stable_mosaic.version = 14 : i64} {
  func.func @k(%arg0: i32, %arg1: i32, %arg2: memref<20000x128xf32, #tpu.memory_space<hbm>>, %arg3: memref<2x16x160x128xi32, #tpu.memory_space<hbm>>, %arg4: memref<16x160x128xi32, #tpu.memory_space<hbm>>, %arg5: memref<640x128xf32, #tpu.memory_space<hbm>>, %arg6: memref<2x10240x128xf32, #tpu.memory_space<hbm>>, %arg7: memref<16x128xi32, #tpu.memory_space<vmem>>, %arg8: memref<16x128xi32, #tpu.memory_space<vmem>>, %arg9: memref<128x128xf32, #tpu.memory_space<vmem>>, %arg10: memref<128x128xf32, #tpu.memory_space<vmem>>, %arg11: memref<10240x128xf32, #tpu.memory_space<vmem_shared>>, %arg12: memref<!tpu.dma_semaphore, #tpu.memory_space<semaphore_mem>>) attributes {dimension_semantics = [#tpu.dimension_semantics<core_parallel>, #tpu.dimension_semantics<subcore_parallel>], iteration_bounds = array<i64: 2, 16>, scalar_prefetch = 0 : i64, scratch_operands = 6 : i64, tpu.core_type = #tpu.core_type<sc_vector_subcore>, window_params = [{transform_indices = #map}, {transform_indices = #map1}, {transform_indices = #map2}, {transform_indices = #map}, {transform_indices = #map2}]} {
    %mul3A = arith.constant 640 : i32
    %mul3A_0 = arith.muli %arg1, %mul3A : i32
    "tpu.region"() ({
      %run_scoped3A = tpu.sem_alloc : memref<!tpu.dma_semaphore, #tpu.memory_space<semaphore_mem>>
      %dma_start3A = arith.constant 0 : i32
      %dma_start3A_11 = tpu.memref_slice %arg11[%mul3A_0, %dma_start3A] : memref<10240x128xf32, #tpu.memory_space<vmem_shared>> -> memref<640x128xf32, #tpu.memory_space<vmem_shared>>
      tpu.enqueue_dma source(%arg5 : memref<640x128xf32, #tpu.memory_space<hbm>>) target(%dma_start3A_11 : memref<640x128xf32, #tpu.memory_space<vmem_shared>>) target_semaphore(%run_scoped3A : memref<!tpu.dma_semaphore, #tpu.memory_space<semaphore_mem>>)
      %dma_wait3A = arith.constant 0 : i32
      %dma_wait3A_12 = tpu.memref_slice %arg11[%mul3A_0, %dma_wait3A] : memref<10240x128xf32, #tpu.memory_space<vmem_shared>> -> memref<640x128xf32, #tpu.memory_space<vmem_shared>>
      tpu.wait_dma2 semaphore(%run_scoped3A : memref<!tpu.dma_semaphore, #tpu.memory_space<semaphore_mem>>) src(%arg5 : memref<640x128xf32, #tpu.memory_space<hbm>>) dst(%dma_wait3A_12 : memref<640x128xf32, #tpu.memory_space<vmem_shared>>)
      tpu.yield
    }) : () -> ()
    %barrier3A = arith.constant 0 : index
    tpu.barrier barrier_id(%barrier3A)
    %scan3A = arith.constant 0 : i32
    %scan3A_1 = arith.constant 0 : i32
    %scan3A_2 = arith.constant 10 : i32
    %scan3A_3 = arith.addi %scan3A_1, %scan3A_2 : i32
    %scan3A_4 = arith.constant 1 : i32
    scf.for %scan3A_11 = %scan3A_1 to %scan3A_3 step %scan3A_4  : i32 {
      %mul3A_12 = arith.constant 16 : i32
      %mul3A_13 = arith.muli %scan3A_11, %mul3A_12 : i32
      "tpu.region"() ({
        %run_scoped3A = tpu.sem_alloc : memref<!tpu.dma_semaphore, #tpu.memory_space<semaphore_mem>>
        %dma_start3A_28 = arith.constant 0 : i32
        %dma_start3A_29 = tpu.memref_slice %arg3[%arg0, %arg1, %mul3A_13, %dma_start3A_28] : memref<2x16x160x128xi32, #tpu.memory_space<hbm>> -> memref<1x1x16x128xi32, #tpu.memory_space<hbm>>
        %dma_start3A_30 = tpu.memref_squeeze %dma_start3A_29 : memref<1x1x16x128xi32, #tpu.memory_space<hbm>> -> memref<16x128xi32, #tpu.memory_space<hbm>>
        %dma_start3A_31 = arith.constant 0 : i32
        %dma_start3A_32 = tpu.memref_slice %arg3[%arg0, %arg1, %mul3A_13, %dma_start3A_31] : memref<2x16x160x128xi32, #tpu.memory_space<hbm>> -> memref<1x1x16x128xi32, #tpu.memory_space<hbm>>
        %dma_start3A_33 = tpu.memref_squeeze %dma_start3A_32 : memref<1x1x16x128xi32, #tpu.memory_space<hbm>> -> memref<16x128xi32, #tpu.memory_space<hbm>>
        tpu.enqueue_dma source(%dma_start3A_33 : memref<16x128xi32, #tpu.memory_space<hbm>>) target(%arg7 : memref<16x128xi32, #tpu.memory_space<vmem>>) target_semaphore(%run_scoped3A : memref<!tpu.dma_semaphore, #tpu.memory_space<semaphore_mem>>)
        %dma_wait3A = arith.constant 0 : i32
        %dma_wait3A_34 = tpu.memref_slice %arg3[%arg0, %arg1, %mul3A_13, %dma_wait3A] : memref<2x16x160x128xi32, #tpu.memory_space<hbm>> -> memref<1x1x16x128xi32, #tpu.memory_space<hbm>>
        %dma_wait3A_35 = tpu.memref_squeeze %dma_wait3A_34 : memref<1x1x16x128xi32, #tpu.memory_space<hbm>> -> memref<16x128xi32, #tpu.memory_space<hbm>>
        %dma_wait3A_36 = arith.constant 0 : i32
        %dma_wait3A_37 = tpu.memref_slice %arg3[%arg0, %arg1, %mul3A_13, %dma_wait3A_36] : memref<2x16x160x128xi32, #tpu.memory_space<hbm>> -> memref<1x1x16x128xi32, #tpu.memory_space<hbm>>
        %dma_wait3A_38 = tpu.memref_squeeze %dma_wait3A_37 : memref<1x1x16x128xi32, #tpu.memory_space<hbm>> -> memref<16x128xi32, #tpu.memory_space<hbm>>
        tpu.wait_dma2 semaphore(%run_scoped3A : memref<!tpu.dma_semaphore, #tpu.memory_space<semaphore_mem>>) src(%dma_wait3A_38 : memref<16x128xi32, #tpu.memory_space<hbm>>) dst(%arg7 : memref<16x128xi32, #tpu.memory_space<vmem>>)
        tpu.yield
      }) : () -> ()
      %mul3A_14 = arith.constant 16 : i32
      %mul3A_15 = arith.muli %scan3A_11, %mul3A_14 : i32
      "tpu.region"() ({
        %run_scoped3A = tpu.sem_alloc : memref<!tpu.dma_semaphore, #tpu.memory_space<semaphore_mem>>
        %dma_start3A_28 = arith.constant 0 : i32
        %dma_start3A_29 = tpu.memref_slice %arg4[%arg1, %mul3A_15, %dma_start3A_28] : memref<16x160x128xi32, #tpu.memory_space<hbm>> -> memref<1x16x128xi32, #tpu.memory_space<hbm>>
        %dma_start3A_30 = tpu.memref_squeeze %dma_start3A_29 : memref<1x16x128xi32, #tpu.memory_space<hbm>> -> memref<16x128xi32, #tpu.memory_space<hbm>>
        %dma_start3A_31 = arith.constant 0 : i32
        %dma_start3A_32 = tpu.memref_slice %arg4[%arg1, %mul3A_15, %dma_start3A_31] : memref<16x160x128xi32, #tpu.memory_space<hbm>> -> memref<1x16x128xi32, #tpu.memory_space<hbm>>
        %dma_start3A_33 = tpu.memref_squeeze %dma_start3A_32 : memref<1x16x128xi32, #tpu.memory_space<hbm>> -> memref<16x128xi32, #tpu.memory_space<hbm>>
        tpu.enqueue_dma source(%dma_start3A_33 : memref<16x128xi32, #tpu.memory_space<hbm>>) target(%arg8 : memref<16x128xi32, #tpu.memory_space<vmem>>) target_semaphore(%run_scoped3A : memref<!tpu.dma_semaphore, #tpu.memory_space<semaphore_mem>>)
        %dma_wait3A = arith.constant 0 : i32
        %dma_wait3A_34 = tpu.memref_slice %arg4[%arg1, %mul3A_15, %dma_wait3A] : memref<16x160x128xi32, #tpu.memory_space<hbm>> -> memref<1x16x128xi32, #tpu.memory_space<hbm>>
        %dma_wait3A_35 = tpu.memref_squeeze %dma_wait3A_34 : memref<1x16x128xi32, #tpu.memory_space<hbm>> -> memref<16x128xi32, #tpu.memory_space<hbm>>
        %dma_wait3A_36 = arith.constant 0 : i32
        %dma_wait3A_37 = tpu.memref_slice %arg4[%arg1, %mul3A_15, %dma_wait3A_36] : memref<16x160x128xi32, #tpu.memory_space<hbm>> -> memref<1x16x128xi32, #tpu.memory_space<hbm>>
        %dma_wait3A_38 = tpu.memref_squeeze %dma_wait3A_37 : memref<1x16x128xi32, #tpu.memory_space<hbm>> -> memref<16x128xi32, #tpu.memory_space<hbm>>
        tpu.wait_dma2 semaphore(%run_scoped3A : memref<!tpu.dma_semaphore, #tpu.memory_space<semaphore_mem>>) src(%dma_wait3A_38 : memref<16x128xi32, #tpu.memory_space<hbm>>) dst(%arg8 : memref<16x128xi32, #tpu.memory_space<vmem>>)
        tpu.yield
      }) : () -> ()
      %dma_start3A = arith.constant 0 : i32
      %dma_start3A_16 = arith.constant 0 : i32
      %dma_start3A_17 = tpu.memref_slice %arg7[%dma_start3A, %dma_start3A_16] : memref<16x128xi32, #tpu.memory_space<vmem>> -> memref<1x128xi32, #tpu.memory_space<vmem>>
      %dma_start3A_18 = tpu.memref_squeeze %dma_start3A_17 : memref<1x128xi32, #tpu.memory_space<vmem>> -> memref<128xi32, #tpu.memory_space<vmem>>
      %dma_start3A_19 = arith.constant 0 : i32
      %dma_start3A_20 = arith.constant 0 : i32
      %dma_start3A_21 = tpu.memref_slice %arg2[%dma_start3A_19, %dma_start3A_20] : memref<20000x128xf32, #tpu.memory_space<hbm>> -> memref<20000x128xf32, #tpu.memory_space<hbm>>
      tpu.enqueue_indirect_dma source(%dma_start3A_21 : memref<20000x128xf32, #tpu.memory_space<hbm>>) target(%arg9 : memref<128x128xf32, #tpu.memory_space<vmem>>) offsets(%dma_start3A_18 : memref<128xi32, #tpu.memory_space<vmem>>) semaphore(%arg12 : memref<!tpu.dma_semaphore, #tpu.memory_space<semaphore_mem>>)
      %scan3A_22 = arith.constant 0 : i32
      %scan3A_23 = arith.constant 0 : i32
      %scan3A_24 = arith.constant 8 : i32
      %scan3A_25 = arith.addi %scan3A_23, %scan3A_24 : i32
      %scan3A_26 = arith.constant 1 : i32
      scf.for %scan3A_28 = %scan3A_23 to %scan3A_25 step %scan3A_26  : i32 {
        %mul3A_29 = arith.constant 2 : i32
        %mul3A_30 = arith.muli %mul3A_29, %scan3A_28 : i32
        %dma_wait3A = arith.constant 0 : i32
        %dma_wait3A_31 = arith.constant 0 : i32
        %dma_wait3A_32 = tpu.memref_slice %arg7[%dma_wait3A, %dma_wait3A_31] : memref<16x128xi32, #tpu.memory_space<vmem>> -> memref<1x128xi32, #tpu.memory_space<vmem>>
        %dma_wait3A_33 = tpu.memref_squeeze %dma_wait3A_32 : memref<1x128xi32, #tpu.memory_space<vmem>> -> memref<128xi32, #tpu.memory_space<vmem>>
        %dma_wait3A_34 = arith.constant 0 : i32
        %dma_wait3A_35 = arith.constant 0 : i32
        %dma_wait3A_36 = tpu.memref_slice %arg2[%dma_wait3A_34, %dma_wait3A_35] : memref<20000x128xf32, #tpu.memory_space<hbm>> -> memref<20000x128xf32, #tpu.memory_space<hbm>>
        tpu.wait_indirect_dma semaphore(%arg12 : memref<!tpu.dma_semaphore, #tpu.memory_space<semaphore_mem>>) src(%dma_wait3A_36 : memref<20000x128xf32, #tpu.memory_space<hbm>>) dst(%arg9 : memref<128x128xf32, #tpu.memory_space<vmem>>)
        %add3A = arith.constant 1 : i32
        %add3A_37 = arith.addi %mul3A_30, %add3A : i32
        %dma_start3A_38 = arith.constant 0 : i32
        %dma_start3A_39 = tpu.memref_slice %arg7[%add3A_37, %dma_start3A_38] : memref<16x128xi32, #tpu.memory_space<vmem>> -> memref<1x128xi32, #tpu.memory_space<vmem>>
        %dma_start3A_40 = tpu.memref_squeeze %dma_start3A_39 : memref<1x128xi32, #tpu.memory_space<vmem>> -> memref<128xi32, #tpu.memory_space<vmem>>
        %dma_start3A_41 = arith.constant 0 : i32
        %dma_start3A_42 = arith.constant 0 : i32
        %dma_start3A_43 = tpu.memref_slice %arg2[%dma_start3A_41, %dma_start3A_42] : memref<20000x128xf32, #tpu.memory_space<hbm>> -> memref<20000x128xf32, #tpu.memory_space<hbm>>
        tpu.enqueue_indirect_dma source(%dma_start3A_43 : memref<20000x128xf32, #tpu.memory_space<hbm>>) target(%arg10 : memref<128x128xf32, #tpu.memory_space<vmem>>) offsets(%dma_start3A_40 : memref<128xi32, #tpu.memory_space<vmem>>) semaphore(%arg12 : memref<!tpu.dma_semaphore, #tpu.memory_space<semaphore_mem>>)
        "tpu.region"() ({
          %run_scoped3A = tpu.sem_alloc : memref<!tpu.dma_semaphore, #tpu.memory_space<semaphore_mem>>
          %dma_start3A_57 = arith.constant 0 : i32
          %dma_start3A_58 = tpu.memref_slice %arg8[%mul3A_30, %dma_start3A_57] : memref<16x128xi32, #tpu.memory_space<vmem>> -> memref<1x128xi32, #tpu.memory_space<vmem>>
          %dma_start3A_59 = tpu.memref_squeeze %dma_start3A_58 : memref<1x128xi32, #tpu.memory_space<vmem>> -> memref<128xi32, #tpu.memory_space<vmem>>
          %dma_start3A_60 = arith.constant 0 : i32
          %dma_start3A_61 = arith.constant 0 : i32
          %dma_start3A_62 = tpu.memref_slice %arg11[%dma_start3A_60, %dma_start3A_61] : memref<10240x128xf32, #tpu.memory_space<vmem_shared>> -> memref<10240x128xf32, #tpu.memory_space<vmem_shared>>
          tpu.enqueue_indirect_dma source(%arg9 : memref<128x128xf32, #tpu.memory_space<vmem>>) target(%dma_start3A_62 : memref<10240x128xf32, #tpu.memory_space<vmem_shared>>) offsets(%dma_start3A_59 : memref<128xi32, #tpu.memory_space<vmem>>) semaphore(%run_scoped3A : memref<!tpu.dma_semaphore, #tpu.memory_space<semaphore_mem>>) {add = true}
          %dma_wait3A_63 = arith.constant 0 : i32
          %dma_wait3A_64 = tpu.memref_slice %arg8[%mul3A_30, %dma_wait3A_63] : memref<16x128xi32, #tpu.memory_space<vmem>> -> memref<1x128xi32, #tpu.memory_space<vmem>>
          %dma_wait3A_65 = tpu.memref_squeeze %dma_wait3A_64 : memref<1x128xi32, #tpu.memory_space<vmem>> -> memref<128xi32, #tpu.memory_space<vmem>>
          %dma_wait3A_66 = arith.constant 0 : i32
          %dma_wait3A_67 = arith.constant 0 : i32
          %dma_wait3A_68 = tpu.memref_slice %arg11[%dma_wait3A_66, %dma_wait3A_67] : memref<10240x128xf32, #tpu.memory_space<vmem_shared>> -> memref<10240x128xf32, #tpu.memory_space<vmem_shared>>
          tpu.wait_indirect_dma semaphore(%run_scoped3A : memref<!tpu.dma_semaphore, #tpu.memory_space<semaphore_mem>>) src(%arg9 : memref<128x128xf32, #tpu.memory_space<vmem>>) dst(%dma_wait3A_68 : memref<10240x128xf32, #tpu.memory_space<vmem_shared>>)
          tpu.yield
        }) : () -> ()
        %dma_wait3A_44 = arith.constant 0 : i32
        %dma_wait3A_45 = arith.constant 0 : i32
        %dma_wait3A_46 = tpu.memref_slice %arg7[%dma_wait3A_44, %dma_wait3A_45] : memref<16x128xi32, #tpu.memory_space<vmem>> -> memref<1x128xi32, #tpu.memory_space<vmem>>
        %dma_wait3A_47 = tpu.memref_squeeze %dma_wait3A_46 : memref<1x128xi32, #tpu.memory_space<vmem>> -> memref<128xi32, #tpu.memory_space<vmem>>
        %dma_wait3A_48 = arith.constant 0 : i32
        %dma_wait3A_49 = arith.constant 0 : i32
        %dma_wait3A_50 = tpu.memref_slice %arg2[%dma_wait3A_48, %dma_wait3A_49] : memref<20000x128xf32, #tpu.memory_space<hbm>> -> memref<20000x128xf32, #tpu.memory_space<hbm>>
        tpu.wait_indirect_dma semaphore(%arg12 : memref<!tpu.dma_semaphore, #tpu.memory_space<semaphore_mem>>) src(%dma_wait3A_50 : memref<20000x128xf32, #tpu.memory_space<hbm>>) dst(%arg10 : memref<128x128xf32, #tpu.memory_space<vmem>>)
        %add3A_51 = arith.constant 1 : i32
        %add3A_52 = arith.addi %scan3A_28, %add3A_51 : i32
        %lt3A = arith.constant 8 : i32
        %lt3A_53 = arith.cmpi slt, %add3A_52, %lt3A : i32
        %convert_element_type3A = arith.extui %lt3A_53 : i1 to i32
        %cond3A = arith.constant 0 : i32
        %cond3A_54 = arith.cmpi ne, %convert_element_type3A, %cond3A : i32
        scf.if %cond3A_54 {
          %add3A_57 = arith.constant 2 : i32
          %add3A_58 = arith.addi %mul3A_30, %add3A_57 : i32
          %dma_start3A_59 = arith.constant 0 : i32
          %dma_start3A_60 = tpu.memref_slice %arg7[%add3A_58, %dma_start3A_59] : memref<16x128xi32, #tpu.memory_space<vmem>> -> memref<1x128xi32, #tpu.memory_space<vmem>>
          %dma_start3A_61 = tpu.memref_squeeze %dma_start3A_60 : memref<1x128xi32, #tpu.memory_space<vmem>> -> memref<128xi32, #tpu.memory_space<vmem>>
          %dma_start3A_62 = arith.constant 0 : i32
          %dma_start3A_63 = arith.constant 0 : i32
          %dma_start3A_64 = tpu.memref_slice %arg2[%dma_start3A_62, %dma_start3A_63] : memref<20000x128xf32, #tpu.memory_space<hbm>> -> memref<20000x128xf32, #tpu.memory_space<hbm>>
          tpu.enqueue_indirect_dma source(%dma_start3A_64 : memref<20000x128xf32, #tpu.memory_space<hbm>>) target(%arg9 : memref<128x128xf32, #tpu.memory_space<vmem>>) offsets(%dma_start3A_61 : memref<128xi32, #tpu.memory_space<vmem>>) semaphore(%arg12 : memref<!tpu.dma_semaphore, #tpu.memory_space<semaphore_mem>>)
        } else {
        }
        %add3A_55 = arith.constant 1 : i32
        %add3A_56 = arith.addi %mul3A_30, %add3A_55 : i32
        "tpu.region"() ({
          %run_scoped3A = tpu.sem_alloc : memref<!tpu.dma_semaphore, #tpu.memory_space<semaphore_mem>>
          %dma_start3A_57 = arith.constant 0 : i32
          %dma_start3A_58 = tpu.memref_slice %arg8[%add3A_56, %dma_start3A_57] : memref<16x128xi32, #tpu.memory_space<vmem>> -> memref<1x128xi32, #tpu.memory_space<vmem>>
          %dma_start3A_59 = tpu.memref_squeeze %dma_start3A_58 : memref<1x128xi32, #tpu.memory_space<vmem>> -> memref<128xi32, #tpu.memory_space<vmem>>
          %dma_start3A_60 = arith.constant 0 : i32
          %dma_start3A_61 = arith.constant 0 : i32
          %dma_start3A_62 = tpu.memref_slice %arg11[%dma_start3A_60, %dma_start3A_61] : memref<10240x128xf32, #tpu.memory_space<vmem_shared>> -> memref<10240x128xf32, #tpu.memory_space<vmem_shared>>
          tpu.enqueue_indirect_dma source(%arg10 : memref<128x128xf32, #tpu.memory_space<vmem>>) target(%dma_start3A_62 : memref<10240x128xf32, #tpu.memory_space<vmem_shared>>) offsets(%dma_start3A_59 : memref<128xi32, #tpu.memory_space<vmem>>) semaphore(%run_scoped3A : memref<!tpu.dma_semaphore, #tpu.memory_space<semaphore_mem>>) {add = true}
          %dma_wait3A_63 = arith.constant 0 : i32
          %dma_wait3A_64 = tpu.memref_slice %arg8[%add3A_56, %dma_wait3A_63] : memref<16x128xi32, #tpu.memory_space<vmem>> -> memref<1x128xi32, #tpu.memory_space<vmem>>
          %dma_wait3A_65 = tpu.memref_squeeze %dma_wait3A_64 : memref<1x128xi32, #tpu.memory_space<vmem>> -> memref<128xi32, #tpu.memory_space<vmem>>
          %dma_wait3A_66 = arith.constant 0 : i32
          %dma_wait3A_67 = arith.constant 0 : i32
          %dma_wait3A_68 = tpu.memref_slice %arg11[%dma_wait3A_66, %dma_wait3A_67] : memref<10240x128xf32, #tpu.memory_space<vmem_shared>> -> memref<10240x128xf32, #tpu.memory_space<vmem_shared>>
          tpu.wait_indirect_dma semaphore(%run_scoped3A : memref<!tpu.dma_semaphore, #tpu.memory_space<semaphore_mem>>) src(%arg10 : memref<128x128xf32, #tpu.memory_space<vmem>>) dst(%dma_wait3A_68 : memref<10240x128xf32, #tpu.memory_space<vmem_shared>>)
          tpu.yield
        }) : () -> ()
      }
      %scan3A_27 = arith.constant 8 : i32
    }
    %scan3A_5 = arith.constant 10 : i32
    %barrier3A_6 = arith.constant 0 : index
    tpu.barrier barrier_id(%barrier3A_6)
    %mul3A_7 = arith.constant 640 : i32
    %mul3A_8 = arith.muli %arg1, %mul3A_7 : i32
    %mul3A_9 = arith.constant 640 : i32
    %mul3A_10 = arith.muli %arg1, %mul3A_9 : i32
    "tpu.region"() ({
      %run_scoped3A = tpu.sem_alloc : memref<!tpu.dma_semaphore, #tpu.memory_space<semaphore_mem>>
      %dma_start3A = arith.constant 0 : i32
      %dma_start3A_11 = arith.constant 0 : i32
      %dma_start3A_12 = tpu.memref_slice %arg6[%arg0, %dma_start3A, %dma_start3A_11] : memref<2x10240x128xf32, #tpu.memory_space<hbm>> -> memref<1x10240x128xf32, #tpu.memory_space<hbm>>
      %dma_start3A_13 = tpu.memref_squeeze %dma_start3A_12 : memref<1x10240x128xf32, #tpu.memory_space<hbm>> -> memref<10240x128xf32, #tpu.memory_space<hbm>>
      %dma_start3A_14 = arith.constant 0 : i32
      %dma_start3A_15 = tpu.memref_slice %dma_start3A_13[%mul3A_10, %dma_start3A_14] : memref<10240x128xf32, #tpu.memory_space<hbm>> -> memref<640x128xf32, #tpu.memory_space<hbm>>
      %dma_start3A_16 = arith.constant 0 : i32
      %dma_start3A_17 = tpu.memref_slice %arg11[%mul3A_8, %dma_start3A_16] : memref<10240x128xf32, #tpu.memory_space<vmem_shared>> -> memref<640x128xf32, #tpu.memory_space<vmem_shared>>
      tpu.enqueue_dma source(%dma_start3A_17 : memref<640x128xf32, #tpu.memory_space<vmem_shared>>) target(%dma_start3A_15 : memref<640x128xf32, #tpu.memory_space<hbm>>) target_semaphore(%run_scoped3A : memref<!tpu.dma_semaphore, #tpu.memory_space<semaphore_mem>>)
      %dma_wait3A = arith.constant 0 : i32
      %dma_wait3A_18 = arith.constant 0 : i32
      %dma_wait3A_19 = tpu.memref_slice %arg6[%arg0, %dma_wait3A, %dma_wait3A_18] : memref<2x10240x128xf32, #tpu.memory_space<hbm>> -> memref<1x10240x128xf32, #tpu.memory_space<hbm>>
      %dma_wait3A_20 = tpu.memref_squeeze %dma_wait3A_19 : memref<1x10240x128xf32, #tpu.memory_space<hbm>> -> memref<10240x128xf32, #tpu.memory_space<hbm>>
      %dma_wait3A_21 = arith.constant 0 : i32
      %dma_wait3A_22 = tpu.memref_slice %dma_wait3A_20[%mul3A_10, %dma_wait3A_21] : memref<10240x128xf32, #tpu.memory_space<hbm>> -> memref<640x128xf32, #tpu.memory_space<hbm>>
      %dma_wait3A_23 = arith.constant 0 : i32
      %dma_wait3A_24 = tpu.memref_slice %arg11[%mul3A_8, %dma_wait3A_23] : memref<10240x128xf32, #tpu.memory_space<vmem_shared>> -> memref<640x128xf32, #tpu.memory_space<vmem_shared>>
      tpu.wait_dma2 semaphore(%run_scoped3A : memref<!tpu.dma_semaphore, #tpu.memory_space<semaphore_mem>>) src(%dma_wait3A_24 : memref<640x128xf32, #tpu.memory_space<vmem_shared>>) dst(%dma_wait3A_22 : memref<640x128xf32, #tpu.memory_space<hbm>>)
      tpu.yield
    }) : () -> ()
    return
  }
}

#map = affine_map<(d0, d1) -> (0, 0)>
#map1 = affine_map<(d0, d1) -> (0, 0, 0, 0)>
#map2 = affine_map<(d0, d1) -> (0, 0, 0)>
module attributes {stable_mosaic.version = 14 : i64} {
  func.func @k(%arg0: i32, %arg1: i32, %arg2: memref<20000x128xf32, #tpu.memory_space<hbm>>, %arg3: memref<2x16x160x128xi32, #tpu.memory_space<hbm>>, %arg4: memref<16x160x128xi32, #tpu.memory_space<hbm>>, %arg5: memref<640x128xf32, #tpu.memory_space<hbm>>, %arg6: memref<2x10240x128xf32, #tpu.memory_space<hbm>>, %arg7: memref<16x128xi32, #tpu.memory_space<vmem>>, %arg8: memref<16x128xi32, #tpu.memory_space<vmem>>, %arg9: memref<128x128xf32, #tpu.memory_space<vmem>>, %arg10: memref<128x128xf32, #tpu.memory_space<vmem>>, %arg11: memref<10240x128xf32, #tpu.memory_space<vmem_shared>>, %arg12: memref<!tpu.dma_semaphore, #tpu.memory_space<semaphore_mem>>) attributes {dimension_semantics = [#tpu.dimension_semantics<core_parallel>, #tpu.dimension_semantics<subcore_parallel>], iteration_bounds = array<i64: 2, 16>, scalar_prefetch = 0 : i64, scratch_operands = 6 : i64, tpu.core_type = #tpu.core_type<sc_vector_subcore>, window_params = [{transform_indices = #map}, {transform_indices = #map1}, {transform_indices = #map2}, {transform_indices = #map}, {transform_indices = #map2}]} {
    %mul3A = arith.constant 640 : i32
    %mul3A_0 = arith.muli %arg1, %mul3A : i32
    "tpu.region"() ({
      %run_scoped3A = tpu.sem_alloc : memref<!tpu.dma_semaphore, #tpu.memory_space<semaphore_mem>>
      %dma_start3A = arith.constant 0 : i32
      %dma_start3A_11 = tpu.memref_slice %arg11[%mul3A_0, %dma_start3A] : memref<10240x128xf32, #tpu.memory_space<vmem_shared>> -> memref<640x128xf32, #tpu.memory_space<vmem_shared>>
      tpu.enqueue_dma source(%arg5 : memref<640x128xf32, #tpu.memory_space<hbm>>) target(%dma_start3A_11 : memref<640x128xf32, #tpu.memory_space<vmem_shared>>) target_semaphore(%run_scoped3A : memref<!tpu.dma_semaphore, #tpu.memory_space<semaphore_mem>>)
      %dma_wait3A = arith.constant 0 : i32
      %dma_wait3A_12 = tpu.memref_slice %arg11[%mul3A_0, %dma_wait3A] : memref<10240x128xf32, #tpu.memory_space<vmem_shared>> -> memref<640x128xf32, #tpu.memory_space<vmem_shared>>
      tpu.wait_dma2 semaphore(%run_scoped3A : memref<!tpu.dma_semaphore, #tpu.memory_space<semaphore_mem>>) src(%arg5 : memref<640x128xf32, #tpu.memory_space<hbm>>) dst(%dma_wait3A_12 : memref<640x128xf32, #tpu.memory_space<vmem_shared>>)
      tpu.yield
    }) : () -> ()
    %barrier3A = arith.constant 0 : index
    tpu.barrier barrier_id(%barrier3A)
    %scan3A = arith.constant 0 : i32
    %scan3A_1 = arith.constant 0 : i32
    %scan3A_2 = arith.constant 10 : i32
    %scan3A_3 = arith.addi %scan3A_1, %scan3A_2 : i32
    %scan3A_4 = arith.constant 1 : i32
    scf.for %scan3A_11 = %scan3A_1 to %scan3A_3 step %scan3A_4  : i32 {
      %mul3A_12 = arith.constant 16 : i32
      %mul3A_13 = arith.muli %scan3A_11, %mul3A_12 : i32
      "tpu.region"() ({
        %run_scoped3A = tpu.sem_alloc : memref<!tpu.dma_semaphore, #tpu.memory_space<semaphore_mem>>
        %dma_start3A_28 = arith.constant 0 : i32
        %dma_start3A_29 = tpu.memref_slice %arg3[%arg0, %arg1, %mul3A_13, %dma_start3A_28] : memref<2x16x160x128xi32, #tpu.memory_space<hbm>> -> memref<1x1x16x128xi32, #tpu.memory_space<hbm>>
        %dma_start3A_30 = tpu.memref_squeeze %dma_start3A_29 : memref<1x1x16x128xi32, #tpu.memory_space<hbm>> -> memref<16x128xi32, #tpu.memory_space<hbm>>
        %dma_start3A_31 = arith.constant 0 : i32
        %dma_start3A_32 = tpu.memref_slice %arg3[%arg0, %arg1, %mul3A_13, %dma_start3A_31] : memref<2x16x160x128xi32, #tpu.memory_space<hbm>> -> memref<1x1x16x128xi32, #tpu.memory_space<hbm>>
        %dma_start3A_33 = tpu.memref_squeeze %dma_start3A_32 : memref<1x1x16x128xi32, #tpu.memory_space<hbm>> -> memref<16x128xi32, #tpu.memory_space<hbm>>
        tpu.enqueue_dma source(%dma_start3A_33 : memref<16x128xi32, #tpu.memory_space<hbm>>) target(%arg7 : memref<16x128xi32, #tpu.memory_space<vmem>>) target_semaphore(%run_scoped3A : memref<!tpu.dma_semaphore, #tpu.memory_space<semaphore_mem>>)
        %dma_wait3A = arith.constant 0 : i32
        %dma_wait3A_34 = tpu.memref_slice %arg3[%arg0, %arg1, %mul3A_13, %dma_wait3A] : memref<2x16x160x128xi32, #tpu.memory_space<hbm>> -> memref<1x1x16x128xi32, #tpu.memory_space<hbm>>
        %dma_wait3A_35 = tpu.memref_squeeze %dma_wait3A_34 : memref<1x1x16x128xi32, #tpu.memory_space<hbm>> -> memref<16x128xi32, #tpu.memory_space<hbm>>
        %dma_wait3A_36 = arith.constant 0 : i32
        %dma_wait3A_37 = tpu.memref_slice %arg3[%arg0, %arg1, %mul3A_13, %dma_wait3A_36] : memref<2x16x160x128xi32, #tpu.memory_space<hbm>> -> memref<1x1x16x128xi32, #tpu.memory_space<hbm>>
        %dma_wait3A_38 = tpu.memref_squeeze %dma_wait3A_37 : memref<1x1x16x128xi32, #tpu.memory_space<hbm>> -> memref<16x128xi32, #tpu.memory_space<hbm>>
        tpu.wait_dma2 semaphore(%run_scoped3A : memref<!tpu.dma_semaphore, #tpu.memory_space<semaphore_mem>>) src(%dma_wait3A_38 : memref<16x128xi32, #tpu.memory_space<hbm>>) dst(%arg7 : memref<16x128xi32, #tpu.memory_space<vmem>>)
        tpu.yield
      }) : () -> ()
      %mul3A_14 = arith.constant 16 : i32
      %mul3A_15 = arith.muli %scan3A_11, %mul3A_14 : i32
      "tpu.region"() ({
        %run_scoped3A = tpu.sem_alloc : memref<!tpu.dma_semaphore, #tpu.memory_space<semaphore_mem>>
        %dma_start3A_28 = arith.constant 0 : i32
        %dma_start3A_29 = tpu.memref_slice %arg4[%arg1, %mul3A_15, %dma_start3A_28] : memref<16x160x128xi32, #tpu.memory_space<hbm>> -> memref<1x16x128xi32, #tpu.memory_space<hbm>>
        %dma_start3A_30 = tpu.memref_squeeze %dma_start3A_29 : memref<1x16x128xi32, #tpu.memory_space<hbm>> -> memref<16x128xi32, #tpu.memory_space<hbm>>
        %dma_start3A_31 = arith.constant 0 : i32
        %dma_start3A_32 = tpu.memref_slice %arg4[%arg1, %mul3A_15, %dma_start3A_31] : memref<16x160x128xi32, #tpu.memory_space<hbm>> -> memref<1x16x128xi32, #tpu.memory_space<hbm>>
        %dma_start3A_33 = tpu.memref_squeeze %dma_start3A_32 : memref<1x16x128xi32, #tpu.memory_space<hbm>> -> memref<16x128xi32, #tpu.memory_space<hbm>>
        tpu.enqueue_dma source(%dma_start3A_33 : memref<16x128xi32, #tpu.memory_space<hbm>>) target(%arg8 : memref<16x128xi32, #tpu.memory_space<vmem>>) target_semaphore(%run_scoped3A : memref<!tpu.dma_semaphore, #tpu.memory_space<semaphore_mem>>)
        %dma_wait3A = arith.constant 0 : i32
        %dma_wait3A_34 = tpu.memref_slice %arg4[%arg1, %mul3A_15, %dma_wait3A] : memref<16x160x128xi32, #tpu.memory_space<hbm>> -> memref<1x16x128xi32, #tpu.memory_space<hbm>>
        %dma_wait3A_35 = tpu.memref_squeeze %dma_wait3A_34 : memref<1x16x128xi32, #tpu.memory_space<hbm>> -> memref<16x128xi32, #tpu.memory_space<hbm>>
        %dma_wait3A_36 = arith.constant 0 : i32
        %dma_wait3A_37 = tpu.memref_slice %arg4[%arg1, %mul3A_15, %dma_wait3A_36] : memref<16x160x128xi32, #tpu.memory_space<hbm>> -> memref<1x16x128xi32, #tpu.memory_space<hbm>>
        %dma_wait3A_38 = tpu.memref_squeeze %dma_wait3A_37 : memref<1x16x128xi32, #tpu.memory_space<hbm>> -> memref<16x128xi32, #tpu.memory_space<hbm>>
        tpu.wait_dma2 semaphore(%run_scoped3A : memref<!tpu.dma_semaphore, #tpu.memory_space<semaphore_mem>>) src(%dma_wait3A_38 : memref<16x128xi32, #tpu.memory_space<hbm>>) dst(%arg8 : memref<16x128xi32, #tpu.memory_space<vmem>>)
        tpu.yield
      }) : () -> ()
      %dma_start3A = arith.constant 0 : i32
      %dma_start3A_16 = arith.constant 0 : i32
      %dma_start3A_17 = tpu.memref_slice %arg7[%dma_start3A, %dma_start3A_16] : memref<16x128xi32, #tpu.memory_space<vmem>> -> memref<1x128xi32, #tpu.memory_space<vmem>>
      %dma_start3A_18 = tpu.memref_squeeze %dma_start3A_17 : memref<1x128xi32, #tpu.memory_space<vmem>> -> memref<128xi32, #tpu.memory_space<vmem>>
      %dma_start3A_19 = arith.constant 0 : i32
      %dma_start3A_20 = arith.constant 0 : i32
      %dma_start3A_21 = tpu.memref_slice %arg2[%dma_start3A_19, %dma_start3A_20] : memref<20000x128xf32, #tpu.memory_space<hbm>> -> memref<20000x128xf32, #tpu.memory_space<hbm>>
      tpu.enqueue_indirect_dma source(%dma_start3A_21 : memref<20000x128xf32, #tpu.memory_space<hbm>>) target(%arg9 : memref<128x128xf32, #tpu.memory_space<vmem>>) offsets(%dma_start3A_18 : memref<128xi32, #tpu.memory_space<vmem>>) semaphore(%arg12 : memref<!tpu.dma_semaphore, #tpu.memory_space<semaphore_mem>>)
      %scan3A_22 = arith.constant 0 : i32
      %scan3A_23 = arith.constant 0 : i32
      %scan3A_24 = arith.constant 8 : i32
      %scan3A_25 = arith.addi %scan3A_23, %scan3A_24 : i32
      %scan3A_26 = arith.constant 1 : i32
      scf.for %scan3A_28 = %scan3A_23 to %scan3A_25 step %scan3A_26  : i32 {
        %mul3A_29 = arith.constant 2 : i32
        %mul3A_30 = arith.muli %mul3A_29, %scan3A_28 : i32
        %dma_wait3A = arith.constant 0 : i32
        %dma_wait3A_31 = arith.constant 0 : i32
        %dma_wait3A_32 = tpu.memref_slice %arg7[%dma_wait3A, %dma_wait3A_31] : memref<16x128xi32, #tpu.memory_space<vmem>> -> memref<1x128xi32, #tpu.memory_space<vmem>>
        %dma_wait3A_33 = tpu.memref_squeeze %dma_wait3A_32 : memref<1x128xi32, #tpu.memory_space<vmem>> -> memref<128xi32, #tpu.memory_space<vmem>>
        %dma_wait3A_34 = arith.constant 0 : i32
        %dma_wait3A_35 = arith.constant 0 : i32
        %dma_wait3A_36 = tpu.memref_slice %arg2[%dma_wait3A_34, %dma_wait3A_35] : memref<20000x128xf32, #tpu.memory_space<hbm>> -> memref<20000x128xf32, #tpu.memory_space<hbm>>
        tpu.wait_indirect_dma semaphore(%arg12 : memref<!tpu.dma_semaphore, #tpu.memory_space<semaphore_mem>>) src(%dma_wait3A_36 : memref<20000x128xf32, #tpu.memory_space<hbm>>) dst(%arg9 : memref<128x128xf32, #tpu.memory_space<vmem>>)
        %add3A = arith.constant 1 : i32
        %add3A_37 = arith.addi %mul3A_30, %add3A : i32
        %dma_start3A_38 = arith.constant 0 : i32
        %dma_start3A_39 = tpu.memref_slice %arg7[%add3A_37, %dma_start3A_38] : memref<16x128xi32, #tpu.memory_space<vmem>> -> memref<1x128xi32, #tpu.memory_space<vmem>>
        %dma_start3A_40 = tpu.memref_squeeze %dma_start3A_39 : memref<1x128xi32, #tpu.memory_space<vmem>> -> memref<128xi32, #tpu.memory_space<vmem>>
        %dma_start3A_41 = arith.constant 0 : i32
        %dma_start3A_42 = arith.constant 0 : i32
        %dma_start3A_43 = tpu.memref_slice %arg2[%dma_start3A_41, %dma_start3A_42] : memref<20000x128xf32, #tpu.memory_space<hbm>> -> memref<20000x128xf32, #tpu.memory_space<hbm>>
        tpu.enqueue_indirect_dma source(%dma_start3A_43 : memref<20000x128xf32, #tpu.memory_space<hbm>>) target(%arg10 : memref<128x128xf32, #tpu.memory_space<vmem>>) offsets(%dma_start3A_40 : memref<128xi32, #tpu.memory_space<vmem>>) semaphore(%arg12 : memref<!tpu.dma_semaphore, #tpu.memory_space<semaphore_mem>>)
        "tpu.region"() ({
          %run_scoped3A = tpu.sem_alloc : memref<!tpu.dma_semaphore, #tpu.memory_space<semaphore_mem>>
          %dma_start3A_57 = arith.constant 0 : i32
          %dma_start3A_58 = tpu.memref_slice %arg8[%mul3A_30, %dma_start3A_57] : memref<16x128xi32, #tpu.memory_space<vmem>> -> memref<1x128xi32, #tpu.memory_space<vmem>>
          %dma_start3A_59 = tpu.memref_squeeze %dma_start3A_58 : memref<1x128xi32, #tpu.memory_space<vmem>> -> memref<128xi32, #tpu.memory_space<vmem>>
          %dma_start3A_60 = arith.constant 0 : i32
          %dma_start3A_61 = arith.constant 0 : i32
          %dma_start3A_62 = tpu.memref_slice %arg11[%dma_start3A_60, %dma_start3A_61] : memref<10240x128xf32, #tpu.memory_space<vmem_shared>> -> memref<10240x128xf32, #tpu.memory_space<vmem_shared>>
          tpu.enqueue_indirect_dma source(%arg9 : memref<128x128xf32, #tpu.memory_space<vmem>>) target(%dma_start3A_62 : memref<10240x128xf32, #tpu.memory_space<vmem_shared>>) offsets(%dma_start3A_59 : memref<128xi32, #tpu.memory_space<vmem>>) semaphore(%run_scoped3A : memref<!tpu.dma_semaphore, #tpu.memory_space<semaphore_mem>>) {add = true}
          %dma_wait3A_63 = arith.constant 0 : i32
          %dma_wait3A_64 = tpu.memref_slice %arg8[%mul3A_30, %dma_wait3A_63] : memref<16x128xi32, #tpu.memory_space<vmem>> -> memref<1x128xi32, #tpu.memory_space<vmem>>
          %dma_wait3A_65 = tpu.memref_squeeze %dma_wait3A_64 : memref<1x128xi32, #tpu.memory_space<vmem>> -> memref<128xi32, #tpu.memory_space<vmem>>
          %dma_wait3A_66 = arith.constant 0 : i32
          %dma_wait3A_67 = arith.constant 0 : i32
          %dma_wait3A_68 = tpu.memref_slice %arg11[%dma_wait3A_66, %dma_wait3A_67] : memref<10240x128xf32, #tpu.memory_space<vmem_shared>> -> memref<10240x128xf32, #tpu.memory_space<vmem_shared>>
          tpu.wait_indirect_dma semaphore(%run_scoped3A : memref<!tpu.dma_semaphore, #tpu.memory_space<semaphore_mem>>) src(%arg9 : memref<128x128xf32, #tpu.memory_space<vmem>>) dst(%dma_wait3A_68 : memref<10240x128xf32, #tpu.memory_space<vmem_shared>>)
          tpu.yield
        }) : () -> ()
        %dma_wait3A_44 = arith.constant 0 : i32
        %dma_wait3A_45 = arith.constant 0 : i32
        %dma_wait3A_46 = tpu.memref_slice %arg7[%dma_wait3A_44, %dma_wait3A_45] : memref<16x128xi32, #tpu.memory_space<vmem>> -> memref<1x128xi32, #tpu.memory_space<vmem>>
        %dma_wait3A_47 = tpu.memref_squeeze %dma_wait3A_46 : memref<1x128xi32, #tpu.memory_space<vmem>> -> memref<128xi32, #tpu.memory_space<vmem>>
        %dma_wait3A_48 = arith.constant 0 : i32
        %dma_wait3A_49 = arith.constant 0 : i32
        %dma_wait3A_50 = tpu.memref_slice %arg2[%dma_wait3A_48, %dma_wait3A_49] : memref<20000x128xf32, #tpu.memory_space<hbm>> -> memref<20000x128xf32, #tpu.memory_space<hbm>>
        tpu.wait_indirect_dma semaphore(%arg12 : memref<!tpu.dma_semaphore, #tpu.memory_space<semaphore_mem>>) src(%dma_wait3A_50 : memref<20000x128xf32, #tpu.memory_space<hbm>>) dst(%arg10 : memref<128x128xf32, #tpu.memory_space<vmem>>)
        %add3A_51 = arith.constant 1 : i32
        %add3A_52 = arith.addi %scan3A_28, %add3A_51 : i32
        %lt3A = arith.constant 8 : i32
        %lt3A_53 = arith.cmpi slt, %add3A_52, %lt3A : i32
        %convert_element_type3A = arith.extui %lt3A_53 : i1 to i32
        %cond3A = arith.constant 0 : i32
        %cond3A_54 = arith.cmpi ne, %convert_element_type3A, %cond3A : i32
        scf.if %cond3A_54 {
          %add3A_57 = arith.constant 2 : i32
          %add3A_58 = arith.addi %mul3A_30, %add3A_57 : i32
          %dma_start3A_59 = arith.constant 0 : i32
          %dma_start3A_60 = tpu.memref_slice %arg7[%add3A_58, %dma_start3A_59] : memref<16x128xi32, #tpu.memory_space<vmem>> -> memref<1x128xi32, #tpu.memory_space<vmem>>
          %dma_start3A_61 = tpu.memref_squeeze %dma_start3A_60 : memref<1x128xi32, #tpu.memory_space<vmem>> -> memref<128xi32, #tpu.memory_space<vmem>>
          %dma_start3A_62 = arith.constant 0 : i32
          %dma_start3A_63 = arith.constant 0 : i32
          %dma_start3A_64 = tpu.memref_slice %arg2[%dma_start3A_62, %dma_start3A_63] : memref<20000x128xf32, #tpu.memory_space<hbm>> -> memref<20000x128xf32, #tpu.memory_space<hbm>>
          tpu.enqueue_indirect_dma source(%dma_start3A_64 : memref<20000x128xf32, #tpu.memory_space<hbm>>) target(%arg9 : memref<128x128xf32, #tpu.memory_space<vmem>>) offsets(%dma_start3A_61 : memref<128xi32, #tpu.memory_space<vmem>>) semaphore(%arg12 : memref<!tpu.dma_semaphore, #tpu.memory_space<semaphore_mem>>)
        } else {
        }
        %add3A_55 = arith.constant 1 : i32
        %add3A_56 = arith.addi %mul3A_30, %add3A_55 : i32
        "tpu.region"() ({
          %run_scoped3A = tpu.sem_alloc : memref<!tpu.dma_semaphore, #tpu.memory_space<semaphore_mem>>
          %dma_start3A_57 = arith.constant 0 : i32
          %dma_start3A_58 = tpu.memref_slice %arg8[%add3A_56, %dma_start3A_57] : memref<16x128xi32, #tpu.memory_space<vmem>> -> memref<1x128xi32, #tpu.memory_space<vmem>>
          %dma_start3A_59 = tpu.memref_squeeze %dma_start3A_58 : memref<1x128xi32, #tpu.memory_space<vmem>> -> memref<128xi32, #tpu.memory_space<vmem>>
          %dma_start3A_60 = arith.constant 0 : i32
          %dma_start3A_61 = arith.constant 0 : i32
          %dma_start3A_62 = tpu.memref_slice %arg11[%dma_start3A_60, %dma_start3A_61] : memref<10240x128xf32, #tpu.memory_space<vmem_shared>> -> memref<10240x128xf32, #tpu.memory_space<vmem_shared>>
          tpu.enqueue_indirect_dma source(%arg10 : memref<128x128xf32, #tpu.memory_space<vmem>>) target(%dma_start3A_62 : memref<10240x128xf32, #tpu.memory_space<vmem_shared>>) offsets(%dma_start3A_59 : memref<128xi32, #tpu.memory_space<vmem>>) semaphore(%run_scoped3A : memref<!tpu.dma_semaphore, #tpu.memory_space<semaphore_mem>>) {add = true}
          %dma_wait3A_63 = arith.constant 0 : i32
          %dma_wait3A_64 = tpu.memref_slice %arg8[%add3A_56, %dma_wait3A_63] : memref<16x128xi32, #tpu.memory_space<vmem>> -> memref<1x128xi32, #tpu.memory_space<vmem>>
          %dma_wait3A_65 = tpu.memref_squeeze %dma_wait3A_64 : memref<1x128xi32, #tpu.memory_space<vmem>> -> memref<128xi32, #tpu.memory_space<vmem>>
          %dma_wait3A_66 = arith.constant 0 : i32
          %dma_wait3A_67 = arith.constant 0 : i32
          %dma_wait3A_68 = tpu.memref_slice %arg11[%dma_wait3A_66, %dma_wait3A_67] : memref<10240x128xf32, #tpu.memory_space<vmem_shared>> -> memref<10240x128xf32, #tpu.memory_space<vmem_shared>>
          tpu.wait_indirect_dma semaphore(%run_scoped3A : memref<!tpu.dma_semaphore, #tpu.memory_space<semaphore_mem>>) src(%arg10 : memref<128x128xf32, #tpu.memory_space<vmem>>) dst(%dma_wait3A_68 : memref<10240x128xf32, #tpu.memory_space<vmem_shared>>)
          tpu.yield
        }) : () -> ()
      }
      %scan3A_27 = arith.constant 8 : i32
    }
    %scan3A_5 = arith.constant 10 : i32
    %barrier3A_6 = arith.constant 0 : index
    tpu.barrier barrier_id(%barrier3A_6)
    %mul3A_7 = arith.constant 640 : i32
    %mul3A_8 = arith.muli %arg1, %mul3A_7 : i32
    %mul3A_9 = arith.constant 640 : i32
    %mul3A_10 = arith.muli %arg1, %mul3A_9 : i32
    "tpu.region"() ({
      %run_scoped3A = tpu.sem_alloc : memref<!tpu.dma_semaphore, #tpu.memory_space<semaphore_mem>>
      %dma_start3A = arith.constant 0 : i32
      %dma_start3A_11 = arith.constant 0 : i32
      %dma_start3A_12 = tpu.memref_slice %arg6[%arg0, %dma_start3A, %dma_start3A_11] : memref<2x10240x128xf32, #tpu.memory_space<hbm>> -> memref<1x10240x128xf32, #tpu.memory_space<hbm>>
      %dma_start3A_13 = tpu.memref_squeeze %dma_start3A_12 : memref<1x10240x128xf32, #tpu.memory_space<hbm>> -> memref<10240x128xf32, #tpu.memory_space<hbm>>
      %dma_start3A_14 = arith.constant 0 : i32
      %dma_start3A_15 = tpu.memref_slice %dma_start3A_13[%mul3A_10, %dma_start3A_14] : memref<10240x128xf32, #tpu.memory_space<hbm>> -> memref<640x128xf32, #tpu.memory_space<hbm>>
      %dma_start3A_16 = arith.constant 0 : i32
      %dma_start3A_17 = tpu.memref_slice %arg11[%mul3A_8, %dma_start3A_16] : memref<10240x128xf32, #tpu.memory_space<vmem_shared>> -> memref<640x128xf32, #tpu.memory_space<vmem_shared>>
      tpu.enqueue_dma source(%dma_start3A_17 : memref<640x128xf32, #tpu.memory_space<vmem_shared>>) target(%dma_start3A_15 : memref<640x128xf32, #tpu.memory_space<hbm>>) target_semaphore(%run_scoped3A : memref<!tpu.dma_semaphore, #tpu.memory_space<semaphore_mem>>)
      %dma_wait3A = arith.constant 0 : i32
      %dma_wait3A_18 = arith.constant 0 : i32
      %dma_wait3A_19 = tpu.memref_slice %arg6[%arg0, %dma_wait3A, %dma_wait3A_18] : memref<2x10240x128xf32, #tpu.memory_space<hbm>> -> memref<1x10240x128xf32, #tpu.memory_space<hbm>>
      %dma_wait3A_20 = tpu.memref_squeeze %dma_wait3A_19 : memref<1x10240x128xf32, #tpu.memory_space<hbm>> -> memref<10240x128xf32, #tpu.memory_space<hbm>>
      %dma_wait3A_21 = arith.constant 0 : i32
      %dma_wait3A_22 = tpu.memref_slice %dma_wait3A_20[%mul3A_10, %dma_wait3A_21] : memref<10240x128xf32, #tpu.memory_space<hbm>> -> memref<640x128xf32, #tpu.memory_space<hbm>>
      %dma_wait3A_23 = arith.constant 0 : i32
      %dma_wait3A_24 = tpu.memref_slice %arg11[%mul3A_8, %dma_wait3A_23] : memref<10240x128xf32, #tpu.memory_space<vmem_shared>> -> memref<640x128xf32, #tpu.memory_space<vmem_shared>>
      tpu.wait_dma2 semaphore(%run_scoped3A : memref<!tpu.dma_semaphore, #tpu.memory_space<semaphore_mem>>) src(%dma_wait3A_24 : memref<640x128xf32, #tpu.memory_space<vmem_shared>>) dst(%dma_wait3A_22 : memref<640x128xf32, #tpu.memory_space<hbm>>)
      tpu.yield
    }) : () -> ()
    return
  }
}

#map = affine_map<(d0, d1) -> (0, 0, 0, 0)>
#map1 = affine_map<(d0, d1) -> (0, 0)>
#map2 = affine_map<(d0, d1) -> (0, 0, 0)>
module attributes {stable_mosaic.version = 14 : i64} {
  func.func @k(%arg0: i32, %arg1: i32, %arg2: memref<2x16x79x128xi32, #tpu.memory_space<hbm>>, %arg3: memref<128x16xf32, #tpu.memory_space<hbm>>, %arg4: memref<640x16xf32, #tpu.memory_space<hbm>>, %arg5: memref<2x10240x16xf32, #tpu.memory_space<hbm>>, %arg6: memref<79x128xi32, #tpu.memory_space<vmem>>, %arg7: memref<128x16xf32, #tpu.memory_space<vmem>>, %arg8: memref<10240x16xf32, #tpu.memory_space<vmem_shared>>) attributes {dimension_semantics = [#tpu.dimension_semantics<core_parallel>, #tpu.dimension_semantics<subcore_parallel>], iteration_bounds = array<i64: 2, 16>, scalar_prefetch = 0 : i64, scratch_operands = 3 : i64, tpu.core_type = #tpu.core_type<sc_vector_subcore>, window_params = [{transform_indices = #map}, {transform_indices = #map1}, {transform_indices = #map1}, {transform_indices = #map2}]} {
    %mul3A = arith.constant 640 : i32
    %mul3A_0 = arith.muli %arg1, %mul3A : i32
    "tpu.region"() ({
      %run_scoped3A = tpu.sem_alloc : memref<!tpu.dma_semaphore, #tpu.memory_space<semaphore_mem>>
      %dma_start3A = arith.constant 0 : i32
      %dma_start3A_11 = tpu.memref_slice %arg8[%mul3A_0, %dma_start3A] : memref<10240x16xf32, #tpu.memory_space<vmem_shared>> -> memref<640x16xf32, #tpu.memory_space<vmem_shared>>
      tpu.enqueue_dma source(%arg4 : memref<640x16xf32, #tpu.memory_space<hbm>>) target(%dma_start3A_11 : memref<640x16xf32, #tpu.memory_space<vmem_shared>>) target_semaphore(%run_scoped3A : memref<!tpu.dma_semaphore, #tpu.memory_space<semaphore_mem>>)
      %dma_wait3A = arith.constant 0 : i32
      %dma_wait3A_12 = tpu.memref_slice %arg8[%mul3A_0, %dma_wait3A] : memref<10240x16xf32, #tpu.memory_space<vmem_shared>> -> memref<640x16xf32, #tpu.memory_space<vmem_shared>>
      tpu.wait_dma2 semaphore(%run_scoped3A : memref<!tpu.dma_semaphore, #tpu.memory_space<semaphore_mem>>) src(%arg4 : memref<640x16xf32, #tpu.memory_space<hbm>>) dst(%dma_wait3A_12 : memref<640x16xf32, #tpu.memory_space<vmem_shared>>)
      tpu.yield
    }) : () -> ()
    "tpu.region"() ({
      %run_scoped3A = tpu.sem_alloc : memref<!tpu.dma_semaphore, #tpu.memory_space<semaphore_mem>>
      %dma_start3A = arith.constant 0 : i32
      %dma_start3A_11 = arith.constant 0 : i32
      %dma_start3A_12 = tpu.memref_slice %arg2[%arg0, %arg1, %dma_start3A, %dma_start3A_11] : memref<2x16x79x128xi32, #tpu.memory_space<hbm>> -> memref<1x1x79x128xi32, #tpu.memory_space<hbm>>
      %dma_start3A_13 = tpu.memref_squeeze %dma_start3A_12 : memref<1x1x79x128xi32, #tpu.memory_space<hbm>> -> memref<79x128xi32, #tpu.memory_space<hbm>>
      %dma_start3A_14 = arith.constant 0 : i32
      %dma_start3A_15 = arith.constant 0 : i32
      %dma_start3A_16 = tpu.memref_slice %arg2[%arg0, %arg1, %dma_start3A_14, %dma_start3A_15] : memref<2x16x79x128xi32, #tpu.memory_space<hbm>> -> memref<1x1x79x128xi32, #tpu.memory_space<hbm>>
      %dma_start3A_17 = tpu.memref_squeeze %dma_start3A_16 : memref<1x1x79x128xi32, #tpu.memory_space<hbm>> -> memref<79x128xi32, #tpu.memory_space<hbm>>
      tpu.enqueue_dma source(%dma_start3A_17 : memref<79x128xi32, #tpu.memory_space<hbm>>) target(%arg6 : memref<79x128xi32, #tpu.memory_space<vmem>>) target_semaphore(%run_scoped3A : memref<!tpu.dma_semaphore, #tpu.memory_space<semaphore_mem>>)
      %dma_wait3A = arith.constant 0 : i32
      %dma_wait3A_18 = arith.constant 0 : i32
      %dma_wait3A_19 = tpu.memref_slice %arg2[%arg0, %arg1, %dma_wait3A, %dma_wait3A_18] : memref<2x16x79x128xi32, #tpu.memory_space<hbm>> -> memref<1x1x79x128xi32, #tpu.memory_space<hbm>>
      %dma_wait3A_20 = tpu.memref_squeeze %dma_wait3A_19 : memref<1x1x79x128xi32, #tpu.memory_space<hbm>> -> memref<79x128xi32, #tpu.memory_space<hbm>>
      %dma_wait3A_21 = arith.constant 0 : i32
      %dma_wait3A_22 = arith.constant 0 : i32
      %dma_wait3A_23 = tpu.memref_slice %arg2[%arg0, %arg1, %dma_wait3A_21, %dma_wait3A_22] : memref<2x16x79x128xi32, #tpu.memory_space<hbm>> -> memref<1x1x79x128xi32, #tpu.memory_space<hbm>>
      %dma_wait3A_24 = tpu.memref_squeeze %dma_wait3A_23 : memref<1x1x79x128xi32, #tpu.memory_space<hbm>> -> memref<79x128xi32, #tpu.memory_space<hbm>>
      tpu.wait_dma2 semaphore(%run_scoped3A : memref<!tpu.dma_semaphore, #tpu.memory_space<semaphore_mem>>) src(%dma_wait3A_24 : memref<79x128xi32, #tpu.memory_space<hbm>>) dst(%arg6 : memref<79x128xi32, #tpu.memory_space<vmem>>)
      tpu.yield
    }) : () -> ()
    "tpu.region"() ({
      %run_scoped3A = tpu.sem_alloc : memref<!tpu.dma_semaphore, #tpu.memory_space<semaphore_mem>>
      tpu.enqueue_dma source(%arg3 : memref<128x16xf32, #tpu.memory_space<hbm>>) target(%arg7 : memref<128x16xf32, #tpu.memory_space<vmem>>) target_semaphore(%run_scoped3A : memref<!tpu.dma_semaphore, #tpu.memory_space<semaphore_mem>>)
      tpu.wait_dma2 semaphore(%run_scoped3A : memref<!tpu.dma_semaphore, #tpu.memory_space<semaphore_mem>>) src(%arg3 : memref<128x16xf32, #tpu.memory_space<hbm>>) dst(%arg7 : memref<128x16xf32, #tpu.memory_space<vmem>>)
      tpu.yield
    }) : () -> ()
    %barrier3A = arith.constant 0 : index
    tpu.barrier barrier_id(%barrier3A)
    %scan3A = arith.constant 0 : i32
    %scan3A_1 = arith.constant 0 : i32
    %scan3A_2 = arith.constant 79 : i32
    %scan3A_3 = arith.addi %scan3A_1, %scan3A_2 : i32
    %scan3A_4 = arith.constant 1 : i32
    scf.for %scan3A_11 = %scan3A_1 to %scan3A_3 step %scan3A_4  : i32 {
      "tpu.region"() ({
        %run_scoped3A = tpu.sem_alloc : memref<!tpu.dma_semaphore, #tpu.memory_space<semaphore_mem>>
        %dma_start3A = arith.constant 0 : i32
        %dma_start3A_12 = tpu.memref_slice %arg6[%scan3A_11, %dma_start3A] : memref<79x128xi32, #tpu.memory_space<vmem>> -> memref<1x128xi32, #tpu.memory_space<vmem>>
        %dma_start3A_13 = tpu.memref_squeeze %dma_start3A_12 : memref<1x128xi32, #tpu.memory_space<vmem>> -> memref<128xi32, #tpu.memory_space<vmem>>
        %dma_start3A_14 = arith.constant 0 : i32
        %dma_start3A_15 = arith.constant 0 : i32
        %dma_start3A_16 = tpu.memref_slice %arg8[%dma_start3A_14, %dma_start3A_15] : memref<10240x16xf32, #tpu.memory_space<vmem_shared>> -> memref<10240x16xf32, #tpu.memory_space<vmem_shared>>
        tpu.enqueue_indirect_dma source(%arg7 : memref<128x16xf32, #tpu.memory_space<vmem>>) target(%dma_start3A_16 : memref<10240x16xf32, #tpu.memory_space<vmem_shared>>) offsets(%dma_start3A_13 : memref<128xi32, #tpu.memory_space<vmem>>) semaphore(%run_scoped3A : memref<!tpu.dma_semaphore, #tpu.memory_space<semaphore_mem>>) {add = true}
        %dma_wait3A = arith.constant 0 : i32
        %dma_wait3A_17 = tpu.memref_slice %arg6[%scan3A_11, %dma_wait3A] : memref<79x128xi32, #tpu.memory_space<vmem>> -> memref<1x128xi32, #tpu.memory_space<vmem>>
        %dma_wait3A_18 = tpu.memref_squeeze %dma_wait3A_17 : memref<1x128xi32, #tpu.memory_space<vmem>> -> memref<128xi32, #tpu.memory_space<vmem>>
        %dma_wait3A_19 = arith.constant 0 : i32
        %dma_wait3A_20 = arith.constant 0 : i32
        %dma_wait3A_21 = tpu.memref_slice %arg8[%dma_wait3A_19, %dma_wait3A_20] : memref<10240x16xf32, #tpu.memory_space<vmem_shared>> -> memref<10240x16xf32, #tpu.memory_space<vmem_shared>>
        tpu.wait_indirect_dma semaphore(%run_scoped3A : memref<!tpu.dma_semaphore, #tpu.memory_space<semaphore_mem>>) src(%arg7 : memref<128x16xf32, #tpu.memory_space<vmem>>) dst(%dma_wait3A_21 : memref<10240x16xf32, #tpu.memory_space<vmem_shared>>)
        tpu.yield
      }) : () -> ()
    }
    %scan3A_5 = arith.constant 79 : i32
    %barrier3A_6 = arith.constant 0 : index
    tpu.barrier barrier_id(%barrier3A_6)
    %mul3A_7 = arith.constant 640 : i32
    %mul3A_8 = arith.muli %arg1, %mul3A_7 : i32
    %mul3A_9 = arith.constant 640 : i32
    %mul3A_10 = arith.muli %arg1, %mul3A_9 : i32
    "tpu.region"() ({
      %run_scoped3A = tpu.sem_alloc : memref<!tpu.dma_semaphore, #tpu.memory_space<semaphore_mem>>
      %dma_start3A = arith.constant 0 : i32
      %dma_start3A_11 = arith.constant 0 : i32
      %dma_start3A_12 = tpu.memref_slice %arg5[%arg0, %dma_start3A, %dma_start3A_11] : memref<2x10240x16xf32, #tpu.memory_space<hbm>> -> memref<1x10240x16xf32, #tpu.memory_space<hbm>>
      %dma_start3A_13 = tpu.memref_squeeze %dma_start3A_12 : memref<1x10240x16xf32, #tpu.memory_space<hbm>> -> memref<10240x16xf32, #tpu.memory_space<hbm>>
      %dma_start3A_14 = arith.constant 0 : i32
      %dma_start3A_15 = tpu.memref_slice %dma_start3A_13[%mul3A_10, %dma_start3A_14] : memref<10240x16xf32, #tpu.memory_space<hbm>> -> memref<640x16xf32, #tpu.memory_space<hbm>>
      %dma_start3A_16 = arith.constant 0 : i32
      %dma_start3A_17 = tpu.memref_slice %arg8[%mul3A_8, %dma_start3A_16] : memref<10240x16xf32, #tpu.memory_space<vmem_shared>> -> memref<640x16xf32, #tpu.memory_space<vmem_shared>>
      tpu.enqueue_dma source(%dma_start3A_17 : memref<640x16xf32, #tpu.memory_space<vmem_shared>>) target(%dma_start3A_15 : memref<640x16xf32, #tpu.memory_space<hbm>>) target_semaphore(%run_scoped3A : memref<!tpu.dma_semaphore, #tpu.memory_space<semaphore_mem>>)
      %dma_wait3A = arith.constant 0 : i32
      %dma_wait3A_18 = arith.constant 0 : i32
      %dma_wait3A_19 = tpu.memref_slice %arg5[%arg0, %dma_wait3A, %dma_wait3A_18] : memref<2x10240x16xf32, #tpu.memory_space<hbm>> -> memref<1x10240x16xf32, #tpu.memory_space<hbm>>
      %dma_wait3A_20 = tpu.memref_squeeze %dma_wait3A_19 : memref<1x10240x16xf32, #tpu.memory_space<hbm>> -> memref<10240x16xf32, #tpu.memory_space<hbm>>
      %dma_wait3A_21 = arith.constant 0 : i32
      %dma_wait3A_22 = tpu.memref_slice %dma_wait3A_20[%mul3A_10, %dma_wait3A_21] : memref<10240x16xf32, #tpu.memory_space<hbm>> -> memref<640x16xf32, #tpu.memory_space<hbm>>
      %dma_wait3A_23 = arith.constant 0 : i32
      %dma_wait3A_24 = tpu.memref_slice %arg8[%mul3A_8, %dma_wait3A_23] : memref<10240x16xf32, #tpu.memory_space<vmem_shared>> -> memref<640x16xf32, #tpu.memory_space<vmem_shared>>
      tpu.wait_dma2 semaphore(%run_scoped3A : memref<!tpu.dma_semaphore, #tpu.memory_space<semaphore_mem>>) src(%dma_wait3A_24 : memref<640x16xf32, #tpu.memory_space<vmem_shared>>) dst(%dma_wait3A_22 : memref<640x16xf32, #tpu.memory_space<hbm>>)
      tpu.yield
    }) : () -> ()
    return
  }
}

#map = affine_map<(d0, d1) -> (0, 0)>
#map1 = affine_map<(d0, d1) -> (0, 0, 0, 0)>
#map2 = affine_map<(d0, d1) -> (0, 0, 0)>
module attributes {stable_mosaic.version = 14 : i64} {
  func.func @k(%arg0: i32, %arg1: i32, %arg2: memref<20000x128xf32, #tpu.memory_space<hbm>>, %arg3: memref<2x16x160x128xi32, #tpu.memory_space<hbm>>, %arg4: memref<16x160x128xi32, #tpu.memory_space<hbm>>, %arg5: memref<640x128xf32, #tpu.memory_space<hbm>>, %arg6: memref<2x10240x128xf32, #tpu.memory_space<hbm>>, %arg7: memref<16x128xi32, #tpu.memory_space<vmem>>, %arg8: memref<16x128xi32, #tpu.memory_space<vmem>>, %arg9: memref<128x128xf32, #tpu.memory_space<vmem>>, %arg10: memref<128x128xf32, #tpu.memory_space<vmem>>, %arg11: memref<10240x128xf32, #tpu.memory_space<vmem_shared>>, %arg12: memref<!tpu.dma_semaphore, #tpu.memory_space<semaphore_mem>>) attributes {dimension_semantics = [#tpu.dimension_semantics<core_parallel>, #tpu.dimension_semantics<subcore_parallel>], iteration_bounds = array<i64: 2, 16>, scalar_prefetch = 0 : i64, scratch_operands = 6 : i64, tpu.core_type = #tpu.core_type<sc_vector_subcore>, window_params = [{transform_indices = #map}, {transform_indices = #map1}, {transform_indices = #map2}, {transform_indices = #map}, {transform_indices = #map2}]} {
    %mul3A = arith.constant 640 : i32
    %mul3A_0 = arith.muli %arg1, %mul3A : i32
    "tpu.region"() ({
      %run_scoped3A = tpu.sem_alloc : memref<!tpu.dma_semaphore, #tpu.memory_space<semaphore_mem>>
      %dma_start3A = arith.constant 0 : i32
      %dma_start3A_11 = tpu.memref_slice %arg11[%mul3A_0, %dma_start3A] : memref<10240x128xf32, #tpu.memory_space<vmem_shared>> -> memref<640x128xf32, #tpu.memory_space<vmem_shared>>
      tpu.enqueue_dma source(%arg5 : memref<640x128xf32, #tpu.memory_space<hbm>>) target(%dma_start3A_11 : memref<640x128xf32, #tpu.memory_space<vmem_shared>>) target_semaphore(%run_scoped3A : memref<!tpu.dma_semaphore, #tpu.memory_space<semaphore_mem>>)
      %dma_wait3A = arith.constant 0 : i32
      %dma_wait3A_12 = tpu.memref_slice %arg11[%mul3A_0, %dma_wait3A] : memref<10240x128xf32, #tpu.memory_space<vmem_shared>> -> memref<640x128xf32, #tpu.memory_space<vmem_shared>>
      tpu.wait_dma2 semaphore(%run_scoped3A : memref<!tpu.dma_semaphore, #tpu.memory_space<semaphore_mem>>) src(%arg5 : memref<640x128xf32, #tpu.memory_space<hbm>>) dst(%dma_wait3A_12 : memref<640x128xf32, #tpu.memory_space<vmem_shared>>)
      tpu.yield
    }) : () -> ()
    %barrier3A = arith.constant 0 : index
    tpu.barrier barrier_id(%barrier3A)
    %scan3A = arith.constant 0 : i32
    %scan3A_1 = arith.constant 0 : i32
    %scan3A_2 = arith.constant 10 : i32
    %scan3A_3 = arith.addi %scan3A_1, %scan3A_2 : i32
    %scan3A_4 = arith.constant 1 : i32
    scf.for %scan3A_11 = %scan3A_1 to %scan3A_3 step %scan3A_4  : i32 {
      %mul3A_12 = arith.constant 16 : i32
      %mul3A_13 = arith.muli %scan3A_11, %mul3A_12 : i32
      "tpu.region"() ({
        %run_scoped3A = tpu.sem_alloc : memref<!tpu.dma_semaphore, #tpu.memory_space<semaphore_mem>>
        %dma_start3A_28 = arith.constant 0 : i32
        %dma_start3A_29 = tpu.memref_slice %arg3[%arg0, %arg1, %mul3A_13, %dma_start3A_28] : memref<2x16x160x128xi32, #tpu.memory_space<hbm>> -> memref<1x1x16x128xi32, #tpu.memory_space<hbm>>
        %dma_start3A_30 = tpu.memref_squeeze %dma_start3A_29 : memref<1x1x16x128xi32, #tpu.memory_space<hbm>> -> memref<16x128xi32, #tpu.memory_space<hbm>>
        %dma_start3A_31 = arith.constant 0 : i32
        %dma_start3A_32 = tpu.memref_slice %arg3[%arg0, %arg1, %mul3A_13, %dma_start3A_31] : memref<2x16x160x128xi32, #tpu.memory_space<hbm>> -> memref<1x1x16x128xi32, #tpu.memory_space<hbm>>
        %dma_start3A_33 = tpu.memref_squeeze %dma_start3A_32 : memref<1x1x16x128xi32, #tpu.memory_space<hbm>> -> memref<16x128xi32, #tpu.memory_space<hbm>>
        tpu.enqueue_dma source(%dma_start3A_33 : memref<16x128xi32, #tpu.memory_space<hbm>>) target(%arg7 : memref<16x128xi32, #tpu.memory_space<vmem>>) target_semaphore(%run_scoped3A : memref<!tpu.dma_semaphore, #tpu.memory_space<semaphore_mem>>)
        %dma_wait3A = arith.constant 0 : i32
        %dma_wait3A_34 = tpu.memref_slice %arg3[%arg0, %arg1, %mul3A_13, %dma_wait3A] : memref<2x16x160x128xi32, #tpu.memory_space<hbm>> -> memref<1x1x16x128xi32, #tpu.memory_space<hbm>>
        %dma_wait3A_35 = tpu.memref_squeeze %dma_wait3A_34 : memref<1x1x16x128xi32, #tpu.memory_space<hbm>> -> memref<16x128xi32, #tpu.memory_space<hbm>>
        %dma_wait3A_36 = arith.constant 0 : i32
        %dma_wait3A_37 = tpu.memref_slice %arg3[%arg0, %arg1, %mul3A_13, %dma_wait3A_36] : memref<2x16x160x128xi32, #tpu.memory_space<hbm>> -> memref<1x1x16x128xi32, #tpu.memory_space<hbm>>
        %dma_wait3A_38 = tpu.memref_squeeze %dma_wait3A_37 : memref<1x1x16x128xi32, #tpu.memory_space<hbm>> -> memref<16x128xi32, #tpu.memory_space<hbm>>
        tpu.wait_dma2 semaphore(%run_scoped3A : memref<!tpu.dma_semaphore, #tpu.memory_space<semaphore_mem>>) src(%dma_wait3A_38 : memref<16x128xi32, #tpu.memory_space<hbm>>) dst(%arg7 : memref<16x128xi32, #tpu.memory_space<vmem>>)
        tpu.yield
      }) : () -> ()
      %mul3A_14 = arith.constant 16 : i32
      %mul3A_15 = arith.muli %scan3A_11, %mul3A_14 : i32
      "tpu.region"() ({
        %run_scoped3A = tpu.sem_alloc : memref<!tpu.dma_semaphore, #tpu.memory_space<semaphore_mem>>
        %dma_start3A_28 = arith.constant 0 : i32
        %dma_start3A_29 = tpu.memref_slice %arg4[%arg1, %mul3A_15, %dma_start3A_28] : memref<16x160x128xi32, #tpu.memory_space<hbm>> -> memref<1x16x128xi32, #tpu.memory_space<hbm>>
        %dma_start3A_30 = tpu.memref_squeeze %dma_start3A_29 : memref<1x16x128xi32, #tpu.memory_space<hbm>> -> memref<16x128xi32, #tpu.memory_space<hbm>>
        %dma_start3A_31 = arith.constant 0 : i32
        %dma_start3A_32 = tpu.memref_slice %arg4[%arg1, %mul3A_15, %dma_start3A_31] : memref<16x160x128xi32, #tpu.memory_space<hbm>> -> memref<1x16x128xi32, #tpu.memory_space<hbm>>
        %dma_start3A_33 = tpu.memref_squeeze %dma_start3A_32 : memref<1x16x128xi32, #tpu.memory_space<hbm>> -> memref<16x128xi32, #tpu.memory_space<hbm>>
        tpu.enqueue_dma source(%dma_start3A_33 : memref<16x128xi32, #tpu.memory_space<hbm>>) target(%arg8 : memref<16x128xi32, #tpu.memory_space<vmem>>) target_semaphore(%run_scoped3A : memref<!tpu.dma_semaphore, #tpu.memory_space<semaphore_mem>>)
        %dma_wait3A = arith.constant 0 : i32
        %dma_wait3A_34 = tpu.memref_slice %arg4[%arg1, %mul3A_15, %dma_wait3A] : memref<16x160x128xi32, #tpu.memory_space<hbm>> -> memref<1x16x128xi32, #tpu.memory_space<hbm>>
        %dma_wait3A_35 = tpu.memref_squeeze %dma_wait3A_34 : memref<1x16x128xi32, #tpu.memory_space<hbm>> -> memref<16x128xi32, #tpu.memory_space<hbm>>
        %dma_wait3A_36 = arith.constant 0 : i32
        %dma_wait3A_37 = tpu.memref_slice %arg4[%arg1, %mul3A_15, %dma_wait3A_36] : memref<16x160x128xi32, #tpu.memory_space<hbm>> -> memref<1x16x128xi32, #tpu.memory_space<hbm>>
        %dma_wait3A_38 = tpu.memref_squeeze %dma_wait3A_37 : memref<1x16x128xi32, #tpu.memory_space<hbm>> -> memref<16x128xi32, #tpu.memory_space<hbm>>
        tpu.wait_dma2 semaphore(%run_scoped3A : memref<!tpu.dma_semaphore, #tpu.memory_space<semaphore_mem>>) src(%dma_wait3A_38 : memref<16x128xi32, #tpu.memory_space<hbm>>) dst(%arg8 : memref<16x128xi32, #tpu.memory_space<vmem>>)
        tpu.yield
      }) : () -> ()
      %dma_start3A = arith.constant 0 : i32
      %dma_start3A_16 = arith.constant 0 : i32
      %dma_start3A_17 = tpu.memref_slice %arg7[%dma_start3A, %dma_start3A_16] : memref<16x128xi32, #tpu.memory_space<vmem>> -> memref<1x128xi32, #tpu.memory_space<vmem>>
      %dma_start3A_18 = tpu.memref_squeeze %dma_start3A_17 : memref<1x128xi32, #tpu.memory_space<vmem>> -> memref<128xi32, #tpu.memory_space<vmem>>
      %dma_start3A_19 = arith.constant 0 : i32
      %dma_start3A_20 = arith.constant 0 : i32
      %dma_start3A_21 = tpu.memref_slice %arg2[%dma_start3A_19, %dma_start3A_20] : memref<20000x128xf32, #tpu.memory_space<hbm>> -> memref<20000x128xf32, #tpu.memory_space<hbm>>
      tpu.enqueue_indirect_dma source(%dma_start3A_21 : memref<20000x128xf32, #tpu.memory_space<hbm>>) target(%arg9 : memref<128x128xf32, #tpu.memory_space<vmem>>) offsets(%dma_start3A_18 : memref<128xi32, #tpu.memory_space<vmem>>) semaphore(%arg12 : memref<!tpu.dma_semaphore, #tpu.memory_space<semaphore_mem>>)
      %scan3A_22 = arith.constant 0 : i32
      %scan3A_23 = arith.constant 0 : i32
      %scan3A_24 = arith.constant 8 : i32
      %scan3A_25 = arith.addi %scan3A_23, %scan3A_24 : i32
      %scan3A_26 = arith.constant 1 : i32
      scf.for %scan3A_28 = %scan3A_23 to %scan3A_25 step %scan3A_26  : i32 {
        %mul3A_29 = arith.constant 2 : i32
        %mul3A_30 = arith.muli %mul3A_29, %scan3A_28 : i32
        %dma_wait3A = arith.constant 0 : i32
        %dma_wait3A_31 = arith.constant 0 : i32
        %dma_wait3A_32 = tpu.memref_slice %arg7[%dma_wait3A, %dma_wait3A_31] : memref<16x128xi32, #tpu.memory_space<vmem>> -> memref<1x128xi32, #tpu.memory_space<vmem>>
        %dma_wait3A_33 = tpu.memref_squeeze %dma_wait3A_32 : memref<1x128xi32, #tpu.memory_space<vmem>> -> memref<128xi32, #tpu.memory_space<vmem>>
        %dma_wait3A_34 = arith.constant 0 : i32
        %dma_wait3A_35 = arith.constant 0 : i32
        %dma_wait3A_36 = tpu.memref_slice %arg2[%dma_wait3A_34, %dma_wait3A_35] : memref<20000x128xf32, #tpu.memory_space<hbm>> -> memref<20000x128xf32, #tpu.memory_space<hbm>>
        tpu.wait_indirect_dma semaphore(%arg12 : memref<!tpu.dma_semaphore, #tpu.memory_space<semaphore_mem>>) src(%dma_wait3A_36 : memref<20000x128xf32, #tpu.memory_space<hbm>>) dst(%arg9 : memref<128x128xf32, #tpu.memory_space<vmem>>)
        %add3A = arith.constant 1 : i32
        %add3A_37 = arith.addi %mul3A_30, %add3A : i32
        %dma_start3A_38 = arith.constant 0 : i32
        %dma_start3A_39 = tpu.memref_slice %arg7[%add3A_37, %dma_start3A_38] : memref<16x128xi32, #tpu.memory_space<vmem>> -> memref<1x128xi32, #tpu.memory_space<vmem>>
        %dma_start3A_40 = tpu.memref_squeeze %dma_start3A_39 : memref<1x128xi32, #tpu.memory_space<vmem>> -> memref<128xi32, #tpu.memory_space<vmem>>
        %dma_start3A_41 = arith.constant 0 : i32
        %dma_start3A_42 = arith.constant 0 : i32
        %dma_start3A_43 = tpu.memref_slice %arg2[%dma_start3A_41, %dma_start3A_42] : memref<20000x128xf32, #tpu.memory_space<hbm>> -> memref<20000x128xf32, #tpu.memory_space<hbm>>
        tpu.enqueue_indirect_dma source(%dma_start3A_43 : memref<20000x128xf32, #tpu.memory_space<hbm>>) target(%arg10 : memref<128x128xf32, #tpu.memory_space<vmem>>) offsets(%dma_start3A_40 : memref<128xi32, #tpu.memory_space<vmem>>) semaphore(%arg12 : memref<!tpu.dma_semaphore, #tpu.memory_space<semaphore_mem>>)
        "tpu.region"() ({
          %run_scoped3A = tpu.sem_alloc : memref<!tpu.dma_semaphore, #tpu.memory_space<semaphore_mem>>
          %dma_start3A_57 = arith.constant 0 : i32
          %dma_start3A_58 = tpu.memref_slice %arg8[%mul3A_30, %dma_start3A_57] : memref<16x128xi32, #tpu.memory_space<vmem>> -> memref<1x128xi32, #tpu.memory_space<vmem>>
          %dma_start3A_59 = tpu.memref_squeeze %dma_start3A_58 : memref<1x128xi32, #tpu.memory_space<vmem>> -> memref<128xi32, #tpu.memory_space<vmem>>
          %dma_start3A_60 = arith.constant 0 : i32
          %dma_start3A_61 = arith.constant 0 : i32
          %dma_start3A_62 = tpu.memref_slice %arg11[%dma_start3A_60, %dma_start3A_61] : memref<10240x128xf32, #tpu.memory_space<vmem_shared>> -> memref<10240x128xf32, #tpu.memory_space<vmem_shared>>
          tpu.enqueue_indirect_dma source(%arg9 : memref<128x128xf32, #tpu.memory_space<vmem>>) target(%dma_start3A_62 : memref<10240x128xf32, #tpu.memory_space<vmem_shared>>) offsets(%dma_start3A_59 : memref<128xi32, #tpu.memory_space<vmem>>) semaphore(%run_scoped3A : memref<!tpu.dma_semaphore, #tpu.memory_space<semaphore_mem>>) {add = true}
          %dma_wait3A_63 = arith.constant 0 : i32
          %dma_wait3A_64 = tpu.memref_slice %arg8[%mul3A_30, %dma_wait3A_63] : memref<16x128xi32, #tpu.memory_space<vmem>> -> memref<1x128xi32, #tpu.memory_space<vmem>>
          %dma_wait3A_65 = tpu.memref_squeeze %dma_wait3A_64 : memref<1x128xi32, #tpu.memory_space<vmem>> -> memref<128xi32, #tpu.memory_space<vmem>>
          %dma_wait3A_66 = arith.constant 0 : i32
          %dma_wait3A_67 = arith.constant 0 : i32
          %dma_wait3A_68 = tpu.memref_slice %arg11[%dma_wait3A_66, %dma_wait3A_67] : memref<10240x128xf32, #tpu.memory_space<vmem_shared>> -> memref<10240x128xf32, #tpu.memory_space<vmem_shared>>
          tpu.wait_indirect_dma semaphore(%run_scoped3A : memref<!tpu.dma_semaphore, #tpu.memory_space<semaphore_mem>>) src(%arg9 : memref<128x128xf32, #tpu.memory_space<vmem>>) dst(%dma_wait3A_68 : memref<10240x128xf32, #tpu.memory_space<vmem_shared>>)
          tpu.yield
        }) : () -> ()
        %dma_wait3A_44 = arith.constant 0 : i32
        %dma_wait3A_45 = arith.constant 0 : i32
        %dma_wait3A_46 = tpu.memref_slice %arg7[%dma_wait3A_44, %dma_wait3A_45] : memref<16x128xi32, #tpu.memory_space<vmem>> -> memref<1x128xi32, #tpu.memory_space<vmem>>
        %dma_wait3A_47 = tpu.memref_squeeze %dma_wait3A_46 : memref<1x128xi32, #tpu.memory_space<vmem>> -> memref<128xi32, #tpu.memory_space<vmem>>
        %dma_wait3A_48 = arith.constant 0 : i32
        %dma_wait3A_49 = arith.constant 0 : i32
        %dma_wait3A_50 = tpu.memref_slice %arg2[%dma_wait3A_48, %dma_wait3A_49] : memref<20000x128xf32, #tpu.memory_space<hbm>> -> memref<20000x128xf32, #tpu.memory_space<hbm>>
        tpu.wait_indirect_dma semaphore(%arg12 : memref<!tpu.dma_semaphore, #tpu.memory_space<semaphore_mem>>) src(%dma_wait3A_50 : memref<20000x128xf32, #tpu.memory_space<hbm>>) dst(%arg10 : memref<128x128xf32, #tpu.memory_space<vmem>>)
        %add3A_51 = arith.constant 1 : i32
        %add3A_52 = arith.addi %scan3A_28, %add3A_51 : i32
        %lt3A = arith.constant 8 : i32
        %lt3A_53 = arith.cmpi slt, %add3A_52, %lt3A : i32
        %convert_element_type3A = arith.extui %lt3A_53 : i1 to i32
        %cond3A = arith.constant 0 : i32
        %cond3A_54 = arith.cmpi ne, %convert_element_type3A, %cond3A : i32
        scf.if %cond3A_54 {
          %add3A_57 = arith.constant 2 : i32
          %add3A_58 = arith.addi %mul3A_30, %add3A_57 : i32
          %dma_start3A_59 = arith.constant 0 : i32
          %dma_start3A_60 = tpu.memref_slice %arg7[%add3A_58, %dma_start3A_59] : memref<16x128xi32, #tpu.memory_space<vmem>> -> memref<1x128xi32, #tpu.memory_space<vmem>>
          %dma_start3A_61 = tpu.memref_squeeze %dma_start3A_60 : memref<1x128xi32, #tpu.memory_space<vmem>> -> memref<128xi32, #tpu.memory_space<vmem>>
          %dma_start3A_62 = arith.constant 0 : i32
          %dma_start3A_63 = arith.constant 0 : i32
          %dma_start3A_64 = tpu.memref_slice %arg2[%dma_start3A_62, %dma_start3A_63] : memref<20000x128xf32, #tpu.memory_space<hbm>> -> memref<20000x128xf32, #tpu.memory_space<hbm>>
          tpu.enqueue_indirect_dma source(%dma_start3A_64 : memref<20000x128xf32, #tpu.memory_space<hbm>>) target(%arg9 : memref<128x128xf32, #tpu.memory_space<vmem>>) offsets(%dma_start3A_61 : memref<128xi32, #tpu.memory_space<vmem>>) semaphore(%arg12 : memref<!tpu.dma_semaphore, #tpu.memory_space<semaphore_mem>>)
        } else {
        }
        %add3A_55 = arith.constant 1 : i32
        %add3A_56 = arith.addi %mul3A_30, %add3A_55 : i32
        "tpu.region"() ({
          %run_scoped3A = tpu.sem_alloc : memref<!tpu.dma_semaphore, #tpu.memory_space<semaphore_mem>>
          %dma_start3A_57 = arith.constant 0 : i32
          %dma_start3A_58 = tpu.memref_slice %arg8[%add3A_56, %dma_start3A_57] : memref<16x128xi32, #tpu.memory_space<vmem>> -> memref<1x128xi32, #tpu.memory_space<vmem>>
          %dma_start3A_59 = tpu.memref_squeeze %dma_start3A_58 : memref<1x128xi32, #tpu.memory_space<vmem>> -> memref<128xi32, #tpu.memory_space<vmem>>
          %dma_start3A_60 = arith.constant 0 : i32
          %dma_start3A_61 = arith.constant 0 : i32
          %dma_start3A_62 = tpu.memref_slice %arg11[%dma_start3A_60, %dma_start3A_61] : memref<10240x128xf32, #tpu.memory_space<vmem_shared>> -> memref<10240x128xf32, #tpu.memory_space<vmem_shared>>
          tpu.enqueue_indirect_dma source(%arg10 : memref<128x128xf32, #tpu.memory_space<vmem>>) target(%dma_start3A_62 : memref<10240x128xf32, #tpu.memory_space<vmem_shared>>) offsets(%dma_start3A_59 : memref<128xi32, #tpu.memory_space<vmem>>) semaphore(%run_scoped3A : memref<!tpu.dma_semaphore, #tpu.memory_space<semaphore_mem>>) {add = true}
          %dma_wait3A_63 = arith.constant 0 : i32
          %dma_wait3A_64 = tpu.memref_slice %arg8[%add3A_56, %dma_wait3A_63] : memref<16x128xi32, #tpu.memory_space<vmem>> -> memref<1x128xi32, #tpu.memory_space<vmem>>
          %dma_wait3A_65 = tpu.memref_squeeze %dma_wait3A_64 : memref<1x128xi32, #tpu.memory_space<vmem>> -> memref<128xi32, #tpu.memory_space<vmem>>
          %dma_wait3A_66 = arith.constant 0 : i32
          %dma_wait3A_67 = arith.constant 0 : i32
          %dma_wait3A_68 = tpu.memref_slice %arg11[%dma_wait3A_66, %dma_wait3A_67] : memref<10240x128xf32, #tpu.memory_space<vmem_shared>> -> memref<10240x128xf32, #tpu.memory_space<vmem_shared>>
          tpu.wait_indirect_dma semaphore(%run_scoped3A : memref<!tpu.dma_semaphore, #tpu.memory_space<semaphore_mem>>) src(%arg10 : memref<128x128xf32, #tpu.memory_space<vmem>>) dst(%dma_wait3A_68 : memref<10240x128xf32, #tpu.memory_space<vmem_shared>>)
          tpu.yield
        }) : () -> ()
      }
      %scan3A_27 = arith.constant 8 : i32
    }
    %scan3A_5 = arith.constant 10 : i32
    %barrier3A_6 = arith.constant 0 : index
    tpu.barrier barrier_id(%barrier3A_6)
    %mul3A_7 = arith.constant 640 : i32
    %mul3A_8 = arith.muli %arg1, %mul3A_7 : i32
    %mul3A_9 = arith.constant 640 : i32
    %mul3A_10 = arith.muli %arg1, %mul3A_9 : i32
    "tpu.region"() ({
      %run_scoped3A = tpu.sem_alloc : memref<!tpu.dma_semaphore, #tpu.memory_space<semaphore_mem>>
      %dma_start3A = arith.constant 0 : i32
      %dma_start3A_11 = arith.constant 0 : i32
      %dma_start3A_12 = tpu.memref_slice %arg6[%arg0, %dma_start3A, %dma_start3A_11] : memref<2x10240x128xf32, #tpu.memory_space<hbm>> -> memref<1x10240x128xf32, #tpu.memory_space<hbm>>
      %dma_start3A_13 = tpu.memref_squeeze %dma_start3A_12 : memref<1x10240x128xf32, #tpu.memory_space<hbm>> -> memref<10240x128xf32, #tpu.memory_space<hbm>>
      %dma_start3A_14 = arith.constant 0 : i32
      %dma_start3A_15 = tpu.memref_slice %dma_start3A_13[%mul3A_10, %dma_start3A_14] : memref<10240x128xf32, #tpu.memory_space<hbm>> -> memref<640x128xf32, #tpu.memory_space<hbm>>
      %dma_start3A_16 = arith.constant 0 : i32
      %dma_start3A_17 = tpu.memref_slice %arg11[%mul3A_8, %dma_start3A_16] : memref<10240x128xf32, #tpu.memory_space<vmem_shared>> -> memref<640x128xf32, #tpu.memory_space<vmem_shared>>
      tpu.enqueue_dma source(%dma_start3A_17 : memref<640x128xf32, #tpu.memory_space<vmem_shared>>) target(%dma_start3A_15 : memref<640x128xf32, #tpu.memory_space<hbm>>) target_semaphore(%run_scoped3A : memref<!tpu.dma_semaphore, #tpu.memory_space<semaphore_mem>>)
      %dma_wait3A = arith.constant 0 : i32
      %dma_wait3A_18 = arith.constant 0 : i32
      %dma_wait3A_19 = tpu.memref_slice %arg6[%arg0, %dma_wait3A, %dma_wait3A_18] : memref<2x10240x128xf32, #tpu.memory_space<hbm>> -> memref<1x10240x128xf32, #tpu.memory_space<hbm>>
      %dma_wait3A_20 = tpu.memref_squeeze %dma_wait3A_19 : memref<1x10240x128xf32, #tpu.memory_space<hbm>> -> memref<10240x128xf32, #tpu.memory_space<hbm>>
      %dma_wait3A_21 = arith.constant 0 : i32
      %dma_wait3A_22 = tpu.memref_slice %dma_wait3A_20[%mul3A_10, %dma_wait3A_21] : memref<10240x128xf32, #tpu.memory_space<hbm>> -> memref<640x128xf32, #tpu.memory_space<hbm>>
      %dma_wait3A_23 = arith.constant 0 : i32
      %dma_wait3A_24 = tpu.memref_slice %arg11[%mul3A_8, %dma_wait3A_23] : memref<10240x128xf32, #tpu.memory_space<vmem_shared>> -> memref<640x128xf32, #tpu.memory_space<vmem_shared>>
      tpu.wait_dma2 semaphore(%run_scoped3A : memref<!tpu.dma_semaphore, #tpu.memory_space<semaphore_mem>>) src(%dma_wait3A_24 : memref<640x128xf32, #tpu.memory_space<vmem_shared>>) dst(%dma_wait3A_22 : memref<640x128xf32, #tpu.memory_space<hbm>>)
      tpu.yield
    }) : () -> ()
    return
  }
}

module attributes {stable_mosaic.version = 14 : i64} {
  func.func @body(%arg0: i32, %arg1: i32, %arg2: memref<1x400x128xf32, #tpu.memory_space<vmem>>, %arg3: memref<1x128x128xf32, #tpu.memory_space<vmem>>, %arg4: memref<2x400x16xf32, #tpu.memory_space<vmem>>, %arg5: memref<1x400x128xf32, #tpu.memory_space<vmem>>) attributes {dimension_semantics = [#tpu.dimension_semantics<arbitrary>, #tpu.dimension_semantics<arbitrary>], iteration_bounds = array<i64: 25, 2>, scalar_prefetch = 0 : i64, scratch_operands = 0 : i64, tpu.core_type = #tpu.core_type<tc>, window_params = [{transform_indices = @transform_0, window_bounds = array<i64: 1, 400, 128>}, {transform_indices = @transform_1, window_bounds = array<i64: 1, 128, 128>}, {transform_indices = @transform_2, window_bounds = array<i64: 2, 400, 16>}, {transform_indices = @transform_3, window_bounds = array<i64: 1, 400, 128>}]} {
    %get3A = arith.constant 0 : index
    %get3A_0 = arith.constant 0 : index
    %get3A_1 = arith.constant 0 : index
    %get3A_2 = vector.load %arg4[%get3A, %get3A_0, %get3A_1] : memref<2x400x16xf32, #tpu.memory_space<vmem>>, vector<1x400x1xf32>
    %get3A_3 = vector.shape_cast %get3A_2 : vector<1x400x1xf32> to vector<400xf32>
    %get3A_4 = arith.constant 1 : index
    %get3A_5 = arith.constant 0 : index
    %get3A_6 = arith.constant 0 : index
    %get3A_7 = vector.load %arg4[%get3A_4, %get3A_5, %get3A_6] : memref<2x400x16xf32, #tpu.memory_space<vmem>>, vector<1x400x1xf32>
    %get3A_8 = vector.shape_cast %get3A_7 : vector<1x400x1xf32> to vector<400xf32>
    %add3A = arith.addf %get3A_3, %get3A_8 : vector<400xf32>
    %add3A_9 = arith.constant 1.000000e+00 : f32
    %add3A_10 = vector.broadcast %add3A_9 : f32 to vector<400xf32>
    %add3A_11 = arith.addf %add3A, %add3A_10 : vector<400xf32>
    %rsqrt3A = math.rsqrt %add3A_11 : vector<400xf32>
    %broadcast_in_dim3A = arith.constant 0.000000e+00 : f32
    %broadcast_in_dim3A_12 = vector.broadcast %broadcast_in_dim3A : f32 to vector<400x128xf32>
    %get3A_13 = arith.constant 0 : index
    %get3A_14 = arith.constant 0 : index
    %get3A_15 = arith.constant 0 : index
    %get3A_16 = vector.load %arg2[%get3A_13, %get3A_14, %get3A_15] : memref<1x400x128xf32, #tpu.memory_space<vmem>>, vector<1x400x128xf32>
    %get3A_17 = vector.shape_cast %get3A_16 : vector<1x400x128xf32> to vector<400x128xf32>
    %get3A_18 = arith.constant 0 : index
    %get3A_19 = arith.constant 0 : index
    %get3A_20 = arith.constant 0 : index
    %get3A_21 = vector.load %arg3[%get3A_18, %get3A_19, %get3A_20] : memref<1x128x128xf32, #tpu.memory_space<vmem>>, vector<1x128x128xf32>
    %get3A_22 = vector.shape_cast %get3A_21 : vector<1x128x128xf32> to vector<128x128xf32>
    %dot_general3A = arith.constant dense<0.000000e+00> : vector<400x128xf32>
    %dot_general3A_23 = tpu.matmul %get3A_17, %get3A_22, %dot_general3A {dimension_numbers = #tpu.dot_dimension_numbers<[1], [0], [0], [1], [0, 0, 1, 1], [], []>, transpose_lhs_hint = false} : vector<400x128xf32>, vector<128x128xf32>, vector<400x128xf32> -> vector<400x128xf32>
    %add3A_24 = arith.addf %broadcast_in_dim3A_12, %dot_general3A_23 : vector<400x128xf32>
    %broadcast_in_dim3A_25 = vector.shape_cast %rsqrt3A : vector<400xf32> to vector<400x1xf32>
    %mul3A = vector.broadcast %broadcast_in_dim3A_25 : vector<400x1xf32> to vector<400x128xf32>
    %mul3A_26 = arith.mulf %add3A_24, %mul3A : vector<400x128xf32>
    %swap3A = arith.constant 0 : index
    %swap3A_27 = arith.constant 0 : index
    %swap3A_28 = arith.constant 0 : index
    %swap3A_29 = vector.load %arg5[%swap3A, %swap3A_27, %swap3A_28] : memref<1x400x128xf32, #tpu.memory_space<vmem>>, vector<1x400x128xf32>
    %swap3A_30 = vector.shape_cast %swap3A_29 : vector<1x400x128xf32> to vector<400x128xf32>
    %swap3A_31 = vector.shape_cast %mul3A_26 : vector<400x128xf32> to vector<1x400x128xf32>
    tpu.vector_store %arg5[%swap3A, %swap3A_27, %swap3A_28], %swap3A_31 {strides = array<i32>} : memref<1x400x128xf32, #tpu.memory_space<vmem>>, vector<1x400x128xf32>,
    return
  }
  func.func @transform_0(%arg0: i32, %arg1: i32) -> (i32, i32, i32) {
    %c0_i32 = arith.constant 0 : i32
    %c0_i32_0 = arith.constant 0 : i32
    %c0_i32_1 = arith.constant 0 : i32
    return %c0_i32, %arg0, %c0_i32_0 : i32, i32, i32
  }
  func.func @transform_1(%arg0: i32, %arg1: i32) -> (i32, i32, i32) {
    %c0_i32 = arith.constant 0 : i32
    %c0_i32_0 = arith.constant 0 : i32
    %c0_i32_1 = arith.constant 0 : i32
    return %c0_i32, %c0_i32_0, %arg1 : i32, i32, i32
  }
  func.func @transform_2(%arg0: i32, %arg1: i32) -> (i32, i32, i32) {
    %c0_i32 = arith.constant 0 : i32
    %c0_i32_0 = arith.constant 0 : i32
    %c0_i32_1 = arith.constant 0 : i32
    return %c0_i32, %arg0, %c0_i32_0 : i32, i32, i32
  }
  func.func @transform_3(%arg0: i32, %arg1: i32) -> (i32, i32, i32) {
    %c0_i32 = arith.constant 0 : i32
    %c0_i32_0 = arith.constant 0 : i32
    return %arg1, %arg0, %c0_i32 : i32, i32, i32
  }
}

module attributes {stable_mosaic.version = 14 : i64} {
  func.func @body(%arg0: i32, %arg1: i32, %arg2: memref<1x400x128xf32, #tpu.memory_space<vmem>>, %arg3: memref<1x400x128xf32, #tpu.memory_space<vmem>>, %arg4: memref<2x400x16xf32, #tpu.memory_space<vmem>>, %arg5: memref<1x400x128xf32, #tpu.memory_space<vmem>>, %arg6: memref<1x2x128xf32, #tpu.memory_space<vmem>>) attributes {dimension_semantics = [#tpu.dimension_semantics<arbitrary>, #tpu.dimension_semantics<arbitrary>], iteration_bounds = array<i64: 2, 25>, scalar_prefetch = 0 : i64, scratch_operands = 0 : i64, tpu.core_type = #tpu.core_type<tc>, window_params = [{transform_indices = @transform_0, window_bounds = array<i64: 1, 400, 128>}, {transform_indices = @transform_1, window_bounds = array<i64: 1, 400, 128>}, {transform_indices = @transform_2, window_bounds = array<i64: 2, 400, 16>}, {transform_indices = @transform_3, window_bounds = array<i64: 1, 400, 128>}, {transform_indices = @transform_4, window_bounds = array<i64: 1, 2, 128>}]} {
    %get3A = arith.constant 0 : index
    %get3A_0 = arith.constant 0 : index
    %get3A_1 = arith.constant 0 : index
    %get3A_2 = vector.load %arg4[%get3A, %get3A_0, %get3A_1] : memref<2x400x16xf32, #tpu.memory_space<vmem>>, vector<1x400x1xf32>
    %get3A_3 = vector.shape_cast %get3A_2 : vector<1x400x1xf32> to vector<400xf32>
    %get3A_4 = arith.constant 1 : index
    %get3A_5 = arith.constant 0 : index
    %get3A_6 = arith.constant 0 : index
    %get3A_7 = vector.load %arg4[%get3A_4, %get3A_5, %get3A_6] : memref<2x400x16xf32, #tpu.memory_space<vmem>>, vector<1x400x1xf32>
    %get3A_8 = vector.shape_cast %get3A_7 : vector<1x400x1xf32> to vector<400xf32>
    %add3A = arith.addf %get3A_3, %get3A_8 : vector<400xf32>
    %add3A_9 = arith.constant 1.000000e+00 : f32
    %add3A_10 = vector.broadcast %add3A_9 : f32 to vector<400xf32>
    %add3A_11 = arith.addf %add3A, %add3A_10 : vector<400xf32>
    %rsqrt3A = math.rsqrt %add3A_11 : vector<400xf32>
    %get3A_12 = arith.constant 0 : index
    %get3A_13 = arith.constant 0 : index
    %get3A_14 = arith.constant 0 : index
    %get3A_15 = vector.load %arg2[%get3A_12, %get3A_13, %get3A_14] : memref<1x400x128xf32, #tpu.memory_space<vmem>>, vector<1x400x128xf32>
    %get3A_16 = vector.shape_cast %get3A_15 : vector<1x400x128xf32> to vector<400x128xf32>
    %get3A_17 = arith.constant 0 : index
    %get3A_18 = arith.constant 0 : index
    %get3A_19 = arith.constant 0 : index
    %get3A_20 = vector.load %arg3[%get3A_17, %get3A_18, %get3A_19] : memref<1x400x128xf32, #tpu.memory_space<vmem>>, vector<1x400x128xf32>
    %get3A_21 = vector.shape_cast %get3A_20 : vector<1x400x128xf32> to vector<400x128xf32>
    %add3A_22 = arith.addf %get3A_16, %get3A_21 : vector<400x128xf32>
    %broadcast_in_dim3A = vector.shape_cast %rsqrt3A : vector<400xf32> to vector<400x1xf32>
    %mul3A = vector.broadcast %broadcast_in_dim3A : vector<400x1xf32> to vector<400x128xf32>
    %mul3A_23 = arith.mulf %add3A_22, %mul3A : vector<400x128xf32>
    %swap3A = arith.constant 0 : index
    %swap3A_24 = arith.constant 0 : index
    %swap3A_25 = arith.constant 0 : index
    %swap3A_26 = vector.load %arg5[%swap3A, %swap3A_24, %swap3A_25] : memref<1x400x128xf32, #tpu.memory_space<vmem>>, vector<1x400x128xf32>
    %swap3A_27 = vector.shape_cast %swap3A_26 : vector<1x400x128xf32> to vector<400x128xf32>
    %swap3A_28 = vector.shape_cast %mul3A_23 : vector<400x128xf32> to vector<1x400x128xf32>
    tpu.vector_store %arg5[%swap3A, %swap3A_24, %swap3A_25], %swap3A_28 {strides = array<i32>} : memref<1x400x128xf32, #tpu.memory_space<vmem>>, vector<1x400x128xf32>,
    %eq3A = arith.constant 0 : i32
    %eq3A_29 = arith.cmpi eq, %arg1, %eq3A : i32
    %convert_element_type3A = arith.extui %eq3A_29 : i1 to i32
    %cond3A = arith.constant 0 : i32
    %cond3A_30 = arith.cmpi ne, %convert_element_type3A, %cond3A : i32
    scf.if %cond3A_30 {
      %broadcast_in_dim3A_59 = arith.constant 0.000000e+00 : f32
      %broadcast_in_dim3A_60 = vector.broadcast %broadcast_in_dim3A_59 : f32 to vector<1x2x128xf32>
      %swap3A_61 = arith.constant 0 : index
      %swap3A_62 = arith.constant 0 : index
      %swap3A_63 = arith.constant 0 : index
      %swap3A_64 = vector.load %arg6[%swap3A_61, %swap3A_62, %swap3A_63] : memref<1x2x128xf32, #tpu.memory_space<vmem>>, vector<1x2x128xf32>
      tpu.vector_store %arg6[%swap3A_61, %swap3A_62, %swap3A_63], %broadcast_in_dim3A_60 {strides = array<i32>} : memref<1x2x128xf32, #tpu.memory_space<vmem>>, vector<1x2x128xf32>,
    } else {
    }
    %get3A_31 = arith.constant 0 : index
    %get3A_32 = arith.constant 0 : index
    %get3A_33 = arith.constant 0 : index
    %get3A_34 = vector.load %arg6[%get3A_31, %get3A_32, %get3A_33] : memref<1x2x128xf32, #tpu.memory_space<vmem>>, vector<1x1x128xf32>
    %get3A_35 = vector.shape_cast %get3A_34 : vector<1x1x128xf32> to vector<128xf32>
    %reduce_sum3A = arith.constant dense<0.000000e+00> : vector<128xf32>
    %reduce_sum3A_36 = vector.multi_reduction <add>, %mul3A_23, %reduce_sum3A [0] : vector<400x128xf32> to vector<128xf32>
    %add3A_37 = arith.addf %get3A_35, %reduce_sum3A_36 : vector<128xf32>
    %swap3A_38 = arith.constant 0 : index
    %swap3A_39 = arith.constant 0 : index
    %swap3A_40 = arith.constant 0 : index
    %swap3A_41 = vector.load %arg6[%swap3A_38, %swap3A_39, %swap3A_40] : memref<1x2x128xf32, #tpu.memory_space<vmem>>, vector<1x1x128xf32>
    %swap3A_42 = vector.shape_cast %swap3A_41 : vector<1x1x128xf32> to vector<128xf32>
    %swap3A_43 = vector.shape_cast %add3A_37 : vector<128xf32> to vector<1x1x128xf32>
    tpu.vector_store %arg6[%swap3A_38, %swap3A_39, %swap3A_40], %swap3A_43 {strides = array<i32>} : memref<1x2x128xf32, #tpu.memory_space<vmem>>, vector<1x1x128xf32>,
    %get3A_44 = arith.constant 0 : index
    %get3A_45 = arith.constant 1 : index
    %get3A_46 = arith.constant 0 : index
    %get3A_47 = vector.load %arg6[%get3A_44, %get3A_45, %get3A_46] : memref<1x2x128xf32, #tpu.memory_space<vmem>>, vector<1x1x128xf32>
    %get3A_48 = vector.shape_cast %get3A_47 : vector<1x1x128xf32> to vector<128xf32>
    %mul3A_49 = arith.mulf %mul3A_23, %mul3A_23 : vector<400x128xf32>
    %reduce_sum3A_50 = arith.constant dense<0.000000e+00> : vector<128xf32>
    %reduce_sum3A_51 = vector.multi_reduction <add>, %mul3A_49, %reduce_sum3A_50 [0] : vector<400x128xf32> to vector<128xf32>
    %add3A_52 = arith.addf %get3A_48, %reduce_sum3A_51 : vector<128xf32>
    %swap3A_53 = arith.constant 0 : index
    %swap3A_54 = arith.constant 1 : index
    %swap3A_55 = arith.constant 0 : index
    %swap3A_56 = vector.load %arg6[%swap3A_53, %swap3A_54, %swap3A_55] : memref<1x2x128xf32, #tpu.memory_space<vmem>>, vector<1x1x128xf32>
    %swap3A_57 = vector.shape_cast %swap3A_56 : vector<1x1x128xf32> to vector<128xf32>
    %swap3A_58 = vector.shape_cast %add3A_52 : vector<128xf32> to vector<1x1x128xf32>
    tpu.vector_store %arg6[%swap3A_53, %swap3A_54, %swap3A_55], %swap3A_58 {strides = array<i32>} : memref<1x2x128xf32, #tpu.memory_space<vmem>>, vector<1x1x128xf32>,
    return
  }
  func.func @transform_0(%arg0: i32, %arg1: i32) -> (i32, i32, i32) {
    %c0_i32 = arith.constant 0 : i32
    %c0_i32_0 = arith.constant 0 : i32
    return %arg0, %arg1, %c0_i32 : i32, i32, i32
  }
  func.func @transform_1(%arg0: i32, %arg1: i32) -> (i32, i32, i32) {
    %c0_i32 = arith.constant 0 : i32
    %c0_i32_0 = arith.constant 0 : i32
    return %arg0, %arg1, %c0_i32 : i32, i32, i32
  }
  func.func @transform_2(%arg0: i32, %arg1: i32) -> (i32, i32, i32) {
    %c0_i32 = arith.constant 0 : i32
    %c0_i32_0 = arith.constant 0 : i32
    %c0_i32_1 = arith.constant 0 : i32
    return %c0_i32, %arg1, %c0_i32_0 : i32, i32, i32
  }
  func.func @transform_3(%arg0: i32, %arg1: i32) -> (i32, i32, i32) {
    %c0_i32 = arith.constant 0 : i32
    %c0_i32_0 = arith.constant 0 : i32
    return %arg0, %arg1, %c0_i32 : i32, i32, i32
  }
  func.func @transform_4(%arg0: i32, %arg1: i32) -> (i32, i32, i32) {
    %c0_i32 = arith.constant 0 : i32
    %c0_i32_0 = arith.constant 0 : i32
    %c0_i32_1 = arith.constant 0 : i32
    return %arg0, %c0_i32, %c0_i32_0 : i32, i32, i32
  }
}

module attributes {stable_mosaic.version = 14 : i64} {
  func.func @body(%arg0: i32, %arg1: i32, %arg2: memref<1x400x128xf32, #tpu.memory_space<vmem>>, %arg3: memref<1x2x128xf32, #tpu.memory_space<vmem>>, %arg4: memref<1x1x128xf32, #tpu.memory_space<vmem>>, %arg5: memref<1x1x128xf32, #tpu.memory_space<vmem>>, %arg6: memref<1x400x128xf32, #tpu.memory_space<vmem>>) attributes {dimension_semantics = [#tpu.dimension_semantics<arbitrary>, #tpu.dimension_semantics<arbitrary>], iteration_bounds = array<i64: 2, 25>, scalar_prefetch = 0 : i64, scratch_operands = 0 : i64, tpu.core_type = #tpu.core_type<tc>, window_params = [{transform_indices = @transform_0, window_bounds = array<i64: 1, 400, 128>}, {transform_indices = @transform_1, window_bounds = array<i64: 1, 2, 128>}, {transform_indices = @transform_2, window_bounds = array<i64: 1, 1, 128>}, {transform_indices = @transform_3, window_bounds = array<i64: 1, 1, 128>}, {transform_indices = @transform_4, window_bounds = array<i64: 1, 400, 128>}]} {
    %get3A = arith.constant 0 : index
    %get3A_0 = arith.constant 0 : index
    %get3A_1 = arith.constant 0 : index
    %get3A_2 = vector.load %arg3[%get3A, %get3A_0, %get3A_1] : memref<1x2x128xf32, #tpu.memory_space<vmem>>, vector<1x1x128xf32>
    %get3A_3 = vector.shape_cast %get3A_2 : vector<1x1x128xf32> to vector<128xf32>
    %div3A = arith.constant 1.000000e+04 : f32
    %div3A_4 = vector.broadcast %div3A : f32 to vector<128xf32>
    %div3A_5 = arith.divf %get3A_3, %div3A_4 : vector<128xf32>
    %get3A_6 = arith.constant 0 : index
    %get3A_7 = arith.constant 1 : index
    %get3A_8 = arith.constant 0 : index
    %get3A_9 = vector.load %arg3[%get3A_6, %get3A_7, %get3A_8] : memref<1x2x128xf32, #tpu.memory_space<vmem>>, vector<1x1x128xf32>
    %get3A_10 = vector.shape_cast %get3A_9 : vector<1x1x128xf32> to vector<128xf32>
    %div3A_11 = arith.constant 1.000000e+04 : f32
    %div3A_12 = vector.broadcast %div3A_11 : f32 to vector<128xf32>
    %div3A_13 = arith.divf %get3A_10, %div3A_12 : vector<128xf32>
    %mul3A = arith.mulf %div3A_5, %div3A_5 : vector<128xf32>
    %sub3A = arith.subf %div3A_13, %mul3A : vector<128xf32>
    %add3A = arith.constant 9.99999974E-6 : f32
    %add3A_14 = vector.broadcast %add3A : f32 to vector<128xf32>
    %add3A_15 = arith.addf %sub3A, %add3A_14 : vector<128xf32>
    %rsqrt3A = math.rsqrt %add3A_15 : vector<128xf32>
    %get3A_16 = arith.constant 0 : index
    %get3A_17 = arith.constant 0 : index
    %get3A_18 = arith.constant 0 : index
    %get3A_19 = vector.load %arg4[%get3A_16, %get3A_17, %get3A_18] : memref<1x1x128xf32, #tpu.memory_space<vmem>>, vector<1x1x128xf32>
    %get3A_20 = vector.shape_cast %get3A_19 : vector<1x1x128xf32> to vector<128xf32>
    %mul3A_21 = arith.mulf %rsqrt3A, %get3A_20 : vector<128xf32>
    %get3A_22 = arith.constant 0 : index
    %get3A_23 = arith.constant 0 : index
    %get3A_24 = arith.constant 0 : index
    %get3A_25 = vector.load %arg2[%get3A_22, %get3A_23, %get3A_24] : memref<1x400x128xf32, #tpu.memory_space<vmem>>, vector<1x400x128xf32>
    %get3A_26 = vector.shape_cast %get3A_25 : vector<1x400x128xf32> to vector<400x128xf32>
    %broadcast_in_dim3A = vector.shape_cast %div3A_5 : vector<128xf32> to vector<1x128xf32>
    %sub3A_27 = vector.broadcast %broadcast_in_dim3A : vector<1x128xf32> to vector<400x128xf32>
    %sub3A_28 = arith.subf %get3A_26, %sub3A_27 : vector<400x128xf32>
    %broadcast_in_dim3A_29 = vector.shape_cast %mul3A_21 : vector<128xf32> to vector<1x128xf32>
    %mul3A_30 = vector.broadcast %broadcast_in_dim3A_29 : vector<1x128xf32> to vector<400x128xf32>
    %mul3A_31 = arith.mulf %sub3A_28, %mul3A_30 : vector<400x128xf32>
    %get3A_32 = arith.constant 0 : index
    %get3A_33 = arith.constant 0 : index
    %get3A_34 = arith.constant 0 : index
    %get3A_35 = vector.load %arg5[%get3A_32, %get3A_33, %get3A_34] : memref<1x1x128xf32, #tpu.memory_space<vmem>>, vector<1x1x128xf32>
    %get3A_36 = vector.shape_cast %get3A_35 : vector<1x1x128xf32> to vector<128xf32>
    %broadcast_in_dim3A_37 = vector.shape_cast %get3A_36 : vector<128xf32> to vector<1x128xf32>
    %add3A_38 = vector.broadcast %broadcast_in_dim3A_37 : vector<1x128xf32> to vector<400x128xf32>
    %add3A_39 = arith.addf %mul3A_31, %add3A_38 : vector<400x128xf32>
    %max3A = arith.constant 0.000000e+00 : f32
    %max3A_40 = vector.broadcast %max3A : f32 to vector<400x128xf32>
    %max3A_41 = arith.maximumf %add3A_39, %max3A_40 : vector<400x128xf32>
    %swap3A = arith.constant 0 : index
    %swap3A_42 = arith.constant 0 : index
    %swap3A_43 = arith.constant 0 : index
    %swap3A_44 = vector.load %arg6[%swap3A, %swap3A_42, %swap3A_43] : memref<1x400x128xf32, #tpu.memory_space<vmem>>, vector<1x400x128xf32>
    %swap3A_45 = vector.shape_cast %swap3A_44 : vector<1x400x128xf32> to vector<400x128xf32>
    %swap3A_46 = vector.shape_cast %max3A_41 : vector<400x128xf32> to vector<1x400x128xf32>
    tpu.vector_store %arg6[%swap3A, %swap3A_42, %swap3A_43], %swap3A_46 {strides = array<i32>} : memref<1x400x128xf32, #tpu.memory_space<vmem>>, vector<1x400x128xf32>,
    return
  }
  func.func @transform_0(%arg0: i32, %arg1: i32) -> (i32, i32, i32) {
    %c0_i32 = arith.constant 0 : i32
    %c0_i32_0 = arith.constant 0 : i32
    return %arg0, %arg1, %c0_i32 : i32, i32, i32
  }
  func.func @transform_1(%arg0: i32, %arg1: i32) -> (i32, i32, i32) {
    %c0_i32 = arith.constant 0 : i32
    %c0_i32_0 = arith.constant 0 : i32
    %c0_i32_1 = arith.constant 0 : i32
    return %arg0, %c0_i32, %c0_i32_0 : i32, i32, i32
  }
  func.func @transform_2(%arg0: i32, %arg1: i32) -> (i32, i32, i32) {
    %c0_i32 = arith.constant 0 : i32
    %c0_i32_0 = arith.constant 0 : i32
    %c0_i32_1 = arith.constant 0 : i32
    return %arg0, %c0_i32, %c0_i32_0 : i32, i32, i32
  }
  func.func @transform_3(%arg0: i32, %arg1: i32) -> (i32, i32, i32) {
    %c0_i32 = arith.constant 0 : i32
    %c0_i32_0 = arith.constant 0 : i32
    %c0_i32_1 = arith.constant 0 : i32
    return %arg0, %c0_i32, %c0_i32_0 : i32, i32, i32
  }
  func.func @transform_4(%arg0: i32, %arg1: i32) -> (i32, i32, i32) {
    %c0_i32 = arith.constant 0 : i32
    %c0_i32_0 = arith.constant 0 : i32
    return %arg0, %arg1, %c0_i32 : i32, i32, i32
  }
}

module attributes {stable_mosaic.version = 14 : i64} {
  func.func @body(%arg0: i32, %arg1: i32, %arg2: memref<2x400x128xf32, #tpu.memory_space<vmem>>, %arg3: memref<2x128x128xf32, #tpu.memory_space<vmem>>, %arg4: memref<2x400x16xf32, #tpu.memory_space<vmem>>, %arg5: memref<1x400x128xf32, #tpu.memory_space<vmem>>) attributes {dimension_semantics = [#tpu.dimension_semantics<arbitrary>, #tpu.dimension_semantics<arbitrary>], iteration_bounds = array<i64: 25, 2>, scalar_prefetch = 0 : i64, scratch_operands = 0 : i64, tpu.core_type = #tpu.core_type<tc>, window_params = [{transform_indices = @transform_0, window_bounds = array<i64: 2, 400, 128>}, {transform_indices = @transform_1, window_bounds = array<i64: 2, 128, 128>}, {transform_indices = @transform_2, window_bounds = array<i64: 2, 400, 16>}, {transform_indices = @transform_3, window_bounds = array<i64: 1, 400, 128>}]} {
    %get3A = arith.constant 0 : index
    %get3A_0 = arith.constant 0 : index
    %get3A_1 = arith.constant 0 : index
    %get3A_2 = vector.load %arg4[%get3A, %get3A_0, %get3A_1] : memref<2x400x16xf32, #tpu.memory_space<vmem>>, vector<1x400x1xf32>
    %get3A_3 = vector.shape_cast %get3A_2 : vector<1x400x1xf32> to vector<400xf32>
    %get3A_4 = arith.constant 1 : index
    %get3A_5 = arith.constant 0 : index
    %get3A_6 = arith.constant 0 : index
    %get3A_7 = vector.load %arg4[%get3A_4, %get3A_5, %get3A_6] : memref<2x400x16xf32, #tpu.memory_space<vmem>>, vector<1x400x1xf32>
    %get3A_8 = vector.shape_cast %get3A_7 : vector<1x400x1xf32> to vector<400xf32>
    %add3A = arith.addf %get3A_3, %get3A_8 : vector<400xf32>
    %add3A_9 = arith.constant 1.000000e+00 : f32
    %add3A_10 = vector.broadcast %add3A_9 : f32 to vector<400xf32>
    %add3A_11 = arith.addf %add3A, %add3A_10 : vector<400xf32>
    %rsqrt3A = math.rsqrt %add3A_11 : vector<400xf32>
    %broadcast_in_dim3A = arith.constant 0.000000e+00 : f32
    %broadcast_in_dim3A_12 = vector.broadcast %broadcast_in_dim3A : f32 to vector<400x128xf32>
    %get3A_13 = arith.constant 0 : index
    %get3A_14 = arith.constant 0 : index
    %get3A_15 = arith.constant 0 : index
    %get3A_16 = vector.load %arg2[%get3A_13, %get3A_14, %get3A_15] : memref<2x400x128xf32, #tpu.memory_space<vmem>>, vector<1x400x128xf32>
    %get3A_17 = vector.shape_cast %get3A_16 : vector<1x400x128xf32> to vector<400x128xf32>
    %get3A_18 = arith.constant 0 : index
    %get3A_19 = arith.constant 0 : index
    %get3A_20 = arith.constant 0 : index
    %get3A_21 = vector.load %arg3[%get3A_18, %get3A_19, %get3A_20] : memref<2x128x128xf32, #tpu.memory_space<vmem>>, vector<1x128x128xf32>
    %get3A_22 = vector.shape_cast %get3A_21 : vector<1x128x128xf32> to vector<128x128xf32>
    %dot_general3A = arith.constant dense<0.000000e+00> : vector<400x128xf32>
    %dot_general3A_23 = tpu.matmul %get3A_17, %get3A_22, %dot_general3A {dimension_numbers = #tpu.dot_dimension_numbers<[1], [0], [0], [1], [0, 0, 1, 1], [], []>, transpose_lhs_hint = false} : vector<400x128xf32>, vector<128x128xf32>, vector<400x128xf32> -> vector<400x128xf32>
    %add3A_24 = arith.addf %broadcast_in_dim3A_12, %dot_general3A_23 : vector<400x128xf32>
    %get3A_25 = arith.constant 1 : index
    %get3A_26 = arith.constant 0 : index
    %get3A_27 = arith.constant 0 : index
    %get3A_28 = vector.load %arg2[%get3A_25, %get3A_26, %get3A_27] : memref<2x400x128xf32, #tpu.memory_space<vmem>>, vector<1x400x128xf32>
    %get3A_29 = vector.shape_cast %get3A_28 : vector<1x400x128xf32> to vector<400x128xf32>
    %get3A_30 = arith.constant 1 : index
    %get3A_31 = arith.constant 0 : index
    %get3A_32 = arith.constant 0 : index
    %get3A_33 = vector.load %arg3[%get3A_30, %get3A_31, %get3A_32] : memref<2x128x128xf32, #tpu.memory_space<vmem>>, vector<1x128x128xf32>
    %get3A_34 = vector.shape_cast %get3A_33 : vector<1x128x128xf32> to vector<128x128xf32>
    %dot_general3A_35 = arith.constant dense<0.000000e+00> : vector<400x128xf32>
    %dot_general3A_36 = tpu.matmul %get3A_29, %get3A_34, %dot_general3A_35 {dimension_numbers = #tpu.dot_dimension_numbers<[1], [0], [0], [1], [0, 0, 1, 1], [], []>, transpose_lhs_hint = false} : vector<400x128xf32>, vector<128x128xf32>, vector<400x128xf32> -> vector<400x128xf32>
    %add3A_37 = arith.addf %add3A_24, %dot_general3A_36 : vector<400x128xf32>
    %broadcast_in_dim3A_38 = vector.shape_cast %rsqrt3A : vector<400xf32> to vector<400x1xf32>
    %mul3A = vector.broadcast %broadcast_in_dim3A_38 : vector<400x1xf32> to vector<400x128xf32>
    %mul3A_39 = arith.mulf %add3A_37, %mul3A : vector<400x128xf32>
    %swap3A = arith.constant 0 : index
    %swap3A_40 = arith.constant 0 : index
    %swap3A_41 = arith.constant 0 : index
    %swap3A_42 = vector.load %arg5[%swap3A, %swap3A_40, %swap3A_41] : memref<1x400x128xf32, #tpu.memory_space<vmem>>, vector<1x400x128xf32>
    %swap3A_43 = vector.shape_cast %swap3A_42 : vector<1x400x128xf32> to vector<400x128xf32>
    %swap3A_44 = vector.shape_cast %mul3A_39 : vector<400x128xf32> to vector<1x400x128xf32>
    tpu.vector_store %arg5[%swap3A, %swap3A_40, %swap3A_41], %swap3A_44 {strides = array<i32>} : memref<1x400x128xf32, #tpu.memory_space<vmem>>, vector<1x400x128xf32>,
    return
  }
  func.func @transform_0(%arg0: i32, %arg1: i32) -> (i32, i32, i32) {
    %c0_i32 = arith.constant 0 : i32
    %c0_i32_0 = arith.constant 0 : i32
    %c0_i32_1 = arith.constant 0 : i32
    return %c0_i32, %arg0, %c0_i32_0 : i32, i32, i32
  }
  func.func @transform_1(%arg0: i32, %arg1: i32) -> (i32, i32, i32) {
    %c0_i32 = arith.constant 0 : i32
    %c0_i32_0 = arith.constant 0 : i32
    %c0_i32_1 = arith.constant 0 : i32
    return %c0_i32, %c0_i32_0, %arg1 : i32, i32, i32
  }
  func.func @transform_2(%arg0: i32, %arg1: i32) -> (i32, i32, i32) {
    %c0_i32 = arith.constant 0 : i32
    %c0_i32_0 = arith.constant 0 : i32
    %c0_i32_1 = arith.constant 0 : i32
    return %c0_i32, %arg0, %c0_i32_0 : i32, i32, i32
  }
  func.func @transform_3(%arg0: i32, %arg1: i32) -> (i32, i32, i32) {
    %c0_i32 = arith.constant 0 : i32
    %c0_i32_0 = arith.constant 0 : i32
    return %arg1, %arg0, %c0_i32 : i32, i32, i32
  }
}

module attributes {stable_mosaic.version = 14 : i64} {
  func.func @body(%arg0: i32, %arg1: memref<2x400x128xf32, #tpu.memory_space<vmem>>, %arg2: memref<2x400x128xf32, #tpu.memory_space<vmem>>, %arg3: memref<2x400x128xf32, #tpu.memory_space<vmem>>, %arg4: memref<3x2x128x40xf32, #tpu.memory_space<vmem>>, %arg5: memref<1x40xf32, #tpu.memory_space<vmem>>, %arg6: memref<400x40xf32, #tpu.memory_space<vmem>>) attributes {dimension_semantics = [#tpu.dimension_semantics<arbitrary>], iteration_bounds = array<i64: 25>, scalar_prefetch = 0 : i64, scratch_operands = 0 : i64, tpu.core_type = #tpu.core_type<tc>, window_params = [{transform_indices = @transform_0, window_bounds = array<i64: 2, 400, 128>}, {transform_indices = @transform_1, window_bounds = array<i64: 2, 400, 128>}, {transform_indices = @transform_2, window_bounds = array<i64: 2, 400, 128>}, {pipeline_mode = #tpu.pipeline_mode<synchronous>, transform_indices = @transform_3, window_bounds = array<i64: 3, 2, 128, 40>}, {pipeline_mode = #tpu.pipeline_mode<synchronous>, transform_indices = @transform_4, window_bounds = array<i64: 1, 40>}, {transform_indices = @transform_5, window_bounds = array<i64: 400, 40>}]} {
    %get3A = arith.constant 0 : index
    %get3A_0 = arith.constant 0 : index
    %get3A_1 = vector.load %arg5[%get3A, %get3A_0] : memref<1x40xf32, #tpu.memory_space<vmem>>, vector<1x40xf32>
    %broadcast_in_dim3A = vector.shape_cast %get3A_1 : vector<1x40xf32> to vector<1x40xf32>
    %broadcast_in_dim3A_2 = vector.broadcast %broadcast_in_dim3A : vector<1x40xf32> to vector<400x40xf32>
    %get3A_3 = arith.constant 0 : index
    %get3A_4 = arith.constant 0 : index
    %get3A_5 = arith.constant 0 : index
    %get3A_6 = vector.load %arg1[%get3A_3, %get3A_4, %get3A_5] : memref<2x400x128xf32, #tpu.memory_space<vmem>>, vector<1x400x128xf32>
    %get3A_7 = vector.shape_cast %get3A_6 : vector<1x400x128xf32> to vector<400x128xf32>
    %get3A_8 = arith.constant 0 : index
    %get3A_9 = arith.constant 0 : index
    %get3A_10 = arith.constant 0 : index
    %get3A_11 = arith.constant 0 : index
    %get3A_12 = vector.load %arg4[%get3A_8, %get3A_9, %get3A_10, %get3A_11] : memref<3x2x128x40xf32, #tpu.memory_space<vmem>>, vector<1x1x128x40xf32>
    %get3A_13 = vector.shape_cast %get3A_12 : vector<1x1x128x40xf32> to vector<128x40xf32>
    %dot_general3A = arith.constant dense<0.000000e+00> : vector<400x40xf32>
    %dot_general3A_14 = tpu.matmul %get3A_7, %get3A_13, %dot_general3A {dimension_numbers = #tpu.dot_dimension_numbers<[1], [0], [0], [1], [0, 0, 1, 1], [], []>, transpose_lhs_hint = false} : vector<400x128xf32>, vector<128x40xf32>, vector<400x40xf32> -> vector<400x40xf32>
    %add3A = arith.addf %broadcast_in_dim3A_2, %dot_general3A_14 : vector<400x40xf32>
    %get3A_15 = arith.constant 1 : index
    %get3A_16 = arith.constant 0 : index
    %get3A_17 = arith.constant 0 : index
    %get3A_18 = vector.load %arg1[%get3A_15, %get3A_16, %get3A_17] : memref<2x400x128xf32, #tpu.memory_space<vmem>>, vector<1x400x128xf32>
    %get3A_19 = vector.shape_cast %get3A_18 : vector<1x400x128xf32> to vector<400x128xf32>
    %get3A_20 = arith.constant 0 : index
    %get3A_21 = arith.constant 1 : index
    %get3A_22 = arith.constant 0 : index
    %get3A_23 = arith.constant 0 : index
    %get3A_24 = vector.load %arg4[%get3A_20, %get3A_21, %get3A_22, %get3A_23] : memref<3x2x128x40xf32, #tpu.memory_space<vmem>>, vector<1x1x128x40xf32>
    %get3A_25 = vector.shape_cast %get3A_24 : vector<1x1x128x40xf32> to vector<128x40xf32>
    %dot_general3A_26 = arith.constant dense<0.000000e+00> : vector<400x40xf32>
    %dot_general3A_27 = tpu.matmul %get3A_19, %get3A_25, %dot_general3A_26 {dimension_numbers = #tpu.dot_dimension_numbers<[1], [0], [0], [1], [0, 0, 1, 1], [], []>, transpose_lhs_hint = false} : vector<400x128xf32>, vector<128x40xf32>, vector<400x40xf32> -> vector<400x40xf32>
    %add3A_28 = arith.addf %add3A, %dot_general3A_27 : vector<400x40xf32>
    %get3A_29 = arith.constant 0 : index
    %get3A_30 = arith.constant 0 : index
    %get3A_31 = arith.constant 0 : index
    %get3A_32 = vector.load %arg2[%get3A_29, %get3A_30, %get3A_31] : memref<2x400x128xf32, #tpu.memory_space<vmem>>, vector<1x400x128xf32>
    %get3A_33 = vector.shape_cast %get3A_32 : vector<1x400x128xf32> to vector<400x128xf32>
    %get3A_34 = arith.constant 1 : index
    %get3A_35 = arith.constant 0 : index
    %get3A_36 = arith.constant 0 : index
    %get3A_37 = arith.constant 0 : index
    %get3A_38 = vector.load %arg4[%get3A_34, %get3A_35, %get3A_36, %get3A_37] : memref<3x2x128x40xf32, #tpu.memory_space<vmem>>, vector<1x1x128x40xf32>
    %get3A_39 = vector.shape_cast %get3A_38 : vector<1x1x128x40xf32> to vector<128x40xf32>
    %dot_general3A_40 = arith.constant dense<0.000000e+00> : vector<400x40xf32>
    %dot_general3A_41 = tpu.matmul %get3A_33, %get3A_39, %dot_general3A_40 {dimension_numbers = #tpu.dot_dimension_numbers<[1], [0], [0], [1], [0, 0, 1, 1], [], []>, transpose_lhs_hint = false} : vector<400x128xf32>, vector<128x40xf32>, vector<400x40xf32> -> vector<400x40xf32>
    %add3A_42 = arith.addf %add3A_28, %dot_general3A_41 : vector<400x40xf32>
    %get3A_43 = arith.constant 1 : index
    %get3A_44 = arith.constant 0 : index
    %get3A_45 = arith.constant 0 : index
    %get3A_46 = vector.load %arg2[%get3A_43, %get3A_44, %get3A_45] : memref<2x400x128xf32, #tpu.memory_space<vmem>>, vector<1x400x128xf32>
    %get3A_47 = vector.shape_cast %get3A_46 : vector<1x400x128xf32> to vector<400x128xf32>
    %get3A_48 = arith.constant 1 : index
    %get3A_49 = arith.constant 1 : index
    %get3A_50 = arith.constant 0 : index
    %get3A_51 = arith.constant 0 : index
    %get3A_52 = vector.load %arg4[%get3A_48, %get3A_49, %get3A_50, %get3A_51] : memref<3x2x128x40xf32, #tpu.memory_space<vmem>>, vector<1x1x128x40xf32>
    %get3A_53 = vector.shape_cast %get3A_52 : vector<1x1x128x40xf32> to vector<128x40xf32>
    %dot_general3A_54 = arith.constant dense<0.000000e+00> : vector<400x40xf32>
    %dot_general3A_55 = tpu.matmul %get3A_47, %get3A_53, %dot_general3A_54 {dimension_numbers = #tpu.dot_dimension_numbers<[1], [0], [0], [1], [0, 0, 1, 1], [], []>, transpose_lhs_hint = false} : vector<400x128xf32>, vector<128x40xf32>, vector<400x40xf32> -> vector<400x40xf32>
    %add3A_56 = arith.addf %add3A_42, %dot_general3A_55 : vector<400x40xf32>
    %get3A_57 = arith.constant 0 : index
    %get3A_58 = arith.constant 0 : index
    %get3A_59 = arith.constant 0 : index
    %get3A_60 = vector.load %arg3[%get3A_57, %get3A_58, %get3A_59] : memref<2x400x128xf32, #tpu.memory_space<vmem>>, vector<1x400x128xf32>
    %get3A_61 = vector.shape_cast %get3A_60 : vector<1x400x128xf32> to vector<400x128xf32>
    %get3A_62 = arith.constant 2 : index
    %get3A_63 = arith.constant 0 : index
    %get3A_64 = arith.constant 0 : index
    %get3A_65 = arith.constant 0 : index
    %get3A_66 = vector.load %arg4[%get3A_62, %get3A_63, %get3A_64, %get3A_65] : memref<3x2x128x40xf32, #tpu.memory_space<vmem>>, vector<1x1x128x40xf32>
    %get3A_67 = vector.shape_cast %get3A_66 : vector<1x1x128x40xf32> to vector<128x40xf32>
    %dot_general3A_68 = arith.constant dense<0.000000e+00> : vector<400x40xf32>
    %dot_general3A_69 = tpu.matmul %get3A_61, %get3A_67, %dot_general3A_68 {dimension_numbers = #tpu.dot_dimension_numbers<[1], [0], [0], [1], [0, 0, 1, 1], [], []>, transpose_lhs_hint = false} : vector<400x128xf32>, vector<128x40xf32>, vector<400x40xf32> -> vector<400x40xf32>
    %add3A_70 = arith.addf %add3A_56, %dot_general3A_69 : vector<400x40xf32>
    %get3A_71 = arith.constant 1 : index
    %get3A_72 = arith.constant 0 : index
    %get3A_73 = arith.constant 0 : index
    %get3A_74 = vector.load %arg3[%get3A_71, %get3A_72, %get3A_73] : memref<2x400x128xf32, #tpu.memory_space<vmem>>, vector<1x400x128xf32>
    %get3A_75 = vector.shape_cast %get3A_74 : vector<1x400x128xf32> to vector<400x128xf32>
    %get3A_76 = arith.constant 2 : index
    %get3A_77 = arith.constant 1 : index
    %get3A_78 = arith.constant 0 : index
    %get3A_79 = arith.constant 0 : index
    %get3A_80 = vector.load %arg4[%get3A_76, %get3A_77, %get3A_78, %get3A_79] : memref<3x2x128x40xf32, #tpu.memory_space<vmem>>, vector<1x1x128x40xf32>
    %get3A_81 = vector.shape_cast %get3A_80 : vector<1x1x128x40xf32> to vector<128x40xf32>
    %dot_general3A_82 = arith.constant dense<0.000000e+00> : vector<400x40xf32>
    %dot_general3A_83 = tpu.matmul %get3A_75, %get3A_81, %dot_general3A_82 {dimension_numbers = #tpu.dot_dimension_numbers<[1], [0], [0], [1], [0, 0, 1, 1], [], []>, transpose_lhs_hint = false} : vector<400x128xf32>, vector<128x40xf32>, vector<400x40xf32> -> vector<400x40xf32>
    %add3A_84 = arith.addf %add3A_70, %dot_general3A_83 : vector<400x40xf32>
    %reduce_max3A = arith.constant dense<0xFF800000> : vector<400xf32>
    %reduce_max3A_85 = vector.multi_reduction <maximumf>, %add3A_84, %reduce_max3A [1] : vector<400x40xf32> to vector<400xf32>
    %broadcast_in_dim3A_86 = vector.shape_cast %reduce_max3A_85 : vector<400xf32> to vector<400x1xf32>
    %sub3A = vector.broadcast %broadcast_in_dim3A_86 : vector<400x1xf32> to vector<400x40xf32>
    %sub3A_87 = arith.subf %add3A_84, %sub3A : vector<400x40xf32>
    %exp3A = math.exp %sub3A_87 : vector<400x40xf32>
    %reduce_sum3A = arith.constant dense<0.000000e+00> : vector<400xf32>
    %reduce_sum3A_88 = vector.multi_reduction <add>, %exp3A, %reduce_sum3A [1] : vector<400x40xf32> to vector<400xf32>
    %broadcast_in_dim3A_89 = vector.shape_cast %reduce_sum3A_88 : vector<400xf32> to vector<400x1xf32>
    %log3A = math.log %broadcast_in_dim3A_89 : vector<400x1xf32>
    %sub3A_90 = vector.broadcast %log3A : vector<400x1xf32> to vector<400x40xf32>
    %sub3A_91 = arith.subf %sub3A_87, %sub3A_90 : vector<400x40xf32>
    %swap3A = arith.constant 0 : index
    %swap3A_92 = arith.constant 0 : index
    %swap3A_93 = vector.load %arg6[%swap3A, %swap3A_92] : memref<400x40xf32, #tpu.memory_space<vmem>>, vector<400x40xf32>
    tpu.vector_store %arg6[%swap3A, %swap3A_92], %sub3A_91 {strides = array<i32>} : memref<400x40xf32, #tpu.memory_space<vmem>>, vector<400x40xf32>,
    return
  }
  func.func @transform_0(%arg0: i32) -> (i32, i32, i32) {
    %c0_i32 = arith.constant 0 : i32
    %c0_i32_0 = arith.constant 0 : i32
    %c0_i32_1 = arith.constant 0 : i32
    return %c0_i32, %arg0, %c0_i32_0 : i32, i32, i32
  }
  func.func @transform_1(%arg0: i32) -> (i32, i32, i32) {
    %c0_i32 = arith.constant 0 : i32
    %c0_i32_0 = arith.constant 0 : i32
    %c0_i32_1 = arith.constant 0 : i32
    return %c0_i32, %arg0, %c0_i32_0 : i32, i32, i32
  }
  func.func @transform_2(%arg0: i32) -> (i32, i32, i32) {
    %c0_i32 = arith.constant 0 : i32
    %c0_i32_0 = arith.constant 0 : i32
    %c0_i32_1 = arith.constant 0 : i32
    return %c0_i32, %arg0, %c0_i32_0 : i32, i32, i32
  }
  func.func @transform_3(%arg0: i32) -> (i32, i32, i32, i32) {
    %c0_i32 = arith.constant 0 : i32
    %c0_i32_0 = arith.constant 0 : i32
    %c0_i32_1 = arith.constant 0 : i32
    %c0_i32_2 = arith.constant 0 : i32
    %c0_i32_3 = arith.constant 0 : i32
    return %c0_i32, %c0_i32_0, %c0_i32_1, %c0_i32_2 : i32, i32, i32, i32
  }
  func.func @transform_4(%arg0: i32) -> (i32, i32) {
    %c0_i32 = arith.constant 0 : i32
    %c0_i32_0 = arith.constant 0 : i32
    %c0_i32_1 = arith.constant 0 : i32
    return %c0_i32, %c0_i32_0 : i32, i32
  }
  func.func @transform_5(%arg0: i32) -> (i32, i32) {
    %c0_i32 = arith.constant 0 : i32
    %c0_i32_0 = arith.constant 0 : i32
    return %arg0, %c0_i32 : i32, i32
  }
}

</mosaic_0001>

<sc_bundles>
// kernel: kernel.16.cloned.1.call-start
scs
__scs_entry_jumppad:
0x0: {  	(pc) =	sbr.rel $0x88, $3  }
0x1: {  	(tag) =	ssettag $0x0;
	lr =	simm.s32 $0x1  }
0x2: {  	[smem:$0x3F94] =	sst lr;
	_ =	strace $0xD0000000  }
0x3: {  	_ = 	snop  }
0x4: {  	_ = 	snop  }
0x5: {  	_ = 	snop  }
0x6: {  	_ = 	snop  }
0x7: {  	_ = 	snop  }
__scs_overlays_trampoline_lowered:
0x8: {  	[smem:$0x3FA3] =	sst s0  }
0x9: {  	[smem:$0x3FA4] =	sst s1  }
0xa: {  	[smem:$0x3FA5] =	sst s2  }
0xb: {  	[smem:$0x3FA6] =	sst s3  }
0xc: {  	[smem:$0x3FA7] =	sst s4  }
0xd: {  	[smem:$0x3FA8] =	sst s5  }
0xe: {  	[smem:$0x3FA9] =	sst s6  }
0xf: {  	[smem:$0x3FAA] =	sst s7  }
0x10: {  	[smem:$0x3FAB] =	sst s8  }
0x11: {  	[smem:$0x3FAC] =	sst s9;
	s0 =	simm.s32 @!p0 $0x0  }
0x12: {  	s1 =	sld [smem:$0x3F92];
	s0 =	simm.s32 @p0 $0x1  }
0x13: {  	[smem:$0x3FAD] =	sst s0;
	s0 =	simm.s32 @!p1 $0x0  }
0x14: {  	s2 =	sld [smem:$0x3F91];
	s0 =	simm.s32 @p1 $0x1  }
0x15: {  	[smem:$0x3FAE] =	sst s0;
	s0 =	simm.s32 @!p2 $0x0  }
0x16: {  	s3 =	sld [smem:$0x3FDB];
	s0 =	simm.s32 @p2 $0x1  }
0x17: {  	s4 =	simm.s32 $0x1BF5;
	[smem:$0x3FB0] =	sst s0  }
0x18: {  	s0 =	sld [smem:$0x3F93];
	_ =	swait.ge [sflag:s4], $0x0  }
0x19: {  	s7 =	sld [smem:$0x3F94]  }
0x1a: {  	s8 =	sadd.s32 $0xFFFFE003, lr  }
0x1b: {  	s9 =	sadd.s32 $0xFFFFFEF7, lr;
	s5 =	simm.s32 $0xFFFFFFFF;
	p2 =	slt.u32 s8, $0xFFFFF086  }
0x1c: {  	p1 =	slt.u32 s9, $0xF7A;
	s5 =	simm.s32 @!p2 $0x0  }
0x1d: {  	s5 =	simm.s32 @p1 $0x1;
	p0 =	seq.s32 s7, s2  }
0x1e: {  	s7 =	smul.u32 @!p0 $0xF7A, s2;
	p2 =	seq.s32 @!p0 s5, $0x0  }
0x1f: {  	s9 =	smul.u32 $0xF7A, s1;
	s8 =	simm.s32 @!p0 $0x1BF5;
	p2 =	por !p2, p0  }
0x20: {  	[sflag:s8] =	ssyncset.s32 @!p0 $0xFFFFF086;
	s6 =	sadd.s32 @!p0 s3, s7;
	s7 =	simm.s32 @!p0 $0x108  }
0x21: {  	s3 =	sadd.s32 s3, s9;
	s6 =	sadd.s32 @!p0 $0x88, s6;
	s7 =	simm.s32 @p2 $0x1082  }
0x22: {  	[simem:s7], [sflag:s8] =	dma.local @!p0 [hbm:s6], $0xF7A  }
0x23: {  	s9 =	sor.u32 $0xD0000000, s2;
	s6 =	simm.s32 $0x108;
	_ =	swait.ge @!p0 [sflag:s8], $0x0  }
0x24: {  	s3 =	sadd.s32 $0x88, s3;
	s6 =	simm.s32 @!p1 $0x1082;
	[sflag:s4] =	ssyncset.s32 $0xFFFFF086  }
0x25: {  	[simem:s6], [sflag:s4] =	dma.local [hbm:s3], $0xF7A  }
0x26: {  	[smem:$0x3F94] =	sst s1;
	(tag) =	ssettag s2;
	_ =	strace s9  }
0x27: {  	s1 =	sld [smem:$0x3FA4]  }
0x28: {  	s2 =	sld [smem:$0x3FA5]  }
0x29: {  	s4 =	sld [smem:$0x3FA7]  }
0x2a: {  	p0 =	seq.s32 s5, $0x0;
	s5 =	sld [smem:$0x3FA8]  }
0x2b: {  	s6 =	sld [smem:$0x3FA9]  }
0x2c: {  	s7 =	sld [smem:$0x3FAA]  }
0x2d: {  	s3 =	simm.s32 $0x108;
	s8 =	sld [smem:$0x3FAB]  }
0x2e: {  	s3 =	simm.s32 @!p0 $0x1082;
	s9 =	sld [smem:$0x3FAC]  }
0x2f: {  	lr =	sadd.s32 s0, s3;
	s0 =	sld [smem:$0x3FA3]  }
0x30: {  	s3 =	sld [smem:$0x3FA6]  }
0x31: {  	[smem:$0x3FAF] =	sst s10  }
0x32: {  	s10 =	sld [smem:$0x3FAD];
	_ =	sdelay $0x3  }
0x33: {  	p0 =	seq.s32 s10, $0x1;
	s10 =	sld [smem:$0x3FAF];
	_ =	sdelay $0x3  }
0x34: {  	[smem:$0x3FAF] =	sst s10  }
0x35: {  	s10 =	sld [smem:$0x3FAE];
	_ =	sdelay $0x3  }
0x36: {  	p1 =	seq.s32 s10, $0x1;
	s10 =	sld [smem:$0x3FAF];
	_ =	sdelay $0x3  }
0x37: {  	[smem:$0x3FAF] =	sst s10  }
0x38: {  	s10 =	sld [smem:$0x3FB0]  }
0x39: {  	_ = 	snop;
	(pc) =	sbr.ind lr, $3  }
0x3a: {  	_ = 	snop  }
0x3b: {  	_ = 	snop  }
0x3c: {  	p2 =	seq.s32 s10, $0x1;
	s10 =	sld [smem:$0x3FAF]  }
0x3d: {  	_ =	shalt  }
0x3e: {  	_ =	shalt  }
0x3f: {  	_ =	shalt  }
0x40: {  	_ =	shalt  }
0x41: {  	_ =	shalt  }
0x42: {  	_ =	shalt  }
0x43: {  	_ =	shalt  }
0x44: {  	_ =	shalt  }
0x45: {  	_ =	shalt  }
0x46: {  	_ =	shalt  }
0x47: {  	_ =	shalt  }
0x48: {  	_ =	shalt  }
0x49: {  	_ =	shalt  }
0x4a: {  	_ =	shalt  }
0x4b: {  	_ =	shalt  }
0x4c: {  	_ =	shalt  }
0x4d: {  	_ =	shalt  }
0x4e: {  	_ =	shalt  }
0x4f: {  	_ =	shalt  }
0x50: {  	_ =	shalt  }
0x51: {  	_ =	shalt  }
0x52: {  	_ =	shalt  }
0x53: {  	_ =	shalt  }
0x54: {  	_ =	shalt  }
0x55: {  	_ =	shalt  }
0x56: {  	_ =	shalt  }
0x57: {  	_ =	shalt  }
0x58: {  	_ =	shalt  }
0x59: {  	_ =	shalt  }
0x5a: {  	_ =	shalt  }
0x5b: {  	_ =	shalt  }
0x5c: {  	_ =	shalt  }
0x5d: {  	_ =	shalt  }
0x5e: {  	_ =	shalt  }
0x5f: {  	_ =	shalt  }
0x60: {  	_ =	shalt  }
0x61: {  	_ =	shalt  }
0x62: {  	_ =	shalt  }
0x63: {  	_ =	shalt  }
0x64: {  	_ =	shalt  }
0x65: {  	_ =	shalt  }
0x66: {  	_ =	shalt  }
0x67: {  	_ =	shalt  }
0x68: {  	_ =	shalt  }
0x69: {  	_ =	shalt  }
0x6a: {  	_ =	shalt  }
0x6b: {  	_ =	shalt  }
0x6c: {  	_ =	shalt  }
0x6d: {  	_ =	shalt  }
0x6e: {  	_ =	shalt  }
0x6f: {  	_ =	shalt  }
0x70: {  	_ =	shalt  }
0x71: {  	_ =	shalt  }
0x72: {  	_ =	shalt  }
0x73: {  	_ =	shalt  }
0x74: {  	_ =	shalt  }
0x75: {  	_ =	shalt  }
0x76: {  	_ =	shalt  }
0x77: {  	_ =	shalt  }
0x78: {  	_ =	shalt  }
0x79: {  	_ =	shalt  }
0x7a: {  	_ =	shalt  }
0x7b: {  	_ =	shalt  }
0x7c: {  	_ =	shalt  }
0x7d: {  	_ =	shalt  }
0x7e: {  	_ =	shalt  }
0x7f: {  	_ =	shalt  }
0x80: {  	_ =	shalt  }
0x81: {  	_ =	shalt  }
0x82: {  	_ =	shalt  }
0x83: {  	_ =	shalt  }
0x84: {  	_ =	shalt  }
0x85: {  	_ =	shalt  }
0x86: {  	_ =	shalt  }
0x87: {  	_ =	shalt  }
.Lfunc_end0:
.L_simem_size_0:
called_computation_lowered:
.L_overlay_start_0:
0x88: {  	s2 =	sld [smem:$0x3FD9]  }
0x89: {  	s3 =	sld [smem:$0x3FFE];
	_ =	sdelay $0x1  }
0x8a: {  	s1 =	srdreg.scid  }
0x8b: {  	s0 =	sand.u32 $0x1, s1  }
0x8c: {  	s17 =	sshll.u32 s0, $0xA;
	s2 =	sadd.s32 s3, s2  }
0x8d: {  	s2 =	sadd.s32 s2, s17  }
0x8e: {  	[smem:$0x3FBB] =	sst s2  }
0x8f: {  	_ = 	snop  }
0x90: {  	s2 =	sld [smem:$0x3FD0];
	(tm) =	ssettm $0x1  }
0x91: {  	s18 =	sld [smem:$0x3FFB];
	_ =	sdelay $0x3  }
0x92: {  	_ =	strace s18  }
0x93: {  	s3 =	sld [smem:$0x3FFC];
	_ =	sdelay $0x3  }
0x94: {  	_ =	strace s3  }
0x95: {  	s3 =	sld [smem:$0x3FFD];
	_ =	sdelay $0x3  }
0x96: {  	_ =	strace s3  }
0x97: {  	_ =	strace $0x8FFFFFFF  }
0x98: {  	s19 =	sld [smem:$0x3FDB];
	_ =	sdelay $0x1  }
0x99: {  	s4 =	simm.s32 $_scs_section_size  }
0x9a: {  	s5 =	simm.s32 $_size__tile_overlayer_lowered;
	s6 =	simm.s32 $_tile_overlayer_lowered  }
0x9b: {  	s22 =	simm.s32 $0x1BFF;
	s21 =	sshll.u32 s6, $0x1;
	s3 =	sadd.s32 s4, s19  }
0x9c: {  	s7 =	simm.s32 $0x0;
	s20 =	sshll.u32 s5, $0x1;
	s5 =	sadd.s32 s21, s3  }
0x9d: {  	[timem:s7], [sflag:s22] =	dma.local [hbm:s5], s20  }
0x9e: {  	_ =	swait.ge [sflag:s22], s20  }
0x9f: {  	s4 =	ssub.s32 $0x0, s20;
	[sflag:s22] =	ssyncset.done $0x0  }
0xa0: {  	[sflag:s22] =	ssyncadd.s32 s4;
	_ =	sdelay $0x1  }
0xa1: {  	s23 =	simm.s32 $0x1B8B  }
0xa2: {  	_ =	swait.ge [sflag:s23], $0x1  }
0xa3: {  	[sflag:s23] =	ssyncset.done $0x0  }
0xa4: {  	s25 =	simm.s32 $0x1B8E;
	s24 =	sld [smem:$0x3FFE];
	[sflag:s23] =	ssyncadd.s32 $0xFFFFFFFF  }
0xa5: {  	s26 =	simm.s32 $execute0_lowered;
	[smem:$0x3FD2] =	sst s25  }
0xa6: {  	s5 =	sshll.u32 s26, $0x1;
	_ =	strace $0x80000046;
	[dreg:$0x1] =	wrdreg $0xFFFFFFFF  }
0xa7: {  	s28 =	simm.s32 $_size_execute0_lowered;
	s3 =	sadd.s32 s3, s5;
	[dreg:$0x0] =	wrdreg $0x0  }
0xa8: {  	s5 =	sshll.u32 s28, $0x1;
	[dreg:$0x2] =	wrdreg s3  }
0xa9: {  	[dreg:$0x3] =	wrdreg s5  }
0xaa: {  	[dreg:$0x4] =	wrdreg $0xC0  }
0xab: {  	_ =	task [dreg:s7], $0x5FFFF  }
0xac: {  	[dreg:$0x1] =	wrdreg $0xFFFFFFFF  }
0xad: {  	[dreg:$0x0] =	wrdreg $0x60  }
0xae: {  	[dreg:$0x2] =	wrdreg s2  }
0xaf: {  	[dreg:$0x3] =	wrdreg s24  }
0xb0: {  	[dreg:$0x4] =	wrdreg $0x68000  }
0xb1: {  	[dreg:$0x5] =	wrdreg $0x9  }
0xb2: {  	_ =	task.clear_ibuf [dreg:s7], $0x6FFFF;
	_ =	strace $0x90000046  }
0xb3: {  	s29 =	simm.s32 $0x9;
	_ =	strace $0x80000048  }
0xb4: {  	_ =	swait.ge [sflag:s29], $0x1  }
0xb5: {  	[sflag:s29] =	ssyncadd.s32 $0xFFFFFFFF  }
0xb6: {  	_ =	strace $0x90000048  }
0xb7: {  	_ =	sfence  }
0xb8: {  	s30 =	sld [smem:$0x0];
	_ =	sdelay $0x2  }
0xb9: {  	s31 =	sshll.u32 s1, $0xD;
	s1 =	sshrl.u32 s1, $0x2  }
0xba: {  	s3 =	sand.u32 $0x4000, s31;
	s1 =	sadd.s32 s1, s30  }
0xbb: {  	s0 =	sor.u32 s3, s0;
	s1 =	sshll.u32 s1, $0x11  }
0xbc: {  	s0 =	sor.u32 s1, s0  }
0xbd: {  	s0 =	sadd.s32 $0x8F2B, s0  }
0xbe: {  	[sflag:s0] =	ssyncadd.remote.s32 $0x1  }
0xbf: {  	_ =	sfence.sel $0xFFFF  }
0xc0: {  	[dreg:$0x0] =	wrdreg $0xFFFFFFFF;
	(pc) =	sbr.abs _section_cstart, $3  }
0xc1: {  	[dreg:$0x1] =	wrdreg $0xFFFFFFFF  }
0xc2: {  	_ =	task.clear_ibuf [dreg:s7], $0x2FFFF;
	_ =	strace $0x9FFFFFFF  }
0xc3: {  	(tm) =	ssettm $0x7FFFFFFF  }
tec
execute0_lowered:
.L_overlay_start_1:
0x0: {  	(tag) =	ssettag $0x1  }
0x1: {  	s7 =	rddreg [dreg:$0x0]  }
0x2: {  	s6 =	rddreg [dreg:$0x1]  }
0x3: {  	s1 =	rddreg [dreg:$0x2]  }
0x4: {  	s0 =	rddreg [dreg:$0x3];
	s2 =	simm.s32 $0x0;
	s3 =	srdreg.scid  }
0x5: {  	[smem:$0x7FF] =	sst s2;
	s4 =	sand.u32 $0x1, s3  }
0x6: {  	s3 =	stileid.u32;
	s8 =	smul.u32 $0x28000, s4  }
0x7: {  	s5 =	sadd.s32 $0x6C00, s6;
	_ =	strace $0x80000047;
	s10 =	smul.u32 $0x50000, s3  }
0x8: {  	s9 =	ssub.s32 $0x2, s4;
	s4 =	sadd.s32 $0x9400, s6;
	s13 =	smul.u32 $0x2800, s3  }
0x9: {  	s30 =	sshll.u32 s3, $0x6;
	s11 =	sshrl.u32 s9, $0x1;
	s12 =	sadd.s32 s8, s6  }
0xa: {  	s9 =	ssub.s32 s9, s11;
	s29 =	sshrl.u32 s10, $0x2;
	s8 =	sadd.s32 s13, s8  }
0xb: {  	s6 =	sor.u32 $0x1C01, s30;
	s10 =	simm.s32 $0x1;
	s11 =	simm.s32 $0x2800  }
0xc: {  	s31 =	sadd.s32 s29, s1;
	s8 =	sshrl.u32 s8, $0x3;
	s14 =	sadd.s32 $0x9C00, s12  }
0xd: {  	s12 =	simm.s32 $0x80;
	s7 =	sadd.s32 s7, s8;
	s8 =	smax.u32 s9, $0x1  }
0xe: {  	s9 =	sshrl.u32 s31, $0x3;
	s13 =	sadd.s32 s13, s14;
	s14 =	simm.s32 $0x0  }
.LBB2_1:
0xf: {  	[spmem:s9], [sflag:s6] =	dma.local [hbm:s5], $0x2800  }
0x10: {  	_ =	swait.ge [sflag:s10], $0x2800  }
0x11: {  	[sflag:s10] =	ssyncset.done $0x0  }
0x12: {  	[sflag:s10] =	ssyncadd.s32 $0xFFFFD800  }
0x13: {  	[tilespmem:s2], [sflag:$0x1] =	stream.linear.gather [hbm4b:s7+s2], $0x2780, $0x38;
	[tilespmem:$0x9000] =	vst v63  }
0x14: {  	_ =	swait.ge [sflag:s10], $0x2780  }
0x15: {  	[sflag:s10] =	ssyncset.done $0x0  }
0x16: {  	[sflag:s10] =	ssyncadd.s32 $0xFFFFD880  }
0x17: {  	[tilespmem:s11], [sflag:$0x1] =	stream.linear.gather [hbm4b:s4+s2], $0x4000, $0x38;
	[tilespmem:$0x9000] =	vst v63  }
0x18: {  	_ =	swait.ge [sflag:s10], $0x4000  }
0x19: {  	[sflag:s10] =	ssyncset.done $0x0  }
0x1a: {  	[sflag:s10] =	ssyncadd.s32 $0xFFFFC000  }
0x1b: {  	s15 =	simm.s32 $0x0;
	[bflag:$0x0] =	sbarrier.arrive $0xFFFF  }
0x1c: {  	[spmem:s1] =	stream.indirect.scatter.add.f32 [tilespmem:s11], [sflag:$0x1], $0x10, s15, s12, $0xb8;
	[tilespmem:$0x9000] =	vst v63  }
0x1d: {  	_ =	swait.ge [sflag:s10], $0x800  }
0x1e: {  	s15 =	simm.s32 $0x200;
	[sflag:s10] =	ssyncset.done $0x0  }
.LBB2_2:
0x1f: {  	s16 =	sshra.s32 s15, $0x2;
	[sflag:s10] =	ssyncadd.s32 $0xFFFFF800;
	p0 =	sne.s32 s15, $0x9C00  }
0x20: {  	[spmem:s1] =	stream.indirect.scatter.add.f32 [tilespmem:s11], [sflag:$0x1], $0x10, s16, s12, $0xb8;
	[tilespmem:$0x9000] =	vst v63  }
.Ltmp0:
0x21: {  	_ = 	snop;
	(pc) =	sbr.rel @p0 .LBB2_2-.Ltmp0, $4  }
0x22: {  	_ = 	snop  }
0x23: {  	s15 =	sadd.s32 $0x200, s15  }
0x24: {  	_ =	swait.ge [sflag:s10], $0x800  }
0x25: {  	[sflag:s10] =	ssyncset.done $0x0  }
0x26: {  	s14 =	sadd.s32 $0x1, s14  }
0x27: {  	[sflag:s10] =	ssyncadd.s32 $0xFFFFF800;
	p0 =	sne.s32 s14, s8  }
.Ltmp1:
0x28: {  	[bflag:$0x0] =	sbarrier.arrive $0xFFFF;
	(pc) =	sbr.rel @p0 .LBB2_1-.Ltmp1, $4  }
0x29: {  	[hbm:s13], [sflag:s6] =	dma.local [spmem:s9], $0x2800  }
0x2a: {  	_ =	swait.ge [sflag:s10], $0x2800  }
0x2b: {  	[sflag:s10] =	ssyncset.done $0x0  }
0x2c: {  	[sflag:s10] =	ssyncadd.s32 $0xFFFFD800  }
0x2d: {  	_ =	sfence.sel $0x180000  }
0x2e: {  	[bflag:$0x0] =	sbarrier.arrive $0xFFFF  }
0x2f: {  	p0 =	sne.s32 s3, $0x0;
	_ =	strace $0x90000047  }
0x30: {  	s0 =	sadd.s32 @!p0 $0x100000, s0;
	[bflag:$0x2] =	sbarrier.arrive $0xFFFF  }
0x31: {  	[sflag:s0] =	ssyncadd.tile.s32 @!p0 $0x1;
	_ =	shalt  }
.Lfunc_end2:
_tile_overlayer_lowered:
.L_overlay_start_2:
0x32: {  	(tag) =	ssettag $0x2  }
0x33: {  	s0 =	rddreg [dreg:$0x0];
	s2 =	stileid.u32  }
0x34: {  	s1 =	rddreg [dreg:$0x1];
	p0 =	sne.s32 s2, $0x0  }
0x35: {  	s3 =	rddreg [dreg:$0x2];
	[bflag:$0x3] =	sbarrier.arrive $0xFFFF;
	s2 =	simm.s32 @!p0 $0x1C01  }
0x36: {  	[timem:s3], [sflag:s2] =	dma.local @!p0 [hbm:s0], s1  }
0x37: {  	s0 =	simm.s32 @!p0 $0x1  }
0x38: {  	_ =	swait.ge @!p0 [sflag:s0], s1  }
0x39: {  	s1 =	ssub.s32 @!p0 $0x0, s1;
	[sflag:s0] =	ssyncset.done @!p0 $0x0  }
0x3a: {  	[sflag:s0] =	ssyncadd.s32 @!p0 s1  }
0x3b: {  	[bflag:$0x3] =	sbarrier.arrive $0xFFFF  }
0x3c: {  	_ =	shalt  }

// kernel: kernel.19.cloned.1.call-start
scs
__scs_entry_jumppad:
0x0: {  	(pc) =	sbr.rel $0x88, $3  }
0x1: {  	(tag) =	ssettag $0x0;
	lr =	simm.s32 $0x1  }
0x2: {  	[smem:$0x3F94] =	sst lr;
	_ =	strace $0xD0000000  }
0x3: {  	_ = 	snop  }
0x4: {  	_ = 	snop  }
0x5: {  	_ = 	snop  }
0x6: {  	_ = 	snop  }
0x7: {  	_ = 	snop  }
__scs_overlays_trampoline_lowered:
0x8: {  	[smem:$0x3FA3] =	sst s0  }
0x9: {  	[smem:$0x3FA4] =	sst s1  }
0xa: {  	[smem:$0x3FA5] =	sst s2  }
0xb: {  	[smem:$0x3FA6] =	sst s3  }
0xc: {  	[smem:$0x3FA7] =	sst s4  }
0xd: {  	[smem:$0x3FA8] =	sst s5  }
0xe: {  	[smem:$0x3FA9] =	sst s6  }
0xf: {  	[smem:$0x3FAA] =	sst s7  }
0x10: {  	[smem:$0x3FAB] =	sst s8  }
0x11: {  	[smem:$0x3FAC] =	sst s9;
	s0 =	simm.s32 @!p0 $0x0  }
0x12: {  	s1 =	sld [smem:$0x3F92];
	s0 =	simm.s32 @p0 $0x1  }
0x13: {  	[smem:$0x3FAD] =	sst s0;
	s0 =	simm.s32 @!p1 $0x0  }
0x14: {  	s2 =	sld [smem:$0x3F91];
	s0 =	simm.s32 @p1 $0x1  }
0x15: {  	[smem:$0x3FAE] =	sst s0;
	s0 =	simm.s32 @!p2 $0x0  }
0x16: {  	s3 =	sld [smem:$0x3FDB];
	s0 =	simm.s32 @p2 $0x1  }
0x17: {  	s4 =	simm.s32 $0x1BF5;
	[smem:$0x3FB0] =	sst s0  }
0x18: {  	s0 =	sld [smem:$0x3F93];
	_ =	swait.ge [sflag:s4], $0x0  }
0x19: {  	s7 =	sld [smem:$0x3F94]  }
0x1a: {  	s8 =	sadd.s32 $0xFFFFE003, lr  }
0x1b: {  	s9 =	sadd.s32 $0xFFFFFEF7, lr;
	s5 =	simm.s32 $0xFFFFFFFF;
	p2 =	slt.u32 s8, $0xFFFFF086  }
0x1c: {  	p1 =	slt.u32 s9, $0xF7A;
	s5 =	simm.s32 @!p2 $0x0  }
0x1d: {  	s5 =	simm.s32 @p1 $0x1;
	p0 =	seq.s32 s7, s2  }
0x1e: {  	s7 =	smul.u32 @!p0 $0xF7A, s2;
	p2 =	seq.s32 @!p0 s5, $0x0  }
0x1f: {  	s9 =	smul.u32 $0xF7A, s1;
	s8 =	simm.s32 @!p0 $0x1BF5;
	p2 =	por !p2, p0  }
0x20: {  	[sflag:s8] =	ssyncset.s32 @!p0 $0xFFFFF086;
	s6 =	sadd.s32 @!p0 s3, s7;
	s7 =	simm.s32 @!p0 $0x108  }
0x21: {  	s3 =	sadd.s32 s3, s9;
	s6 =	sadd.s32 @!p0 $0x88, s6;
	s7 =	simm.s32 @p2 $0x1082  }
0x22: {  	[simem:s7], [sflag:s8] =	dma.local @!p0 [hbm:s6], $0xF7A  }
0x23: {  	s9 =	sor.u32 $0xD0000000, s2;
	s6 =	simm.s32 $0x108;
	_ =	swait.ge @!p0 [sflag:s8], $0x0  }
0x24: {  	s3 =	sadd.s32 $0x88, s3;
	s6 =	simm.s32 @!p1 $0x1082;
	[sflag:s4] =	ssyncset.s32 $0xFFFFF086  }
0x25: {  	[simem:s6], [sflag:s4] =	dma.local [hbm:s3], $0xF7A  }
0x26: {  	[smem:$0x3F94] =	sst s1;
	(tag) =	ssettag s2;
	_ =	strace s9  }
0x27: {  	s1 =	sld [smem:$0x3FA4]  }
0x28: {  	s2 =	sld [smem:$0x3FA5]  }
0x29: {  	s4 =	sld [smem:$0x3FA7]  }
0x2a: {  	p0 =	seq.s32 s5, $0x0;
	s5 =	sld [smem:$0x3FA8]  }
0x2b: {  	s6 =	sld [smem:$0x3FA9]  }
0x2c: {  	s7 =	sld [smem:$0x3FAA]  }
0x2d: {  	s3 =	simm.s32 $0x108;
	s8 =	sld [smem:$0x3FAB]  }
0x2e: {  	s3 =	simm.s32 @!p0 $0x1082;
	s9 =	sld [smem:$0x3FAC]  }
0x2f: {  	lr =	sadd.s32 s0, s3;
	s0 =	sld [smem:$0x3FA3]  }
0x30: {  	s3 =	sld [smem:$0x3FA6]  }
0x31: {  	[smem:$0x3FAF] =	sst s10  }
0x32: {  	s10 =	sld [smem:$0x3FAD];
	_ =	sdelay $0x3  }
0x33: {  	p0 =	seq.s32 s10, $0x1;
	s10 =	sld [smem:$0x3FAF];
	_ =	sdelay $0x3  }
0x34: {  	[smem:$0x3FAF] =	sst s10  }
0x35: {  	s10 =	sld [smem:$0x3FAE];
	_ =	sdelay $0x3  }
0x36: {  	p1 =	seq.s32 s10, $0x1;
	s10 =	sld [smem:$0x3FAF];
	_ =	sdelay $0x3  }
0x37: {  	[smem:$0x3FAF] =	sst s10  }
0x38: {  	s10 =	sld [smem:$0x3FB0]  }
0x39: {  	_ = 	snop;
	(pc) =	sbr.ind lr, $3  }
0x3a: {  	_ = 	snop  }
0x3b: {  	_ = 	snop  }
0x3c: {  	p2 =	seq.s32 s10, $0x1;
	s10 =	sld [smem:$0x3FAF]  }
0x3d: {  	_ =	shalt  }
0x3e: {  	_ =	shalt  }
0x3f: {  	_ =	shalt  }
0x40: {  	_ =	shalt  }
0x41: {  	_ =	shalt  }
0x42: {  	_ =	shalt  }
0x43: {  	_ =	shalt  }
0x44: {  	_ =	shalt  }
0x45: {  	_ =	shalt  }
0x46: {  	_ =	shalt  }
0x47: {  	_ =	shalt  }
0x48: {  	_ =	shalt  }
0x49: {  	_ =	shalt  }
0x4a: {  	_ =	shalt  }
0x4b: {  	_ =	shalt  }
0x4c: {  	_ =	shalt  }
0x4d: {  	_ =	shalt  }
0x4e: {  	_ =	shalt  }
0x4f: {  	_ =	shalt  }
0x50: {  	_ =	shalt  }
0x51: {  	_ =	shalt  }
0x52: {  	_ =	shalt  }
0x53: {  	_ =	shalt  }
0x54: {  	_ =	shalt  }
0x55: {  	_ =	shalt  }
0x56: {  	_ =	shalt  }
0x57: {  	_ =	shalt  }
0x58: {  	_ =	shalt  }
0x59: {  	_ =	shalt  }
0x5a: {  	_ =	shalt  }
0x5b: {  	_ =	shalt  }
0x5c: {  	_ =	shalt  }
0x5d: {  	_ =	shalt  }
0x5e: {  	_ =	shalt  }
0x5f: {  	_ =	shalt  }
0x60: {  	_ =	shalt  }
0x61: {  	_ =	shalt  }
0x62: {  	_ =	shalt  }
0x63: {  	_ =	shalt  }
0x64: {  	_ =	shalt  }
0x65: {  	_ =	shalt  }
0x66: {  	_ =	shalt  }
0x67: {  	_ =	shalt  }
0x68: {  	_ =	shalt  }
0x69: {  	_ =	shalt  }
0x6a: {  	_ =	shalt  }
0x6b: {  	_ =	shalt  }
0x6c: {  	_ =	shalt  }
0x6d: {  	_ =	shalt  }
0x6e: {  	_ =	shalt  }
0x6f: {  	_ =	shalt  }
0x70: {  	_ =	shalt  }
0x71: {  	_ =	shalt  }
0x72: {  	_ =	shalt  }
0x73: {  	_ =	shalt  }
0x74: {  	_ =	shalt  }
0x75: {  	_ =	shalt  }
0x76: {  	_ =	shalt  }
0x77: {  	_ =	shalt  }
0x78: {  	_ =	shalt  }
0x79: {  	_ =	shalt  }
0x7a: {  	_ =	shalt  }
0x7b: {  	_ =	shalt  }
0x7c: {  	_ =	shalt  }
0x7d: {  	_ =	shalt  }
0x7e: {  	_ =	shalt  }
0x7f: {  	_ =	shalt  }
0x80: {  	_ =	shalt  }
0x81: {  	_ =	shalt  }
0x82: {  	_ =	shalt  }
0x83: {  	_ =	shalt  }
0x84: {  	_ =	shalt  }
0x85: {  	_ =	shalt  }
0x86: {  	_ =	shalt  }
0x87: {  	_ =	shalt  }
.Lfunc_end0:
.L_simem_size_0:
called_computation.1_lowered:
.L_overlay_start_0:
0x88: {  	s2 =	sld [smem:$0x3FD9]  }
0x89: {  	s3 =	sld [smem:$0x3FFE];
	_ =	sdelay $0x1  }
0x8a: {  	s1 =	srdreg.scid  }
0x8b: {  	s0 =	sand.u32 $0x1, s1  }
0x8c: {  	s17 =	sshll.u32 s0, $0xA;
	s2 =	sadd.s32 s3, s2  }
0x8d: {  	s2 =	sadd.s32 s2, s17  }
0x8e: {  	[smem:$0x3FBB] =	sst s2  }
0x8f: {  	_ = 	snop  }
0x90: {  	s2 =	sld [smem:$0x3FD0];
	(tm) =	ssettm $0x1  }
0x91: {  	s18 =	sld [smem:$0x3FFB];
	_ =	sdelay $0x3  }
0x92: {  	_ =	strace s18  }
0x93: {  	s3 =	sld [smem:$0x3FFC];
	_ =	sdelay $0x3  }
0x94: {  	_ =	strace s3  }
0x95: {  	s3 =	sld [smem:$0x3FFD];
	_ =	sdelay $0x3  }
0x96: {  	_ =	strace s3  }
0x97: {  	_ =	strace $0x8FFFFFFF  }
0x98: {  	s19 =	sld [smem:$0x3FDB];
	_ =	sdelay $0x1  }
0x99: {  	s4 =	simm.s32 $_scs_section_size  }
0x9a: {  	s5 =	simm.s32 $_size__tile_overlayer_lowered;
	s6 =	simm.s32 $_tile_overlayer_lowered  }
0x9b: {  	s22 =	simm.s32 $0x1BFF;
	s21 =	sshll.u32 s6, $0x1;
	s3 =	sadd.s32 s4, s19  }
0x9c: {  	s7 =	simm.s32 $0x0;
	s20 =	sshll.u32 s5, $0x1;
	s5 =	sadd.s32 s21, s3  }
0x9d: {  	[timem:s7], [sflag:s22] =	dma.local [hbm:s5], s20  }
0x9e: {  	_ =	swait.ge [sflag:s22], s20  }
0x9f: {  	s4 =	ssub.s32 $0x0, s20;
	[sflag:s22] =	ssyncset.done $0x0  }
0xa0: {  	[sflag:s22] =	ssyncadd.s32 s4;
	_ =	sdelay $0x1  }
0xa1: {  	s23 =	simm.s32 $0x1B8B  }
0xa2: {  	_ =	swait.ge [sflag:s23], $0x1  }
0xa3: {  	[sflag:s23] =	ssyncset.done $0x0  }
0xa4: {  	s25 =	simm.s32 $0x1B8E;
	s24 =	sld [smem:$0x3FFE];
	[sflag:s23] =	ssyncadd.s32 $0xFFFFFFFF  }
0xa5: {  	s26 =	simm.s32 $execute0_lowered;
	[smem:$0x3FD2] =	sst s25  }
0xa6: {  	s5 =	sshll.u32 s26, $0x1;
	_ =	strace $0x80000049;
	[dreg:$0x1] =	wrdreg $0xFFFFFFFF  }
0xa7: {  	s28 =	simm.s32 $_size_execute0_lowered;
	s3 =	sadd.s32 s3, s5;
	[dreg:$0x0] =	wrdreg $0x0  }
0xa8: {  	s5 =	sshll.u32 s28, $0x1;
	[dreg:$0x2] =	wrdreg s3  }
0xa9: {  	[dreg:$0x3] =	wrdreg s5  }
0xaa: {  	[dreg:$0x4] =	wrdreg $0xC0  }
0xab: {  	_ =	task [dreg:s7], $0x5FFFF  }
0xac: {  	[dreg:$0x1] =	wrdreg $0xFFFFFFFF  }
0xad: {  	[dreg:$0x0] =	wrdreg $0x60  }
0xae: {  	[dreg:$0x2] =	wrdreg s24  }
0xaf: {  	[dreg:$0x3] =	wrdreg s2  }
0xb0: {  	[dreg:$0x4] =	wrdreg $0x90000  }
0xb1: {  	[dreg:$0x5] =	wrdreg $0x9  }
0xb2: {  	_ =	task.clear_ibuf [dreg:s7], $0x6FFFF;
	_ =	strace $0x90000049  }
0xb3: {  	s29 =	simm.s32 $0x9;
	_ =	strace $0x8000004B  }
0xb4: {  	_ =	swait.ge [sflag:s29], $0x1  }
0xb5: {  	[sflag:s29] =	ssyncadd.s32 $0xFFFFFFFF  }
0xb6: {  	_ =	strace $0x9000004B  }
0xb7: {  	_ =	sfence  }
0xb8: {  	s30 =	sld [smem:$0x0];
	_ =	sdelay $0x2  }
0xb9: {  	s31 =	sshll.u32 s1, $0xD;
	s1 =	sshrl.u32 s1, $0x2  }
0xba: {  	s3 =	sand.u32 $0x4000, s31;
	s1 =	sadd.s32 s1, s30  }
0xbb: {  	s0 =	sor.u32 s3, s0;
	s1 =	sshll.u32 s1, $0x11  }
0xbc: {  	s0 =	sor.u32 s1, s0  }
0xbd: {  	s0 =	sadd.s32 $0x8F2B, s0  }
0xbe: {  	[sflag:s0] =	ssyncadd.remote.s32 $0x1  }
0xbf: {  	_ =	sfence.sel $0xFFFF  }
0xc0: {  	[dreg:$0x0] =	wrdreg $0xFFFFFFFF;
	(pc) =	sbr.abs _section_cstart, $3  }
0xc1: {  	[dreg:$0x1] =	wrdreg $0xFFFFFFFF  }
0xc2: {  	_ =	task.clear_ibuf [dreg:s7], $0x2FFFF;
	_ =	strace $0x9FFFFFFF  }
0xc3: {  	(tm) =	ssettm $0x7FFFFFFF  }
tec
execute0_lowered:
.L_overlay_start_1:
0x0: {  	(tag) =	ssettag $0x1  }
0x1: {  	s0 =	rddreg [dreg:$0x0];
	s1 =	srdreg.scid  }
0x2: {  	s3 =	rddreg [dreg:$0x2];
	s9 =	stileid.u32;
	s4 =	simm.s32 $0x0  }
0x3: {  	s16 =	simm.s32 $0x100;
	s17 =	simm.s32 $0x880;
	s18 =	simm.s32 $0x180  }
0x4: {  	s19 =	simm.s32 $0x900;
	s20 =	simm.s32 $0x200;
	[smem:$0x7FF] =	sst s4  }
0x5: {  	s21 =	simm.s32 $0x980;
	_ =	strace $0x8000004A;
	[dreg:$0x6] =	wrdreg s16  }
0x6: {  	s10 =	simm.s32 $0x800;
	s22 =	simm.s32 $0x280;
	[dreg:$0x7] =	wrdreg s17  }
0x7: {  	s11 =	simm.s32 $0x80;
	s23 =	simm.s32 $0xA00;
	[dreg:$0x8] =	wrdreg s18  }
0x8: {  	s24 =	simm.s32 $0x300;
	s25 =	simm.s32 $0xA80;
	[dreg:$0x9] =	wrdreg s19  }
0x9: {  	s26 =	simm.s32 $0x380;
	s28 =	simm.s32 $0x680;
	[dreg:$0xa] =	wrdreg s20  }
0xa: {  	s29 =	simm.s32 $0xE00;
	s5 =	smul.u32 $0x5000, s9;
	[dreg:$0xb] =	wrdreg s21  }
0xb: {  	s30 =	simm.s32 $0x700;
	s6 =	smul.u32 $0xA00, s9;
	[dreg:$0xc] =	wrdreg s22  }
0xc: {  	s1 =	sand.u32 $0x1, s1;
	s8 =	smul.u32 $0x50000, s9;
	[dreg:$0xd] =	wrdreg s23  }
0xd: {  	s31 =	simm.s32 $0xE80;
	s2 =	smul.u32 $0x50000, s1;
	[dreg:$0xe] =	wrdreg s24  }
0xe: {  	s14 =	sshll.u32 s9, $0x6;
	s7 =	smul.u32 $0x28000, s1;
	[dreg:$0xf] =	wrdreg s25  }
0xf: {  	s1 =	ssub.s32 $0x2, s1;
	[dreg:$0x10] =	wrdreg s26;
	s16 =	simm.s32 $0x400  }
0x10: {  	s17 =	simm.s32 $0xB80;
	s18 =	simm.s32 $0x480;
	s19 =	simm.s32 $0xC00  }
0x11: {  	s20 =	simm.s32 $0x500;
	s21 =	simm.s32 $0xC80;
	s22 =	simm.s32 $0x580  }
0x12: {  	s23 =	simm.s32 $0xD00;
	s25 =	simm.s32 $0x600;
	s26 =	simm.s32 $0xD80  }
0x13: {  	s24 =	simm.s32 $0x0;
	s6 =	sadd.s32 s6, s0;
	s12 =	sshrl.u32 s1, $0x1  }
0x14: {  	s8 =	sshrl.u32 s8, $0x2;
	s2 =	sadd.s32 s2, s5;
	s5 =	sadd.s32 $0x77C00, s0  }
0x15: {  	s1 =	ssub.s32 s1, s12;
	s13 =	sadd.s32 s8, s3;
	s15 =	sadd.s32 $0x59C00, s6  }
0x16: {  	s8 =	sor.u32 $0x1C02, s14;
	s6 =	smul.u32 $0x2800, s9;
	s9 =	simm.s32 $0x2  }
0x17: {  	s12 =	simm.s32 $0x1000;
	s14 =	simm.s32 $0x5000;
	s2 =	sshrl.u32 s2, $0x3  }
0x18: {  	[dreg:$0x5] =	wrdreg s15;
	s1 =	smax.u32 s1, $0x1;
	s15 =	simm.s32 $0xB00  }
0x19: {  	[dreg:$0x11] =	wrdreg s8;
	s2 =	sadd.s32 s2, s0;
	s0 =	sadd.s32 s7, s0  }
0x1a: {  	[dreg:$0x12] =	wrdreg s1;
	s7 =	sshrl.u32 s13, $0x3;
	s13 =	simm.s32 $0x1  }
0x1b: {  	s2 =	sadd.s32 $0x63C00, s2;
	s0 =	sadd.s32 $0xC5E00, s0;
	[dreg:$0x13] =	wrdreg s7  }
0x1c: {  	s1 =	simm.s32 $0xF00;
	[dreg:$0x4] =	wrdreg s2;
	s0 =	sadd.s32 s6, s0  }
0x1d: {  	s2 =	simm.s32 $0xF80;
	[dreg:$0x14] =	wrdreg s0;
	s0 =	simm.s32 $0x780  }
.LBB2_1:
0x1e: {  	[dreg:$0x15] =	wrdreg s24  }
0x1f: {  	s6 =	rddreg [dreg:$0x1]  }
0x20: {  	[spmem:s7], [sflag:s8] =	dma.local [hbm:s6], $0x2800  }
0x21: {  	_ =	swait.ge [sflag:s9], $0x2800  }
0x22: {  	[sflag:s9] =	ssyncset.done $0x0  }
0x23: {  	[sflag:s9] =	ssyncadd.s32 $0xFFFFD800  }
0x24: {  	[bflag:$0x0] =	sbarrier.arrive $0xFFFF  }
0x25: {  	s7 =	rddreg [dreg:$0x4]  }
0x26: {  	s6 =	sadd.s32 $0x0, s7  }
0x27: {  	[tilespmem:s4], [sflag:$0x2] =	stream.linear.gather [hbm4b:s6+s4], $0x800, $0x38;
	[tilespmem:$0x1D000] =	vst v63  }
0x28: {  	_ =	swait.ge [sflag:s9], $0x800  }
0x29: {  	s8 =	rddreg [dreg:$0x5];
	[sflag:s9] =	ssyncset.done $0x0  }
0x2a: {  	[sflag:s9] =	ssyncadd.s32 $0xFFFFF800;
	s6 =	sadd.s32 $0x0, s8  }
0x2b: {  	[tilespmem:s10], [sflag:$0x2] =	stream.linear.gather [hbm4b:s6+s4], $0x800, $0x38;
	[tilespmem:$0x1D000] =	vst v63  }
0x2c: {  	_ =	swait.ge [sflag:s9], $0x800  }
0x2d: {  	[sflag:s9] =	ssyncset.done $0x0  }
0x2e: {  	[sflag:s9] =	ssyncadd.s32 $0xFFFFF800  }
0x2f: {  	[tilespmem:s12], [sflag:$0x1] =	stream.indirect.gather [hbm4b:s5+s11], $0x80, s4, s11, $0xb8;
	[tilespmem:$0x1D000] =	vst v63  }
0x30: {  	_ =	swait.ge [sflag:s13], $0x4000  }
0x31: {  	[sflag:s13] =	ssyncset.done $0x0  }
0x32: {  	[sflag:s13] =	ssyncadd.s32 $0xFFFFC000  }
0x33: {  	[tilespmem:s14], [sflag:$0x1] =	stream.indirect.gather [hbm4b:s5+s11], $0x80, s11, s11, $0xb8;
	[tilespmem:$0x1D000] =	vst v63  }
0x34: {  	_ = 	snop  }
0x35: {  	[spmem:s3] =	stream.indirect.scatter.add.f32 [tilespmem:s12], [sflag:$0x2], $0x80, s10, s11, $0xb8;
	[tilespmem:$0x1D000] =	vst v63  }
0x36: {  	_ =	swait.ge [sflag:s9], $0x4000  }
0x37: {  	[sflag:s9] =	ssyncset.done $0x0  }
0x38: {  	[sflag:s9] =	ssyncadd.s32 $0xFFFFC000  }
0x39: {  	_ =	swait.ge [sflag:s13], $0x4000  }
0x3a: {  	[sflag:s13] =	ssyncset.done $0x0  }
0x3b: {  	s24 =	rddreg [dreg:$0x6];
	[sflag:s13] =	ssyncadd.s32 $0xFFFFC000  }
0x3c: {  	[tilespmem:s12], [sflag:$0x1] =	stream.indirect.gather [hbm4b:s5+s11], $0x80, s24, s11, $0xb8;
	[tilespmem:$0x1D000] =	vst v63  }
0x3d: {  	s7 =	rddreg [dreg:$0x7]  }
0x3e: {  	[spmem:s3] =	stream.indirect.scatter.add.f32 [tilespmem:s14], [sflag:$0x2], $0x80, s7, s11, $0xb8;
	[tilespmem:$0x1D000] =	vst v63  }
0x3f: {  	_ =	swait.ge [sflag:s9], $0x4000  }
0x40: {  	[sflag:s9] =	ssyncset.done $0x0  }
0x41: {  	[sflag:s9] =	ssyncadd.s32 $0xFFFFC000  }
0x42: {  	_ =	swait.ge [sflag:s13], $0x4000  }
0x43: {  	[sflag:s13] =	ssyncset.done $0x0  }
0x44: {  	s24 =	rddreg [dreg:$0x8];
	[sflag:s13] =	ssyncadd.s32 $0xFFFFC000  }
0x45: {  	[tilespmem:s14], [sflag:$0x1] =	stream.indirect.gather [hbm4b:s5+s11], $0x80, s24, s11, $0xb8;
	[tilespmem:$0x1D000] =	vst v63  }
0x46: {  	s7 =	rddreg [dreg:$0x9]  }
0x47: {  	[spmem:s3] =	stream.indirect.scatter.add.f32 [tilespmem:s12], [sflag:$0x2], $0x80, s7, s11, $0xb8;
	[tilespmem:$0x1D000] =	vst v63  }
0x48: {  	_ =	swait.ge [sflag:s9], $0x4000  }
0x49: {  	[sflag:s9] =	ssyncset.done $0x0  }
0x4a: {  	[sflag:s9] =	ssyncadd.s32 $0xFFFFC000  }
0x4b: {  	_ =	swait.ge [sflag:s13], $0x4000  }
0x4c: {  	[sflag:s13] =	ssyncset.done $0x0  }
0x4d: {  	s24 =	rddreg [dreg:$0xa];
	[sflag:s13] =	ssyncadd.s32 $0xFFFFC000  }
0x4e: {  	[tilespmem:s12], [sflag:$0x1] =	stream.indirect.gather [hbm4b:s5+s11], $0x80, s24, s11, $0xb8;
	[tilespmem:$0x1D000] =	vst v63  }
0x4f: {  	s7 =	rddreg [dreg:$0xb]  }
0x50: {  	[spmem:s3] =	stream.indirect.scatter.add.f32 [tilespmem:s14], [sflag:$0x2], $0x80, s7, s11, $0xb8;
	[tilespmem:$0x1D000] =	vst v63  }
0x51: {  	_ =	swait.ge [sflag:s9], $0x4000  }
0x52: {  	[sflag:s9] =	ssyncset.done $0x0  }
0x53: {  	[sflag:s9] =	ssyncadd.s32 $0xFFFFC000  }
0x54: {  	_ =	swait.ge [sflag:s13], $0x4000  }
0x55: {  	[sflag:s13] =	ssyncset.done $0x0  }
0x56: {  	s24 =	rddreg [dreg:$0xc];
	[sflag:s13] =	ssyncadd.s32 $0xFFFFC000  }
0x57: {  	[tilespmem:s14], [sflag:$0x1] =	stream.indirect.gather [hbm4b:s5+s11], $0x80, s24, s11, $0xb8;
	[tilespmem:$0x1D000] =	vst v63  }
0x58: {  	s7 =	rddreg [dreg:$0xd]  }
0x59: {  	[spmem:s3] =	stream.indirect.scatter.add.f32 [tilespmem:s12], [sflag:$0x2], $0x80, s7, s11, $0xb8;
	[tilespmem:$0x1D000] =	vst v63  }
0x5a: {  	_ =	swait.ge [sflag:s9], $0x4000  }
0x5b: {  	[sflag:s9] =	ssyncset.done $0x0  }
0x5c: {  	[sflag:s9] =	ssyncadd.s32 $0xFFFFC000  }
0x5d: {  	_ =	swait.ge [sflag:s13], $0x4000  }
0x5e: {  	[sflag:s13] =	ssyncset.done $0x0  }
0x5f: {  	s24 =	rddreg [dreg:$0xe];
	[sflag:s13] =	ssyncadd.s32 $0xFFFFC000  }
0x60: {  	[tilespmem:s12], [sflag:$0x1] =	stream.indirect.gather [hbm4b:s5+s11], $0x80, s24, s11, $0xb8;
	[tilespmem:$0x1D000] =	vst v63  }
0x61: {  	s7 =	rddreg [dreg:$0xf]  }
0x62: {  	[spmem:s3] =	stream.indirect.scatter.add.f32 [tilespmem:s14], [sflag:$0x2], $0x80, s7, s11, $0xb8;
	[tilespmem:$0x1D000] =	vst v63  }
0x63: {  	_ =	swait.ge [sflag:s9], $0x4000  }
0x64: {  	[sflag:s9] =	ssyncset.done $0x0  }
0x65: {  	[sflag:s9] =	ssyncadd.s32 $0xFFFFC000  }
0x66: {  	_ =	swait.ge [sflag:s13], $0x4000  }
0x67: {  	[sflag:s13] =	ssyncset.done $0x0  }
0x68: {  	s24 =	rddreg [dreg:$0x10];
	[sflag:s13] =	ssyncadd.s32 $0xFFFFC000  }
0x69: {  	[tilespmem:s14], [sflag:$0x1] =	stream.indirect.gather [hbm4b:s5+s11], $0x80, s24, s11, $0xb8;
	[tilespmem:$0x1D000] =	vst v63  }
0x6a: {  	_ = 	snop  }
0x6b: {  	[spmem:s3] =	stream.indirect.scatter.add.f32 [tilespmem:s12], [sflag:$0x2], $0x80, s15, s11, $0xb8;
	[tilespmem:$0x1D000] =	vst v63  }
0x6c: {  	_ =	swait.ge [sflag:s9], $0x4000  }
0x6d: {  	[sflag:s9] =	ssyncset.done $0x0  }
0x6e: {  	[sflag:s9] =	ssyncadd.s32 $0xFFFFC000  }
0x6f: {  	_ =	swait.ge [sflag:s13], $0x4000  }
0x70: {  	[sflag:s13] =	ssyncset.done $0x0  }
0x71: {  	[sflag:s13] =	ssyncadd.s32 $0xFFFFC000  }
0x72: {  	[tilespmem:s12], [sflag:$0x1] =	stream.indirect.gather [hbm4b:s5+s11], $0x80, s16, s11, $0xb8;
	[tilespmem:$0x1D000] =	vst v63  }
0x73: {  	_ = 	snop  }
0x74: {  	[spmem:s3] =	stream.indirect.scatter.add.f32 [tilespmem:s14], [sflag:$0x2], $0x80, s17, s11, $0xb8;
	[tilespmem:$0x1D000] =	vst v63  }
0x75: {  	_ =	swait.ge [sflag:s9], $0x4000  }
0x76: {  	[sflag:s9] =	ssyncset.done $0x0  }
0x77: {  	[sflag:s9] =	ssyncadd.s32 $0xFFFFC000  }
0x78: {  	_ =	swait.ge [sflag:s13], $0x4000  }
0x79: {  	[sflag:s13] =	ssyncset.done $0x0  }
0x7a: {  	[sflag:s13] =	ssyncadd.s32 $0xFFFFC000  }
0x7b: {  	[tilespmem:s14], [sflag:$0x1] =	stream.indirect.gather [hbm4b:s5+s11], $0x80, s18, s11, $0xb8;
	[tilespmem:$0x1D000] =	vst v63  }
0x7c: {  	_ = 	snop  }
0x7d: {  	[spmem:s3] =	stream.indirect.scatter.add.f32 [tilespmem:s12], [sflag:$0x2], $0x80, s19, s11, $0xb8;
	[tilespmem:$0x1D000] =	vst v63  }
0x7e: {  	_ =	swait.ge [sflag:s9], $0x4000  }
0x7f: {  	[sflag:s9] =	ssyncset.done $0x0  }
0x80: {  	[sflag:s9] =	ssyncadd.s32 $0xFFFFC000  }
0x81: {  	_ =	swait.ge [sflag:s13], $0x4000  }
0x82: {  	[sflag:s13] =	ssyncset.done $0x0  }
0x83: {  	[sflag:s13] =	ssyncadd.s32 $0xFFFFC000  }
0x84: {  	[tilespmem:s12], [sflag:$0x1] =	stream.indirect.gather [hbm4b:s5+s11], $0x80, s20, s11, $0xb8;
	[tilespmem:$0x1D000] =	vst v63  }
0x85: {  	_ = 	snop  }
0x86: {  	[spmem:s3] =	stream.indirect.scatter.add.f32 [tilespmem:s14], [sflag:$0x2], $0x80, s21, s11, $0xb8;
	[tilespmem:$0x1D000] =	vst v63  }
0x87: {  	_ =	swait.ge [sflag:s9], $0x4000  }
0x88: {  	[sflag:s9] =	ssyncset.done $0x0  }
0x89: {  	[sflag:s9] =	ssyncadd.s32 $0xFFFFC000  }
0x8a: {  	_ =	swait.ge [sflag:s13], $0x4000  }
0x8b: {  	[sflag:s13] =	ssyncset.done $0x0  }
0x8c: {  	[sflag:s13] =	ssyncadd.s32 $0xFFFFC000  }
0x8d: {  	[tilespmem:s14], [sflag:$0x1] =	stream.indirect.gather [hbm4b:s5+s11], $0x80, s22, s11, $0xb8;
	[tilespmem:$0x1D000] =	vst v63  }
0x8e: {  	_ = 	snop  }
0x8f: {  	[spmem:s3] =	stream.indirect.scatter.add.f32 [tilespmem:s12], [sflag:$0x2], $0x80, s23, s11, $0xb8;
	[tilespmem:$0x1D000] =	vst v63  }
0x90: {  	_ =	swait.ge [sflag:s9], $0x4000  }
0x91: {  	[sflag:s9] =	ssyncset.done $0x0  }
0x92: {  	[sflag:s9] =	ssyncadd.s32 $0xFFFFC000  }
0x93: {  	_ =	swait.ge [sflag:s13], $0x4000  }
0x94: {  	[sflag:s13] =	ssyncset.done $0x0  }
0x95: {  	[sflag:s13] =	ssyncadd.s32 $0xFFFFC000  }
0x96: {  	[tilespmem:s12], [sflag:$0x1] =	stream.indirect.gather [hbm4b:s5+s11], $0x80, s25, s11, $0xb8;
	[tilespmem:$0x1D000] =	vst v63  }
0x97: {  	_ = 	snop  }
0x98: {  	[spmem:s3] =	stream.indirect.scatter.add.f32 [tilespmem:s14], [sflag:$0x2], $0x80, s26, s11, $0xb8;
	[tilespmem:$0x1D000] =	vst v63  }
0x99: {  	_ =	swait.ge [sflag:s9], $0x4000  }
0x9a: {  	[sflag:s9] =	ssyncset.done $0x0  }
0x9b: {  	[sflag:s9] =	ssyncadd.s32 $0xFFFFC000  }
0x9c: {  	_ =	swait.ge [sflag:s13], $0x4000  }
0x9d: {  	[sflag:s13] =	ssyncset.done $0x0  }
0x9e: {  	[sflag:s13] =	ssyncadd.s32 $0xFFFFC000  }
0x9f: {  	[tilespmem:s14], [sflag:$0x1] =	stream.indirect.gather [hbm4b:s5+s11], $0x80, s28, s11, $0xb8;
	[tilespmem:$0x1D000] =	vst v63  }
0xa0: {  	_ = 	snop  }
0xa1: {  	[spmem:s3] =	stream.indirect.scatter.add.f32 [tilespmem:s12], [sflag:$0x2], $0x80, s29, s11, $0xb8;
	[tilespmem:$0x1D000] =	vst v63  }
0xa2: {  	_ =	swait.ge [sflag:s9], $0x4000  }
0xa3: {  	[sflag:s9] =	ssyncset.done $0x0  }
0xa4: {  	[sflag:s9] =	ssyncadd.s32 $0xFFFFC000  }
0xa5: {  	_ =	swait.ge [sflag:s13], $0x4000  }
0xa6: {  	[sflag:s13] =	ssyncset.done $0x0  }
0xa7: {  	[sflag:s13] =	ssyncadd.s32 $0xFFFFC000  }
0xa8: {  	[tilespmem:s12], [sflag:$0x1] =	stream.indirect.gather [hbm4b:s5+s11], $0x80, s30, s11, $0xb8;
	[tilespmem:$0x1D000] =	vst v63  }
0xa9: {  	_ = 	snop  }
0xaa: {  	[spmem:s3] =	stream.indirect.scatter.add.f32 [tilespmem:s14], [sflag:$0x2], $0x80, s31, s11, $0xb8;
	[tilespmem:$0x1D000] =	vst v63  }
0xab: {  	_ =	swait.ge [sflag:s9], $0x4000  }
0xac: {  	[sflag:s9] =	ssyncset.done $0x0  }
0xad: {  	[sflag:s9] =	ssyncadd.s32 $0xFFFFC000  }
0xae: {  	_ =	swait.ge [sflag:s13], $0x4000  }
0xaf: {  	[sflag:s13] =	ssyncset.done $0x0  }
0xb0: {  	[sflag:s13] =	ssyncadd.s32 $0xFFFFC000  }
0xb1: {  	[tilespmem:s14], [sflag:$0x1] =	stream.indirect.gather [hbm4b:s5+s11], $0x80, s0, s11, $0xb8;
	[tilespmem:$0x1D000] =	vst v63  }
0xb2: {  	_ = 	snop  }
0xb3: {  	[spmem:s3] =	stream.indirect.scatter.add.f32 [tilespmem:s12], [sflag:$0x2], $0x80, s1, s11, $0xb8;
	[tilespmem:$0x1D000] =	vst v63  }
0xb4: {  	_ =	swait.ge [sflag:s9], $0x4000  }
0xb5: {  	[sflag:s9] =	ssyncset.done $0x0  }
0xb6: {  	[sflag:s9] =	ssyncadd.s32 $0xFFFFC000  }
0xb7: {  	_ =	swait.ge [sflag:s13], $0x4000  }
0xb8: {  	[sflag:s13] =	ssyncset.done $0x0  }
0xb9: {  	[sflag:s13] =	ssyncadd.s32 $0xFFFFC000  }
0xba: {  	[spmem:s3] =	stream.indirect.scatter.add.f32 [tilespmem:s14], [sflag:$0x2], $0x80, s2, s11, $0xb8;
	[tilespmem:$0x1D000] =	vst v63  }
0xbb: {  	s6 =	simm.s32 $0x200;
	_ =	swait.ge [sflag:s9], $0x4000  }
0xbc: {  	s24 =	simm.s32 $0x100;
	s8 =	rddreg [dreg:$0x4];
	[sflag:s9] =	ssyncset.done $0x0  }
.LBB2_2:
0xbd: {  	[sflag:s9] =	ssyncadd.s32 $0xFFFFC000;
	s8 =	sadd.s32 s24, s8  }
0xbe: {  	[tilespmem:s4], [sflag:$0x2] =	stream.linear.gather [hbm4b:s8+s4], $0x800, $0x38;
	[tilespmem:$0x1D000] =	vst v63  }
0xbf: {  	_ =	swait.ge [sflag:s9], $0x800  }
0xc0: {  	s8 =	rddreg [dreg:$0x5];
	[sflag:s9] =	ssyncset.done $0x0  }
0xc1: {  	[sflag:s9] =	ssyncadd.s32 $0xFFFFF800;
	s8 =	sadd.s32 s24, s8  }
0xc2: {  	[tilespmem:s10], [sflag:$0x2] =	stream.linear.gather [hbm4b:s8+s4], $0x800, $0x38;
	[tilespmem:$0x1D000] =	vst v63  }
0xc3: {  	_ =	swait.ge [sflag:s9], $0x800  }
0xc4: {  	[sflag:s9] =	ssyncset.done $0x0  }
0xc5: {  	[sflag:s9] =	ssyncadd.s32 $0xFFFFF800  }
0xc6: {  	[tilespmem:s12], [sflag:$0x1] =	stream.indirect.gather [hbm4b:s5+s11], $0x80, s4, s11, $0xb8;
	[tilespmem:$0x1D000] =	vst v63  }
0xc7: {  	_ =	swait.ge [sflag:s13], $0x4000  }
0xc8: {  	[sflag:s13] =	ssyncset.done $0x0  }
0xc9: {  	[sflag:s13] =	ssyncadd.s32 $0xFFFFC000  }
0xca: {  	[tilespmem:s14], [sflag:$0x1] =	stream.indirect.gather [hbm4b:s5+s11], $0x80, s11, s11, $0xb8;
	[tilespmem:$0x1D000] =	vst v63  }
0xcb: {  	_ = 	snop  }
0xcc: {  	[spmem:s3] =	stream.indirect.scatter.add.f32 [tilespmem:s12], [sflag:$0x2], $0x80, s10, s11, $0xb8;
	[tilespmem:$0x1D000] =	vst v63  }
0xcd: {  	_ =	swait.ge [sflag:s9], $0x4000  }
0xce: {  	[sflag:s9] =	ssyncset.done $0x0  }
0xcf: {  	[sflag:s9] =	ssyncadd.s32 $0xFFFFC000  }
0xd0: {  	_ =	swait.ge [sflag:s13], $0x4000  }
0xd1: {  	s7 =	smov.u32 s6;
	[sflag:s13] =	ssyncset.done $0x0  }
0xd2: {  	s24 =	smov.u32 s7;
	s7 =	rddreg [dreg:$0x6];
	[sflag:s13] =	ssyncadd.s32 $0xFFFFC000  }
0xd3: {  	[tilespmem:s12], [sflag:$0x1] =	stream.indirect.gather [hbm4b:s5+s11], $0x80, s7, s11, $0xb8;
	[tilespmem:$0x1D000] =	vst v63  }
0xd4: {  	s8 =	rddreg [dreg:$0x7]  }
0xd5: {  	[spmem:s3] =	stream.indirect.scatter.add.f32 [tilespmem:s14], [sflag:$0x2], $0x80, s8, s11, $0xb8;
	[tilespmem:$0x1D000] =	vst v63  }
0xd6: {  	_ =	swait.ge [sflag:s9], $0x4000  }
0xd7: {  	[sflag:s9] =	ssyncset.done $0x0  }
0xd8: {  	[sflag:s9] =	ssyncadd.s32 $0xFFFFC000  }
0xd9: {  	_ =	swait.ge [sflag:s13], $0x4000  }
0xda: {  	[sflag:s13] =	ssyncset.done $0x0  }
0xdb: {  	s7 =	rddreg [dreg:$0x8];
	[sflag:s13] =	ssyncadd.s32 $0xFFFFC000  }
0xdc: {  	[tilespmem:s14], [sflag:$0x1] =	stream.indirect.gather [hbm4b:s5+s11], $0x80, s7, s11, $0xb8;
	[tilespmem:$0x1D000] =	vst v63  }
0xdd: {  	s8 =	rddreg [dreg:$0x9]  }
0xde: {  	[spmem:s3] =	stream.indirect.scatter.add.f32 [tilespmem:s12], [sflag:$0x2], $0x80, s8, s11, $0xb8;
	[tilespmem:$0x1D000] =	vst v63  }
0xdf: {  	_ =	swait.ge [sflag:s9], $0x4000  }
0xe0: {  	[sflag:s9] =	ssyncset.done $0x0  }
0xe1: {  	[sflag:s9] =	ssyncadd.s32 $0xFFFFC000  }
0xe2: {  	_ =	swait.ge [sflag:s13], $0x4000  }
0xe3: {  	[sflag:s13] =	ssyncset.done $0x0  }
0xe4: {  	s7 =	rddreg [dreg:$0xa];
	[sflag:s13] =	ssyncadd.s32 $0xFFFFC000  }
0xe5: {  	[tilespmem:s12], [sflag:$0x1] =	stream.indirect.gather [hbm4b:s5+s11], $0x80, s7, s11, $0xb8;
	[tilespmem:$0x1D000] =	vst v63  }
0xe6: {  	s8 =	rddreg [dreg:$0xb]  }
0xe7: {  	[spmem:s3] =	stream.indirect.scatter.add.f32 [tilespmem:s14], [sflag:$0x2], $0x80, s8, s11, $0xb8;
	[tilespmem:$0x1D000] =	vst v63  }
0xe8: {  	_ =	swait.ge [sflag:s9], $0x4000  }
0xe9: {  	[sflag:s9] =	ssyncset.done $0x0  }
0xea: {  	[sflag:s9] =	ssyncadd.s32 $0xFFFFC000  }
0xeb: {  	_ =	swait.ge [sflag:s13], $0x4000  }
0xec: {  	[sflag:s13] =	ssyncset.done $0x0  }
0xed: {  	s7 =	rddreg [dreg:$0xc];
	[sflag:s13] =	ssyncadd.s32 $0xFFFFC000  }
0xee: {  	[tilespmem:s14], [sflag:$0x1] =	stream.indirect.gather [hbm4b:s5+s11], $0x80, s7, s11, $0xb8;
	[tilespmem:$0x1D000] =	vst v63  }
0xef: {  	s8 =	rddreg [dreg:$0xd]  }
0xf0: {  	[spmem:s3] =	stream.indirect.scatter.add.f32 [tilespmem:s12], [sflag:$0x2], $0x80, s8, s11, $0xb8;
	[tilespmem:$0x1D000] =	vst v63  }
0xf1: {  	_ =	swait.ge [sflag:s9], $0x4000  }
0xf2: {  	[sflag:s9] =	ssyncset.done $0x0  }
0xf3: {  	[sflag:s9] =	ssyncadd.s32 $0xFFFFC000  }
0xf4: {  	_ =	swait.ge [sflag:s13], $0x4000  }
0xf5: {  	[sflag:s13] =	ssyncset.done $0x0  }
0xf6: {  	s7 =	rddreg [dreg:$0xe];
	[sflag:s13] =	ssyncadd.s32 $0xFFFFC000  }
0xf7: {  	[tilespmem:s12], [sflag:$0x1] =	stream.indirect.gather [hbm4b:s5+s11], $0x80, s7, s11, $0xb8;
	[tilespmem:$0x1D000] =	vst v63  }
0xf8: {  	s8 =	rddreg [dreg:$0xf]  }
0xf9: {  	[spmem:s3] =	stream.indirect.scatter.add.f32 [tilespmem:s14], [sflag:$0x2], $0x80, s8, s11, $0xb8;
	[tilespmem:$0x1D000] =	vst v63  }
0xfa: {  	_ =	swait.ge [sflag:s9], $0x4000  }
0xfb: {  	[sflag:s9] =	ssyncset.done $0x0  }
0xfc: {  	[sflag:s9] =	ssyncadd.s32 $0xFFFFC000  }
0xfd: {  	_ =	swait.ge [sflag:s13], $0x4000  }
0xfe: {  	[sflag:s13] =	ssyncset.done $0x0  }
0xff: {  	s8 =	rddreg [dreg:$0x10];
	[sflag:s13] =	ssyncadd.s32 $0xFFFFC000  }
0x100: {  	[tilespmem:s14], [sflag:$0x1] =	stream.indirect.gather [hbm4b:s5+s11], $0x80, s8, s11, $0xb8;
	[tilespmem:$0x1D000] =	vst v63  }
0x101: {  	_ = 	snop  }
0x102: {  	[spmem:s3] =	stream.indirect.scatter.add.f32 [tilespmem:s12], [sflag:$0x2], $0x80, s15, s11, $0xb8;
	[tilespmem:$0x1D000] =	vst v63  }
0x103: {  	_ =	swait.ge [sflag:s9], $0x4000  }
0x104: {  	[sflag:s9] =	ssyncset.done $0x0  }
0x105: {  	[sflag:s9] =	ssyncadd.s32 $0xFFFFC000  }
0x106: {  	_ =	swait.ge [sflag:s13], $0x4000  }
0x107: {  	[sflag:s13] =	ssyncset.done $0x0  }
0x108: {  	[sflag:s13] =	ssyncadd.s32 $0xFFFFC000  }
0x109: {  	[tilespmem:s12], [sflag:$0x1] =	stream.indirect.gather [hbm4b:s5+s11], $0x80, s16, s11, $0xb8;
	[tilespmem:$0x1D000] =	vst v63  }
0x10a: {  	_ = 	snop  }
0x10b: {  	[spmem:s3] =	stream.indirect.scatter.add.f32 [tilespmem:s14], [sflag:$0x2], $0x80, s17, s11, $0xb8;
	[tilespmem:$0x1D000] =	vst v63  }
0x10c: {  	_ =	swait.ge [sflag:s9], $0x4000  }
0x10d: {  	[sflag:s9] =	ssyncset.done $0x0  }
0x10e: {  	[sflag:s9] =	ssyncadd.s32 $0xFFFFC000  }
0x10f: {  	_ =	swait.ge [sflag:s13], $0x4000  }
0x110: {  	[sflag:s13] =	ssyncset.done $0x0  }
0x111: {  	[sflag:s13] =	ssyncadd.s32 $0xFFFFC000  }
0x112: {  	[tilespmem:s14], [sflag:$0x1] =	stream.indirect.gather [hbm4b:s5+s11], $0x80, s18, s11, $0xb8;
	[tilespmem:$0x1D000] =	vst v63  }
0x113: {  	_ = 	snop  }
0x114: {  	[spmem:s3] =	stream.indirect.scatter.add.f32 [tilespmem:s12], [sflag:$0x2], $0x80, s19, s11, $0xb8;
	[tilespmem:$0x1D000] =	vst v63  }
0x115: {  	_ =	swait.ge [sflag:s9], $0x4000  }
0x116: {  	[sflag:s9] =	ssyncset.done $0x0  }
0x117: {  	[sflag:s9] =	ssyncadd.s32 $0xFFFFC000  }
0x118: {  	_ =	swait.ge [sflag:s13], $0x4000  }
0x119: {  	[sflag:s13] =	ssyncset.done $0x0  }
0x11a: {  	[sflag:s13] =	ssyncadd.s32 $0xFFFFC000  }
0x11b: {  	[tilespmem:s12], [sflag:$0x1] =	stream.indirect.gather [hbm4b:s5+s11], $0x80, s20, s11, $0xb8;
	[tilespmem:$0x1D000] =	vst v63  }
0x11c: {  	_ = 	snop  }
0x11d: {  	[spmem:s3] =	stream.indirect.scatter.add.f32 [tilespmem:s14], [sflag:$0x2], $0x80, s21, s11, $0xb8;
	[tilespmem:$0x1D000] =	vst v63  }
0x11e: {  	_ =	swait.ge [sflag:s9], $0x4000  }
0x11f: {  	[sflag:s9] =	ssyncset.done $0x0  }
0x120: {  	[sflag:s9] =	ssyncadd.s32 $0xFFFFC000  }
0x121: {  	_ =	swait.ge [sflag:s13], $0x4000  }
0x122: {  	[sflag:s13] =	ssyncset.done $0x0  }
0x123: {  	[sflag:s13] =	ssyncadd.s32 $0xFFFFC000  }
0x124: {  	[tilespmem:s14], [sflag:$0x1] =	stream.indirect.gather [hbm4b:s5+s11], $0x80, s22, s11, $0xb8;
	[tilespmem:$0x1D000] =	vst v63  }
0x125: {  	_ = 	snop  }
0x126: {  	[spmem:s3] =	stream.indirect.scatter.add.f32 [tilespmem:s12], [sflag:$0x2], $0x80, s23, s11, $0xb8;
	[tilespmem:$0x1D000] =	vst v63  }
0x127: {  	_ =	swait.ge [sflag:s9], $0x4000  }
0x128: {  	[sflag:s9] =	ssyncset.done $0x0  }
0x129: {  	[sflag:s9] =	ssyncadd.s32 $0xFFFFC000  }
0x12a: {  	_ =	swait.ge [sflag:s13], $0x4000  }
0x12b: {  	[sflag:s13] =	ssyncset.done $0x0  }
0x12c: {  	[sflag:s13] =	ssyncadd.s32 $0xFFFFC000  }
0x12d: {  	[tilespmem:s12], [sflag:$0x1] =	stream.indirect.gather [hbm4b:s5+s11], $0x80, s25, s11, $0xb8;
	[tilespmem:$0x1D000] =	vst v63  }
0x12e: {  	_ = 	snop  }
0x12f: {  	[spmem:s3] =	stream.indirect.scatter.add.f32 [tilespmem:s14], [sflag:$0x2], $0x80, s26, s11, $0xb8;
	[tilespmem:$0x1D000] =	vst v63  }
0x130: {  	_ =	swait.ge [sflag:s9], $0x4000  }
0x131: {  	[sflag:s9] =	ssyncset.done $0x0  }
0x132: {  	[sflag:s9] =	ssyncadd.s32 $0xFFFFC000  }
0x133: {  	_ =	swait.ge [sflag:s13], $0x4000  }
0x134: {  	[sflag:s13] =	ssyncset.done $0x0  }
0x135: {  	[sflag:s13] =	ssyncadd.s32 $0xFFFFC000  }
0x136: {  	[tilespmem:s14], [sflag:$0x1] =	stream.indirect.gather [hbm4b:s5+s11], $0x80, s28, s11, $0xb8;
	[tilespmem:$0x1D000] =	vst v63  }
0x137: {  	_ = 	snop  }
0x138: {  	[spmem:s3] =	stream.indirect.scatter.add.f32 [tilespmem:s12], [sflag:$0x2], $0x80, s29, s11, $0xb8;
	[tilespmem:$0x1D000] =	vst v63  }
0x139: {  	_ =	swait.ge [sflag:s9], $0x4000  }
0x13a: {  	[sflag:s9] =	ssyncset.done $0x0  }
0x13b: {  	[sflag:s9] =	ssyncadd.s32 $0xFFFFC000  }
0x13c: {  	_ =	swait.ge [sflag:s13], $0x4000  }
0x13d: {  	[sflag:s13] =	ssyncset.done $0x0  }
0x13e: {  	[sflag:s13] =	ssyncadd.s32 $0xFFFFC000  }
0x13f: {  	[tilespmem:s12], [sflag:$0x1] =	stream.indirect.gather [hbm4b:s5+s11], $0x80, s30, s11, $0xb8;
	[tilespmem:$0x1D000] =	vst v63  }
0x140: {  	_ = 	snop  }
0x141: {  	[spmem:s3] =	stream.indirect.scatter.add.f32 [tilespmem:s14], [sflag:$0x2], $0x80, s31, s11, $0xb8;
	[tilespmem:$0x1D000] =	vst v63  }
0x142: {  	_ =	swait.ge [sflag:s9], $0x4000  }
0x143: {  	[sflag:s9] =	ssyncset.done $0x0  }
0x144: {  	[sflag:s9] =	ssyncadd.s32 $0xFFFFC000  }
0x145: {  	_ =	swait.ge [sflag:s13], $0x4000  }
0x146: {  	[sflag:s13] =	ssyncset.done $0x0  }
0x147: {  	[sflag:s13] =	ssyncadd.s32 $0xFFFFC000  }
0x148: {  	[tilespmem:s14], [sflag:$0x1] =	stream.indirect.gather [hbm4b:s5+s11], $0x80, s0, s11, $0xb8;
	[tilespmem:$0x1D000] =	vst v63  }
0x149: {  	_ = 	snop  }
0x14a: {  	[spmem:s3] =	stream.indirect.scatter.add.f32 [tilespmem:s12], [sflag:$0x2], $0x80, s1, s11, $0xb8;
	[tilespmem:$0x1D000] =	vst v63  }
0x14b: {  	_ =	swait.ge [sflag:s9], $0x4000  }
0x14c: {  	[sflag:s9] =	ssyncset.done $0x0  }
0x14d: {  	[sflag:s9] =	ssyncadd.s32 $0xFFFFC000  }
0x14e: {  	p0 =	sne.s32 s6, $0x900;
	_ =	swait.ge [sflag:s13], $0x4000  }
.Ltmp0:
0x14f: {  	[sflag:s13] =	ssyncset.done $0x0;
	(pc) =	sbr.rel @p0 .LBB2_2-.Ltmp0, $4  }
0x150: {  	[sflag:s13] =	ssyncadd.s32 $0xFFFFC000  }
0x151: {  	[spmem:s3] =	stream.indirect.scatter.add.f32 [tilespmem:s14], [sflag:$0x2], $0x80, s2, s11, $0xb8;
	[tilespmem:$0x1D000] =	vst v63  }
0x152: {  	_ =	swait.ge [sflag:s9], $0x4000  }
0x153: {  	s6 =	sadd.s32 $0x100, s6;
	s8 =	rddreg [dreg:$0x4];
	[sflag:s9] =	ssyncset.done $0x0  }
0x154: {  	[sflag:s9] =	ssyncadd.s32 $0xFFFFC000;
	s6 =	sadd.s32 s24, s8  }
0x155: {  	[tilespmem:s4], [sflag:$0x2] =	stream.linear.gather [hbm4b:s6+s4], $0x800, $0x38;
	[tilespmem:$0x1D000] =	vst v63  }
0x156: {  	_ =	swait.ge [sflag:s9], $0x800  }
0x157: {  	s8 =	rddreg [dreg:$0x5];
	[sflag:s9] =	ssyncset.done $0x0  }
0x158: {  	[sflag:s9] =	ssyncadd.s32 $0xFFFFF800;
	s6 =	sadd.s32 s24, s8  }
0x159: {  	[tilespmem:s10], [sflag:$0x2] =	stream.linear.gather [hbm4b:s6+s4], $0x800, $0x38;
	[tilespmem:$0x1D000] =	vst v63  }
0x15a: {  	_ =	swait.ge [sflag:s9], $0x800  }
0x15b: {  	[sflag:s9] =	ssyncset.done $0x0  }
0x15c: {  	[sflag:s9] =	ssyncadd.s32 $0xFFFFF800  }
0x15d: {  	[tilespmem:s12], [sflag:$0x1] =	stream.indirect.gather [hbm4b:s5+s11], $0x80, s4, s11, $0xb8;
	[tilespmem:$0x1D000] =	vst v63  }
0x15e: {  	_ =	swait.ge [sflag:s13], $0x4000  }
0x15f: {  	[sflag:s13] =	ssyncset.done $0x0  }
0x160: {  	[sflag:s13] =	ssyncadd.s32 $0xFFFFC000  }
0x161: {  	[tilespmem:s14], [sflag:$0x1] =	stream.indirect.gather [hbm4b:s5+s11], $0x80, s11, s11, $0xb8;
	[tilespmem:$0x1D000] =	vst v63  }
0x162: {  	_ = 	snop  }
0x163: {  	[spmem:s3] =	stream.indirect.scatter.add.f32 [tilespmem:s12], [sflag:$0x2], $0x80, s10, s11, $0xb8;
	[tilespmem:$0x1D000] =	vst v63  }
0x164: {  	_ =	swait.ge [sflag:s9], $0x4000  }
0x165: {  	[sflag:s9] =	ssyncset.done $0x0  }
0x166: {  	[sflag:s9] =	ssyncadd.s32 $0xFFFFC000  }
0x167: {  	_ =	swait.ge [sflag:s13], $0x4000  }
0x168: {  	[sflag:s13] =	ssyncset.done $0x0  }
0x169: {  	s24 =	rddreg [dreg:$0x6];
	[sflag:s13] =	ssyncadd.s32 $0xFFFFC000  }
0x16a: {  	[tilespmem:s12], [sflag:$0x1] =	stream.indirect.gather [hbm4b:s5+s11], $0x80, s24, s11, $0xb8;
	[tilespmem:$0x1D000] =	vst v63  }
0x16b: {  	s7 =	rddreg [dreg:$0x7]  }
0x16c: {  	[spmem:s3] =	stream.indirect.scatter.add.f32 [tilespmem:s14], [sflag:$0x2], $0x80, s7, s11, $0xb8;
	[tilespmem:$0x1D000] =	vst v63  }
0x16d: {  	_ =	swait.ge [sflag:s9], $0x4000  }
0x16e: {  	[sflag:s9] =	ssyncset.done $0x0  }
0x16f: {  	[sflag:s9] =	ssyncadd.s32 $0xFFFFC000  }
0x170: {  	_ =	swait.ge [sflag:s13], $0x4000  }
0x171: {  	[sflag:s13] =	ssyncset.done $0x0  }
0x172: {  	s8 =	rddreg [dreg:$0x8];
	[sflag:s13] =	ssyncadd.s32 $0xFFFFC000  }
0x173: {  	[tilespmem:s14], [sflag:$0x1] =	stream.indirect.gather [hbm4b:s5+s11], $0x80, s8, s11, $0xb8;
	[tilespmem:$0x1D000] =	vst v63  }
0x174: {  	s24 =	rddreg [dreg:$0x9]  }
0x175: {  	[spmem:s3] =	stream.indirect.scatter.add.f32 [tilespmem:s12], [sflag:$0x2], $0x80, s24, s11, $0xb8;
	[tilespmem:$0x1D000] =	vst v63  }
0x176: {  	_ =	swait.ge [sflag:s9], $0x4000  }
0x177: {  	[sflag:s9] =	ssyncset.done $0x0  }
0x178: {  	[sflag:s9] =	ssyncadd.s32 $0xFFFFC000  }
0x179: {  	_ =	swait.ge [sflag:s13], $0x4000  }
0x17a: {  	[sflag:s13] =	ssyncset.done $0x0  }
0x17b: {  	s8 =	rddreg [dreg:$0xa];
	[sflag:s13] =	ssyncadd.s32 $0xFFFFC000  }
0x17c: {  	[tilespmem:s12], [sflag:$0x1] =	stream.indirect.gather [hbm4b:s5+s11], $0x80, s8, s11, $0xb8;
	[tilespmem:$0x1D000] =	vst v63  }
0x17d: {  	s24 =	rddreg [dreg:$0xb]  }
0x17e: {  	[spmem:s3] =	stream.indirect.scatter.add.f32 [tilespmem:s14], [sflag:$0x2], $0x80, s24, s11, $0xb8;
	[tilespmem:$0x1D000] =	vst v63  }
0x17f: {  	_ =	swait.ge [sflag:s9], $0x4000  }
0x180: {  	[sflag:s9] =	ssyncset.done $0x0  }
0x181: {  	[sflag:s9] =	ssyncadd.s32 $0xFFFFC000  }
0x182: {  	_ =	swait.ge [sflag:s13], $0x4000  }
0x183: {  	[sflag:s13] =	ssyncset.done $0x0  }
0x184: {  	s8 =	rddreg [dreg:$0xc];
	[sflag:s13] =	ssyncadd.s32 $0xFFFFC000  }
0x185: {  	[tilespmem:s14], [sflag:$0x1] =	stream.indirect.gather [hbm4b:s5+s11], $0x80, s8, s11, $0xb8;
	[tilespmem:$0x1D000] =	vst v63  }
0x186: {  	s24 =	rddreg [dreg:$0xd]  }
0x187: {  	[spmem:s3] =	stream.indirect.scatter.add.f32 [tilespmem:s12], [sflag:$0x2], $0x80, s24, s11, $0xb8;
	[tilespmem:$0x1D000] =	vst v63  }
0x188: {  	_ =	swait.ge [sflag:s9], $0x4000  }
0x189: {  	[sflag:s9] =	ssyncset.done $0x0  }
0x18a: {  	[sflag:s9] =	ssyncadd.s32 $0xFFFFC000  }
0x18b: {  	_ =	swait.ge [sflag:s13], $0x4000  }
0x18c: {  	[sflag:s13] =	ssyncset.done $0x0  }
0x18d: {  	s8 =	rddreg [dreg:$0xe];
	[sflag:s13] =	ssyncadd.s32 $0xFFFFC000  }
0x18e: {  	[tilespmem:s12], [sflag:$0x1] =	stream.indirect.gather [hbm4b:s5+s11], $0x80, s8, s11, $0xb8;
	[tilespmem:$0x1D000] =	vst v63  }
0x18f: {  	s24 =	rddreg [dreg:$0xf]  }
0x190: {  	[spmem:s3] =	stream.indirect.scatter.add.f32 [tilespmem:s14], [sflag:$0x2], $0x80, s24, s11, $0xb8;
	[tilespmem:$0x1D000] =	vst v63  }
0x191: {  	_ =	swait.ge [sflag:s9], $0x4000  }
0x192: {  	[sflag:s9] =	ssyncset.done $0x0  }
0x193: {  	[sflag:s9] =	ssyncadd.s32 $0xFFFFC000  }
0x194: {  	_ =	swait.ge [sflag:s13], $0x4000  }
0x195: {  	[sflag:s13] =	ssyncset.done $0x0  }
0x196: {  	s8 =	rddreg [dreg:$0x10];
	[sflag:s13] =	ssyncadd.s32 $0xFFFFC000  }
0x197: {  	[tilespmem:s14], [sflag:$0x1] =	stream.indirect.gather [hbm4b:s5+s11], $0x80, s8, s11, $0xb8;
	[tilespmem:$0x1D000] =	vst v63  }
0x198: {  	_ = 	snop  }
0x199: {  	[spmem:s3] =	stream.indirect.scatter.add.f32 [tilespmem:s12], [sflag:$0x2], $0x80, s15, s11, $0xb8;
	[tilespmem:$0x1D000] =	vst v63  }
0x19a: {  	_ =	swait.ge [sflag:s9], $0x4000  }
0x19b: {  	[sflag:s9] =	ssyncset.done $0x0  }
0x19c: {  	[sflag:s9] =	ssyncadd.s32 $0xFFFFC000  }
0x19d: {  	_ =	swait.ge [sflag:s13], $0x4000  }
0x19e: {  	[sflag:s13] =	ssyncset.done $0x0  }
0x19f: {  	[sflag:s13] =	ssyncadd.s32 $0xFFFFC000  }
0x1a0: {  	[tilespmem:s12], [sflag:$0x1] =	stream.indirect.gather [hbm4b:s5+s11], $0x80, s16, s11, $0xb8;
	[tilespmem:$0x1D000] =	vst v63  }
0x1a1: {  	_ = 	snop  }
0x1a2: {  	[spmem:s3] =	stream.indirect.scatter.add.f32 [tilespmem:s14], [sflag:$0x2], $0x80, s17, s11, $0xb8;
	[tilespmem:$0x1D000] =	vst v63  }
0x1a3: {  	_ =	swait.ge [sflag:s9], $0x4000  }
0x1a4: {  	[sflag:s9] =	ssyncset.done $0x0  }
0x1a5: {  	[sflag:s9] =	ssyncadd.s32 $0xFFFFC000  }
0x1a6: {  	_ =	swait.ge [sflag:s13], $0x4000  }
0x1a7: {  	[sflag:s13] =	ssyncset.done $0x0  }
0x1a8: {  	[sflag:s13] =	ssyncadd.s32 $0xFFFFC000  }
0x1a9: {  	[tilespmem:s14], [sflag:$0x1] =	stream.indirect.gather [hbm4b:s5+s11], $0x80, s18, s11, $0xb8;
	[tilespmem:$0x1D000] =	vst v63  }
0x1aa: {  	_ = 	snop  }
0x1ab: {  	[spmem:s3] =	stream.indirect.scatter.add.f32 [tilespmem:s12], [sflag:$0x2], $0x80, s19, s11, $0xb8;
	[tilespmem:$0x1D000] =	vst v63  }
0x1ac: {  	_ =	swait.ge [sflag:s9], $0x4000  }
0x1ad: {  	[sflag:s9] =	ssyncset.done $0x0  }
0x1ae: {  	[sflag:s9] =	ssyncadd.s32 $0xFFFFC000  }
0x1af: {  	_ =	swait.ge [sflag:s13], $0x4000  }
0x1b0: {  	[sflag:s13] =	ssyncset.done $0x0  }
0x1b1: {  	[sflag:s13] =	ssyncadd.s32 $0xFFFFC000  }
0x1b2: {  	[tilespmem:s12], [sflag:$0x1] =	stream.indirect.gather [hbm4b:s5+s11], $0x80, s20, s11, $0xb8;
	[tilespmem:$0x1D000] =	vst v63  }
0x1b3: {  	_ = 	snop  }
0x1b4: {  	[spmem:s3] =	stream.indirect.scatter.add.f32 [tilespmem:s14], [sflag:$0x2], $0x80, s21, s11, $0xb8;
	[tilespmem:$0x1D000] =	vst v63  }
0x1b5: {  	_ =	swait.ge [sflag:s9], $0x4000  }
0x1b6: {  	[sflag:s9] =	ssyncset.done $0x0  }
0x1b7: {  	[sflag:s9] =	ssyncadd.s32 $0xFFFFC000  }
0x1b8: {  	_ =	swait.ge [sflag:s13], $0x4000  }
0x1b9: {  	[sflag:s13] =	ssyncset.done $0x0  }
0x1ba: {  	[sflag:s13] =	ssyncadd.s32 $0xFFFFC000  }
0x1bb: {  	[tilespmem:s14], [sflag:$0x1] =	stream.indirect.gather [hbm4b:s5+s11], $0x80, s22, s11, $0xb8;
	[tilespmem:$0x1D000] =	vst v63  }
0x1bc: {  	_ = 	snop  }
0x1bd: {  	[spmem:s3] =	stream.indirect.scatter.add.f32 [tilespmem:s12], [sflag:$0x2], $0x80, s23, s11, $0xb8;
	[tilespmem:$0x1D000] =	vst v63  }
0x1be: {  	_ =	swait.ge [sflag:s9], $0x4000  }
0x1bf: {  	[sflag:s9] =	ssyncset.done $0x0  }
0x1c0: {  	[sflag:s9] =	ssyncadd.s32 $0xFFFFC000  }
0x1c1: {  	_ =	swait.ge [sflag:s13], $0x4000  }
0x1c2: {  	[sflag:s13] =	ssyncset.done $0x0  }
0x1c3: {  	[sflag:s13] =	ssyncadd.s32 $0xFFFFC000  }
0x1c4: {  	[tilespmem:s12], [sflag:$0x1] =	stream.indirect.gather [hbm4b:s5+s11], $0x80, s25, s11, $0xb8;
	[tilespmem:$0x1D000] =	vst v63  }
0x1c5: {  	_ = 	snop  }
0x1c6: {  	[spmem:s3] =	stream.indirect.scatter.add.f32 [tilespmem:s14], [sflag:$0x2], $0x80, s26, s11, $0xb8;
	[tilespmem:$0x1D000] =	vst v63  }
0x1c7: {  	_ =	swait.ge [sflag:s9], $0x4000  }
0x1c8: {  	[sflag:s9] =	ssyncset.done $0x0  }
0x1c9: {  	[sflag:s9] =	ssyncadd.s32 $0xFFFFC000  }
0x1ca: {  	_ =	swait.ge [sflag:s13], $0x4000  }
0x1cb: {  	[sflag:s13] =	ssyncset.done $0x0  }
0x1cc: {  	[sflag:s13] =	ssyncadd.s32 $0xFFFFC000  }
0x1cd: {  	[tilespmem:s14], [sflag:$0x1] =	stream.indirect.gather [hbm4b:s5+s11], $0x80, s28, s11, $0xb8;
	[tilespmem:$0x1D000] =	vst v63  }
0x1ce: {  	_ = 	snop  }
0x1cf: {  	[spmem:s3] =	stream.indirect.scatter.add.f32 [tilespmem:s12], [sflag:$0x2], $0x80, s29, s11, $0xb8;
	[tilespmem:$0x1D000] =	vst v63  }
0x1d0: {  	_ =	swait.ge [sflag:s9], $0x4000  }
0x1d1: {  	[sflag:s9] =	ssyncset.done $0x0  }
0x1d2: {  	[sflag:s9] =	ssyncadd.s32 $0xFFFFC000  }
0x1d3: {  	_ =	swait.ge [sflag:s13], $0x4000  }
0x1d4: {  	[sflag:s13] =	ssyncset.done $0x0  }
0x1d5: {  	[sflag:s13] =	ssyncadd.s32 $0xFFFFC000  }
0x1d6: {  	[tilespmem:s12], [sflag:$0x1] =	stream.indirect.gather [hbm4b:s5+s11], $0x80, s30, s11, $0xb8;
	[tilespmem:$0x1D000] =	vst v63  }
0x1d7: {  	_ = 	snop  }
0x1d8: {  	[spmem:s3] =	stream.indirect.scatter.add.f32 [tilespmem:s14], [sflag:$0x2], $0x80, s31, s11, $0xb8;
	[tilespmem:$0x1D000] =	vst v63  }
0x1d9: {  	_ =	swait.ge [sflag:s9], $0x4000  }
0x1da: {  	[sflag:s9] =	ssyncset.done $0x0  }
0x1db: {  	[sflag:s9] =	ssyncadd.s32 $0xFFFFC000  }
0x1dc: {  	_ =	swait.ge [sflag:s13], $0x4000  }
0x1dd: {  	[sflag:s13] =	ssyncset.done $0x0  }
0x1de: {  	[sflag:s13] =	ssyncadd.s32 $0xFFFFC000  }
0x1df: {  	[tilespmem:s14], [sflag:$0x1] =	stream.indirect.gather [hbm4b:s5+s11], $0x80, s0, s11, $0xb8;
	[tilespmem:$0x1D000] =	vst v63  }
0x1e0: {  	_ = 	snop  }
0x1e1: {  	[spmem:s3] =	stream.indirect.scatter.add.f32 [tilespmem:s12], [sflag:$0x2], $0x80, s1, s11, $0xb8;
	[tilespmem:$0x1D000] =	vst v63  }
0x1e2: {  	_ =	swait.ge [sflag:s9], $0x4000  }
0x1e3: {  	[sflag:s9] =	ssyncset.done $0x0  }
0x1e4: {  	[sflag:s9] =	ssyncadd.s32 $0xFFFFC000  }
0x1e5: {  	_ =	swait.ge [sflag:s13], $0x4000  }
0x1e6: {  	[sflag:s13] =	ssyncset.done $0x0  }
0x1e7: {  	[sflag:s13] =	ssyncadd.s32 $0xFFFFC000  }
0x1e8: {  	[spmem:s3] =	stream.indirect.scatter.add.f32 [tilespmem:s14], [sflag:$0x2], $0x80, s2, s11, $0xb8;
	[tilespmem:$0x1D000] =	vst v63  }
0x1e9: {  	_ =	swait.ge [sflag:s9], $0x4000  }
0x1ea: {  	[sflag:s9] =	ssyncset.done $0x0  }
0x1eb: {  	[sflag:s9] =	ssyncadd.s32 $0xFFFFC000  }
0x1ec: {  	[bflag:$0x0] =	sbarrier.arrive $0xFFFF  }
0x1ed: {  	s8 =	rddreg [dreg:$0x11]  }
0x1ee: {  	s7 =	rddreg [dreg:$0x13]  }
0x1ef: {  	s24 =	rddreg [dreg:$0x14]  }
0x1f0: {  	[hbm:s24], [sflag:s8] =	dma.local [spmem:s7], $0x2800  }
0x1f1: {  	_ =	swait.ge [sflag:s9], $0x2800  }
0x1f2: {  	s6 =	rddreg [dreg:$0x15]  }
0x1f3: {  	s24 =	sadd.s32 $0x1, s6;
	s6 =	rddreg [dreg:$0x12]  }
0x1f4: {  	p0 =	sne.s32 s24, s6  }
.Ltmp1:
0x1f5: {  	_ = 	snop;
	(pc) =	sbr.rel @p0 .LBB2_1-.Ltmp1, $3  }
0x1f6: {  	_ =	sdelay $0x1  }
0x1f7: {  	[sflag:s9] =	ssyncset.done $0x0  }
0x1f8: {  	[sflag:s9] =	ssyncadd.s32 $0xFFFFD800  }
0x1f9: {  	_ =	sfence.sel $0x180000  }
0x1fa: {  	[bflag:$0x0] =	sbarrier.arrive $0xFFFF  }
0x1fb: {  	_ =	strace $0x9000004A  }
0x1fc: {  	s0 =	stileid.u32;
	[bflag:$0x2] =	sbarrier.arrive $0xFFFF  }
0x1fd: {  	p0 =	sne.s32 s0, $0x0;
	s0 =	rddreg [dreg:$0x3]  }
0x1fe: {  	s0 =	sadd.s32 @!p0 $0x100000, s0  }
0x1ff: {  	[sflag:s0] =	ssyncadd.tile.s32 @!p0 $0x1;
	_ =	shalt  }
.Lfunc_end2:
_tile_overlayer_lowered:
.L_overlay_start_2:
0x200: {  	(tag) =	ssettag $0x2  }
0x201: {  	s0 =	rddreg [dreg:$0x0];
	s2 =	stileid.u32  }
0x202: {  	s1 =	rddreg [dreg:$0x1];
	p0 =	sne.s32 s2, $0x0  }
0x203: {  	s3 =	rddreg [dreg:$0x2];
	[bflag:$0x3] =	sbarrier.arrive $0xFFFF;
	s2 =	simm.s32 @!p0 $0x1C02  }
0x204: {  	[timem:s3], [sflag:s2] =	dma.local @!p0 [hbm:s0], s1  }
0x205: {  	s0 =	simm.s32 @!p0 $0x2  }
0x206: {  	_ =	swait.ge @!p0 [sflag:s0], s1  }
0x207: {  	s1 =	ssub.s32 @!p0 $0x0, s1;
	[sflag:s0] =	ssyncset.done @!p0 $0x0  }
0x208: {  	[sflag:s0] =	ssyncadd.s32 @!p0 s1  }
0x209: {  	[bflag:$0x3] =	sbarrier.arrive $0xFFFF  }
0x20a: {  	_ =	shalt  }

// kernel: kernel.22.cloned.1.call-start
scs
__scs_entry_jumppad:
0x0: {  	(pc) =	sbr.rel $0x88, $3  }
0x1: {  	(tag) =	ssettag $0x0;
	lr =	simm.s32 $0x1  }
0x2: {  	[smem:$0x3F94] =	sst lr;
	_ =	strace $0xD0000000  }
0x3: {  	_ = 	snop  }
0x4: {  	_ = 	snop  }
0x5: {  	_ = 	snop  }
0x6: {  	_ = 	snop  }
0x7: {  	_ = 	snop  }
__scs_overlays_trampoline_lowered:
0x8: {  	[smem:$0x3FA3] =	sst s0  }
0x9: {  	[smem:$0x3FA4] =	sst s1  }
0xa: {  	[smem:$0x3FA5] =	sst s2  }
0xb: {  	[smem:$0x3FA6] =	sst s3  }
0xc: {  	[smem:$0x3FA7] =	sst s4  }
0xd: {  	[smem:$0x3FA8] =	sst s5  }
0xe: {  	[smem:$0x3FA9] =	sst s6  }
0xf: {  	[smem:$0x3FAA] =	sst s7  }
0x10: {  	[smem:$0x3FAB] =	sst s8  }
0x11: {  	[smem:$0x3FAC] =	sst s9;
	s0 =	simm.s32 @!p0 $0x0  }
0x12: {  	s1 =	sld [smem:$0x3F92];
	s0 =	simm.s32 @p0 $0x1  }
0x13: {  	[smem:$0x3FAD] =	sst s0;
	s0 =	simm.s32 @!p1 $0x0  }
0x14: {  	s2 =	sld [smem:$0x3F91];
	s0 =	simm.s32 @p1 $0x1  }
0x15: {  	[smem:$0x3FAE] =	sst s0;
	s0 =	simm.s32 @!p2 $0x0  }
0x16: {  	s3 =	sld [smem:$0x3FDB];
	s0 =	simm.s32 @p2 $0x1  }
0x17: {  	s4 =	simm.s32 $0x1BF5;
	[smem:$0x3FB0] =	sst s0  }
0x18: {  	s0 =	sld [smem:$0x3F93];
	_ =	swait.ge [sflag:s4], $0x0  }
0x19: {  	s7 =	sld [smem:$0x3F94]  }
0x1a: {  	s8 =	sadd.s32 $0xFFFFE003, lr  }
0x1b: {  	s9 =	sadd.s32 $0xFFFFFEF7, lr;
	s5 =	simm.s32 $0xFFFFFFFF;
	p2 =	slt.u32 s8, $0xFFFFF086  }
0x1c: {  	p1 =	slt.u32 s9, $0xF7A;
	s5 =	simm.s32 @!p2 $0x0  }
0x1d: {  	s5 =	simm.s32 @p1 $0x1;
	p0 =	seq.s32 s7, s2  }
0x1e: {  	s7 =	smul.u32 @!p0 $0xF7A, s2;
	p2 =	seq.s32 @!p0 s5, $0x0  }
0x1f: {  	s9 =	smul.u32 $0xF7A, s1;
	s8 =	simm.s32 @!p0 $0x1BF5;
	p2 =	por !p2, p0  }
0x20: {  	[sflag:s8] =	ssyncset.s32 @!p0 $0xFFFFF086;
	s6 =	sadd.s32 @!p0 s3, s7;
	s7 =	simm.s32 @!p0 $0x108  }
0x21: {  	s3 =	sadd.s32 s3, s9;
	s6 =	sadd.s32 @!p0 $0x88, s6;
	s7 =	simm.s32 @p2 $0x1082  }
0x22: {  	[simem:s7], [sflag:s8] =	dma.local @!p0 [hbm:s6], $0xF7A  }
0x23: {  	s9 =	sor.u32 $0xD0000000, s2;
	s6 =	simm.s32 $0x108;
	_ =	swait.ge @!p0 [sflag:s8], $0x0  }
0x24: {  	s3 =	sadd.s32 $0x88, s3;
	s6 =	simm.s32 @!p1 $0x1082;
	[sflag:s4] =	ssyncset.s32 $0xFFFFF086  }
0x25: {  	[simem:s6], [sflag:s4] =	dma.local [hbm:s3], $0xF7A  }
0x26: {  	[smem:$0x3F94] =	sst s1;
	(tag) =	ssettag s2;
	_ =	strace s9  }
0x27: {  	s1 =	sld [smem:$0x3FA4]  }
0x28: {  	s2 =	sld [smem:$0x3FA5]  }
0x29: {  	s4 =	sld [smem:$0x3FA7]  }
0x2a: {  	p0 =	seq.s32 s5, $0x0;
	s5 =	sld [smem:$0x3FA8]  }
0x2b: {  	s6 =	sld [smem:$0x3FA9]  }
0x2c: {  	s7 =	sld [smem:$0x3FAA]  }
0x2d: {  	s3 =	simm.s32 $0x108;
	s8 =	sld [smem:$0x3FAB]  }
0x2e: {  	s3 =	simm.s32 @!p0 $0x1082;
	s9 =	sld [smem:$0x3FAC]  }
0x2f: {  	lr =	sadd.s32 s0, s3;
	s0 =	sld [smem:$0x3FA3]  }
0x30: {  	s3 =	sld [smem:$0x3FA6]  }
0x31: {  	[smem:$0x3FAF] =	sst s10  }
0x32: {  	s10 =	sld [smem:$0x3FAD];
	_ =	sdelay $0x3  }
0x33: {  	p0 =	seq.s32 s10, $0x1;
	s10 =	sld [smem:$0x3FAF];
	_ =	sdelay $0x3  }
0x34: {  	[smem:$0x3FAF] =	sst s10  }
0x35: {  	s10 =	sld [smem:$0x3FAE];
	_ =	sdelay $0x3  }
0x36: {  	p1 =	seq.s32 s10, $0x1;
	s10 =	sld [smem:$0x3FAF];
	_ =	sdelay $0x3  }
0x37: {  	[smem:$0x3FAF] =	sst s10  }
0x38: {  	s10 =	sld [smem:$0x3FB0]  }
0x39: {  	_ = 	snop;
	(pc) =	sbr.ind lr, $3  }
0x3a: {  	_ = 	snop  }
0x3b: {  	_ = 	snop  }
0x3c: {  	p2 =	seq.s32 s10, $0x1;
	s10 =	sld [smem:$0x3FAF]  }
0x3d: {  	_ =	shalt  }
0x3e: {  	_ =	shalt  }
0x3f: {  	_ =	shalt  }
0x40: {  	_ =	shalt  }
0x41: {  	_ =	shalt  }
0x42: {  	_ =	shalt  }
0x43: {  	_ =	shalt  }
0x44: {  	_ =	shalt  }
0x45: {  	_ =	shalt  }
0x46: {  	_ =	shalt  }
0x47: {  	_ =	shalt  }
0x48: {  	_ =	shalt  }
0x49: {  	_ =	shalt  }
0x4a: {  	_ =	shalt  }
0x4b: {  	_ =	shalt  }
0x4c: {  	_ =	shalt  }
0x4d: {  	_ =	shalt  }
0x4e: {  	_ =	shalt  }
0x4f: {  	_ =	shalt  }
0x50: {  	_ =	shalt  }
0x51: {  	_ =	shalt  }
0x52: {  	_ =	shalt  }
0x53: {  	_ =	shalt  }
0x54: {  	_ =	shalt  }
0x55: {  	_ =	shalt  }
0x56: {  	_ =	shalt  }
0x57: {  	_ =	shalt  }
0x58: {  	_ =	shalt  }
0x59: {  	_ =	shalt  }
0x5a: {  	_ =	shalt  }
0x5b: {  	_ =	shalt  }
0x5c: {  	_ =	shalt  }
0x5d: {  	_ =	shalt  }
0x5e: {  	_ =	shalt  }
0x5f: {  	_ =	shalt  }
0x60: {  	_ =	shalt  }
0x61: {  	_ =	shalt  }
0x62: {  	_ =	shalt  }
0x63: {  	_ =	shalt  }
0x64: {  	_ =	shalt  }
0x65: {  	_ =	shalt  }
0x66: {  	_ =	shalt  }
0x67: {  	_ =	shalt  }
0x68: {  	_ =	shalt  }
0x69: {  	_ =	shalt  }
0x6a: {  	_ =	shalt  }
0x6b: {  	_ =	shalt  }
0x6c: {  	_ =	shalt  }
0x6d: {  	_ =	shalt  }
0x6e: {  	_ =	shalt  }
0x6f: {  	_ =	shalt  }
0x70: {  	_ =	shalt  }
0x71: {  	_ =	shalt  }
0x72: {  	_ =	shalt  }
0x73: {  	_ =	shalt  }
0x74: {  	_ =	shalt  }
0x75: {  	_ =	shalt  }
0x76: {  	_ =	shalt  }
0x77: {  	_ =	shalt  }
0x78: {  	_ =	shalt  }
0x79: {  	_ =	shalt  }
0x7a: {  	_ =	shalt  }
0x7b: {  	_ =	shalt  }
0x7c: {  	_ =	shalt  }
0x7d: {  	_ =	shalt  }
0x7e: {  	_ =	shalt  }
0x7f: {  	_ =	shalt  }
0x80: {  	_ =	shalt  }
0x81: {  	_ =	shalt  }
0x82: {  	_ =	shalt  }
0x83: {  	_ =	shalt  }
0x84: {  	_ =	shalt  }
0x85: {  	_ =	shalt  }
0x86: {  	_ =	shalt  }
0x87: {  	_ =	shalt  }
.Lfunc_end0:
.L_simem_size_0:
called_computation.2_lowered:
.L_overlay_start_0:
0x88: {  	s2 =	sld [smem:$0x3FD9]  }
0x89: {  	s3 =	sld [smem:$0x3FFE];
	_ =	sdelay $0x1  }
0x8a: {  	s1 =	srdreg.scid  }
0x8b: {  	s0 =	sand.u32 $0x1, s1  }
0x8c: {  	s17 =	sshll.u32 s0, $0xA;
	s2 =	sadd.s32 s3, s2  }
0x8d: {  	s2 =	sadd.s32 s2, s17  }
0x8e: {  	[smem:$0x3FBB] =	sst s2  }
0x8f: {  	_ = 	snop  }
0x90: {  	s2 =	sld [smem:$0x3FD0];
	(tm) =	ssettm $0x1  }
0x91: {  	s18 =	sld [smem:$0x3FFB];
	_ =	sdelay $0x3  }
0x92: {  	_ =	strace s18  }
0x93: {  	s3 =	sld [smem:$0x3FFC];
	_ =	sdelay $0x3  }
0x94: {  	_ =	strace s3  }
0x95: {  	s3 =	sld [smem:$0x3FFD];
	_ =	sdelay $0x3  }
0x96: {  	_ =	strace s3  }
0x97: {  	_ =	strace $0x8FFFFFFF  }
0x98: {  	s19 =	sld [smem:$0x3FDB];
	_ =	sdelay $0x1  }
0x99: {  	s4 =	simm.s32 $_scs_section_size  }
0x9a: {  	s5 =	simm.s32 $_size__tile_overlayer_lowered;
	s6 =	simm.s32 $_tile_overlayer_lowered  }
0x9b: {  	s22 =	simm.s32 $0x1BFF;
	s21 =	sshll.u32 s6, $0x1;
	s3 =	sadd.s32 s4, s19  }
0x9c: {  	s7 =	simm.s32 $0x0;
	s20 =	sshll.u32 s5, $0x1;
	s5 =	sadd.s32 s21, s3  }
0x9d: {  	[timem:s7], [sflag:s22] =	dma.local [hbm:s5], s20  }
0x9e: {  	_ =	swait.ge [sflag:s22], s20  }
0x9f: {  	s4 =	ssub.s32 $0x0, s20;
	[sflag:s22] =	ssyncset.done $0x0  }
0xa0: {  	[sflag:s22] =	ssyncadd.s32 s4;
	_ =	sdelay $0x1  }
0xa1: {  	s23 =	simm.s32 $0x1B8B  }
0xa2: {  	_ =	swait.ge [sflag:s23], $0x1  }
0xa3: {  	[sflag:s23] =	ssyncset.done $0x0  }
0xa4: {  	s25 =	simm.s32 $0x1B8E;
	s24 =	sld [smem:$0x3FFE];
	[sflag:s23] =	ssyncadd.s32 $0xFFFFFFFF  }
0xa5: {  	s26 =	simm.s32 $execute0_lowered;
	[smem:$0x3FD2] =	sst s25  }
0xa6: {  	s5 =	sshll.u32 s26, $0x1;
	_ =	strace $0x8000004C;
	[dreg:$0x1] =	wrdreg $0xFFFFFFFF  }
0xa7: {  	s28 =	simm.s32 $_size_execute0_lowered;
	s3 =	sadd.s32 s3, s5;
	[dreg:$0x0] =	wrdreg $0x0  }
0xa8: {  	s5 =	sshll.u32 s28, $0x1;
	[dreg:$0x2] =	wrdreg s3  }
0xa9: {  	[dreg:$0x3] =	wrdreg s5  }
0xaa: {  	[dreg:$0x4] =	wrdreg $0xC0  }
0xab: {  	_ =	task [dreg:s7], $0x5FFFF  }
0xac: {  	[dreg:$0x1] =	wrdreg $0xFFFFFFFF  }
0xad: {  	[dreg:$0x0] =	wrdreg $0x60  }
0xae: {  	[dreg:$0x2] =	wrdreg s24  }
0xaf: {  	[dreg:$0x3] =	wrdreg s2  }
0xb0: {  	[dreg:$0x4] =	wrdreg $0x90000  }
0xb1: {  	[dreg:$0x5] =	wrdreg $0x9  }
0xb2: {  	_ =	task.clear_ibuf [dreg:s7], $0x6FFFF;
	_ =	strace $0x9000004C  }
0xb3: {  	s29 =	simm.s32 $0x9;
	_ =	strace $0x8000004E  }
0xb4: {  	_ =	swait.ge [sflag:s29], $0x1  }
0xb5: {  	[sflag:s29] =	ssyncadd.s32 $0xFFFFFFFF  }
0xb6: {  	_ =	strace $0x9000004E  }
0xb7: {  	_ =	sfence  }
0xb8: {  	s30 =	sld [smem:$0x0];
	_ =	sdelay $0x2  }
0xb9: {  	s31 =	sshll.u32 s1, $0xD;
	s1 =	sshrl.u32 s1, $0x2  }
0xba: {  	s3 =	sand.u32 $0x4000, s31;
	s1 =	sadd.s32 s1, s30  }
0xbb: {  	s0 =	sor.u32 s3, s0;
	s1 =	sshll.u32 s1, $0x11  }
0xbc: {  	s0 =	sor.u32 s1, s0  }
0xbd: {  	s0 =	sadd.s32 $0x8F2B, s0  }
0xbe: {  	[sflag:s0] =	ssyncadd.remote.s32 $0x1  }
0xbf: {  	_ =	sfence.sel $0xFFFF  }
0xc0: {  	[dreg:$0x0] =	wrdreg $0xFFFFFFFF;
	(pc) =	sbr.abs _section_cstart, $3  }
0xc1: {  	[dreg:$0x1] =	wrdreg $0xFFFFFFFF  }
0xc2: {  	_ =	task.clear_ibuf [dreg:s7], $0x2FFFF;
	_ =	strace $0x9FFFFFFF  }
0xc3: {  	(tm) =	ssettm $0x7FFFFFFF  }
tec
execute0_lowered:
.L_overlay_start_1:
0x0: {  	(tag) =	ssettag $0x1  }
0x1: {  	s0 =	rddreg [dreg:$0x0];
	s1 =	srdreg.scid  }
0x2: {  	s3 =	rddreg [dreg:$0x2];
	s9 =	stileid.u32;
	s4 =	simm.s32 $0x0  }
0x3: {  	s16 =	simm.s32 $0x100;
	s17 =	simm.s32 $0x880;
	s18 =	simm.s32 $0x180  }
0x4: {  	s19 =	simm.s32 $0x900;
	s20 =	simm.s32 $0x200;
	[smem:$0x7FF] =	sst s4  }
0x5: {  	s21 =	simm.s32 $0x980;
	_ =	strace $0x8000004D;
	[dreg:$0x6] =	wrdreg s16  }
0x6: {  	s10 =	simm.s32 $0x800;
	s22 =	simm.s32 $0x280;
	[dreg:$0x7] =	wrdreg s17  }
0x7: {  	s11 =	simm.s32 $0x80;
	s23 =	simm.s32 $0xA00;
	[dreg:$0x8] =	wrdreg s18  }
0x8: {  	s24 =	simm.s32 $0x300;
	s25 =	simm.s32 $0xA80;
	[dreg:$0x9] =	wrdreg s19  }
0x9: {  	s26 =	simm.s32 $0x380;
	s28 =	simm.s32 $0x680;
	[dreg:$0xa] =	wrdreg s20  }
0xa: {  	s29 =	simm.s32 $0xE00;
	s5 =	smul.u32 $0x5000, s9;
	[dreg:$0xb] =	wrdreg s21  }
0xb: {  	s30 =	simm.s32 $0x700;
	s6 =	smul.u32 $0xA00, s9;
	[dreg:$0xc] =	wrdreg s22  }
0xc: {  	s1 =	sand.u32 $0x1, s1;
	s8 =	smul.u32 $0x50000, s9;
	[dreg:$0xd] =	wrdreg s23  }
0xd: {  	s31 =	simm.s32 $0xE80;
	s2 =	smul.u32 $0x50000, s1;
	[dreg:$0xe] =	wrdreg s24  }
0xe: {  	s14 =	sshll.u32 s9, $0x6;
	s7 =	smul.u32 $0x28000, s1;
	[dreg:$0xf] =	wrdreg s25  }
0xf: {  	s1 =	ssub.s32 $0x2, s1;
	[dreg:$0x10] =	wrdreg s26;
	s16 =	simm.s32 $0x400  }
0x10: {  	s17 =	simm.s32 $0xB80;
	s18 =	simm.s32 $0x480;
	s19 =	simm.s32 $0xC00  }
0x11: {  	s20 =	simm.s32 $0x500;
	s21 =	simm.s32 $0xC80;
	s22 =	simm.s32 $0x580  }
0x12: {  	s23 =	simm.s32 $0xD00;
	s25 =	simm.s32 $0x600;
	s26 =	simm.s32 $0xD80  }
0x13: {  	s24 =	simm.s32 $0x0;
	s6 =	sadd.s32 s6, s0;
	s12 =	sshrl.u32 s1, $0x1  }
0x14: {  	s8 =	sshrl.u32 s8, $0x2;
	s2 =	sadd.s32 s2, s5;
	s5 =	sadd.s32 $0x77C00, s0  }
0x15: {  	s1 =	ssub.s32 s1, s12;
	s13 =	sadd.s32 s8, s3;
	s15 =	sadd.s32 $0x59C00, s6  }
0x16: {  	s8 =	sor.u32 $0x1C02, s14;
	s6 =	smul.u32 $0x2800, s9;
	s9 =	simm.s32 $0x2  }
0x17: {  	s12 =	simm.s32 $0x1000;
	s14 =	simm.s32 $0x5000;
	s2 =	sshrl.u32 s2, $0x3  }
0x18: {  	[dreg:$0x5] =	wrdreg s15;
	s1 =	smax.u32 s1, $0x1;
	s15 =	simm.s32 $0xB00  }
0x19: {  	[dreg:$0x11] =	wrdreg s8;
	s2 =	sadd.s32 s2, s0;
	s0 =	sadd.s32 s7, s0  }
0x1a: {  	[dreg:$0x12] =	wrdreg s1;
	s7 =	sshrl.u32 s13, $0x3;
	s13 =	simm.s32 $0x1  }
0x1b: {  	s2 =	sadd.s32 $0x63C00, s2;
	s0 =	sadd.s32 $0xC5E00, s0;
	[dreg:$0x13] =	wrdreg s7  }
0x1c: {  	s1 =	simm.s32 $0xF00;
	[dreg:$0x4] =	wrdreg s2;
	s0 =	sadd.s32 s6, s0  }
0x1d: {  	s2 =	simm.s32 $0xF80;
	[dreg:$0x14] =	wrdreg s0;
	s0 =	simm.s32 $0x780  }
.LBB2_1:
0x1e: {  	[dreg:$0x15] =	wrdreg s24  }
0x1f: {  	s6 =	rddreg [dreg:$0x1]  }
0x20: {  	[spmem:s7], [sflag:s8] =	dma.local [hbm:s6], $0x2800  }
0x21: {  	_ =	swait.ge [sflag:s9], $0x2800  }
0x22: {  	[sflag:s9] =	ssyncset.done $0x0  }
0x23: {  	[sflag:s9] =	ssyncadd.s32 $0xFFFFD800  }
0x24: {  	[bflag:$0x0] =	sbarrier.arrive $0xFFFF  }
0x25: {  	s7 =	rddreg [dreg:$0x4]  }
0x26: {  	s6 =	sadd.s32 $0x0, s7  }
0x27: {  	[tilespmem:s4], [sflag:$0x2] =	stream.linear.gather [hbm4b:s6+s4], $0x800, $0x38;
	[tilespmem:$0x1D000] =	vst v63  }
0x28: {  	_ =	swait.ge [sflag:s9], $0x800  }
0x29: {  	s8 =	rddreg [dreg:$0x5];
	[sflag:s9] =	ssyncset.done $0x0  }
0x2a: {  	[sflag:s9] =	ssyncadd.s32 $0xFFFFF800;
	s6 =	sadd.s32 $0x0, s8  }
0x2b: {  	[tilespmem:s10], [sflag:$0x2] =	stream.linear.gather [hbm4b:s6+s4], $0x800, $0x38;
	[tilespmem:$0x1D000] =	vst v63  }
0x2c: {  	_ =	swait.ge [sflag:s9], $0x800  }
0x2d: {  	[sflag:s9] =	ssyncset.done $0x0  }
0x2e: {  	[sflag:s9] =	ssyncadd.s32 $0xFFFFF800  }
0x2f: {  	[tilespmem:s12], [sflag:$0x1] =	stream.indirect.gather [hbm4b:s5+s11], $0x80, s4, s11, $0xb8;
	[tilespmem:$0x1D000] =	vst v63  }
0x30: {  	_ =	swait.ge [sflag:s13], $0x4000  }
0x31: {  	[sflag:s13] =	ssyncset.done $0x0  }
0x32: {  	[sflag:s13] =	ssyncadd.s32 $0xFFFFC000  }
0x33: {  	[tilespmem:s14], [sflag:$0x1] =	stream.indirect.gather [hbm4b:s5+s11], $0x80, s11, s11, $0xb8;
	[tilespmem:$0x1D000] =	vst v63  }
0x34: {  	_ = 	snop  }
0x35: {  	[spmem:s3] =	stream.indirect.scatter.add.f32 [tilespmem:s12], [sflag:$0x2], $0x80, s10, s11, $0xb8;
	[tilespmem:$0x1D000] =	vst v63  }
0x36: {  	_ =	swait.ge [sflag:s9], $0x4000  }
0x37: {  	[sflag:s9] =	ssyncset.done $0x0  }
0x38: {  	[sflag:s9] =	ssyncadd.s32 $0xFFFFC000  }
0x39: {  	_ =	swait.ge [sflag:s13], $0x4000  }
0x3a: {  	[sflag:s13] =	ssyncset.done $0x0  }
0x3b: {  	s24 =	rddreg [dreg:$0x6];
	[sflag:s13] =	ssyncadd.s32 $0xFFFFC000  }
0x3c: {  	[tilespmem:s12], [sflag:$0x1] =	stream.indirect.gather [hbm4b:s5+s11], $0x80, s24, s11, $0xb8;
	[tilespmem:$0x1D000] =	vst v63  }
0x3d: {  	s7 =	rddreg [dreg:$0x7]  }
0x3e: {  	[spmem:s3] =	stream.indirect.scatter.add.f32 [tilespmem:s14], [sflag:$0x2], $0x80, s7, s11, $0xb8;
	[tilespmem:$0x1D000] =	vst v63  }
0x3f: {  	_ =	swait.ge [sflag:s9], $0x4000  }
0x40: {  	[sflag:s9] =	ssyncset.done $0x0  }
0x41: {  	[sflag:s9] =	ssyncadd.s32 $0xFFFFC000  }
0x42: {  	_ =	swait.ge [sflag:s13], $0x4000  }
0x43: {  	[sflag:s13] =	ssyncset.done $0x0  }
0x44: {  	s24 =	rddreg [dreg:$0x8];
	[sflag:s13] =	ssyncadd.s32 $0xFFFFC000  }
0x45: {  	[tilespmem:s14], [sflag:$0x1] =	stream.indirect.gather [hbm4b:s5+s11], $0x80, s24, s11, $0xb8;
	[tilespmem:$0x1D000] =	vst v63  }
0x46: {  	s7 =	rddreg [dreg:$0x9]  }
0x47: {  	[spmem:s3] =	stream.indirect.scatter.add.f32 [tilespmem:s12], [sflag:$0x2], $0x80, s7, s11, $0xb8;
	[tilespmem:$0x1D000] =	vst v63  }
0x48: {  	_ =	swait.ge [sflag:s9], $0x4000  }
0x49: {  	[sflag:s9] =	ssyncset.done $0x0  }
0x4a: {  	[sflag:s9] =	ssyncadd.s32 $0xFFFFC000  }
0x4b: {  	_ =	swait.ge [sflag:s13], $0x4000  }
0x4c: {  	[sflag:s13] =	ssyncset.done $0x0  }
0x4d: {  	s24 =	rddreg [dreg:$0xa];
	[sflag:s13] =	ssyncadd.s32 $0xFFFFC000  }
0x4e: {  	[tilespmem:s12], [sflag:$0x1] =	stream.indirect.gather [hbm4b:s5+s11], $0x80, s24, s11, $0xb8;
	[tilespmem:$0x1D000] =	vst v63  }
0x4f: {  	s7 =	rddreg [dreg:$0xb]  }
0x50: {  	[spmem:s3] =	stream.indirect.scatter.add.f32 [tilespmem:s14], [sflag:$0x2], $0x80, s7, s11, $0xb8;
	[tilespmem:$0x1D000] =	vst v63  }
0x51: {  	_ =	swait.ge [sflag:s9], $0x4000  }
0x52: {  	[sflag:s9] =	ssyncset.done $0x0  }
0x53: {  	[sflag:s9] =	ssyncadd.s32 $0xFFFFC000  }
0x54: {  	_ =	swait.ge [sflag:s13], $0x4000  }
0x55: {  	[sflag:s13] =	ssyncset.done $0x0  }
0x56: {  	s24 =	rddreg [dreg:$0xc];
	[sflag:s13] =	ssyncadd.s32 $0xFFFFC000  }
0x57: {  	[tilespmem:s14], [sflag:$0x1] =	stream.indirect.gather [hbm4b:s5+s11], $0x80, s24, s11, $0xb8;
	[tilespmem:$0x1D000] =	vst v63  }
0x58: {  	s7 =	rddreg [dreg:$0xd]  }
0x59: {  	[spmem:s3] =	stream.indirect.scatter.add.f32 [tilespmem:s12], [sflag:$0x2], $0x80, s7, s11, $0xb8;
	[tilespmem:$0x1D000] =	vst v63  }
0x5a: {  	_ =	swait.ge [sflag:s9], $0x4000  }
0x5b: {  	[sflag:s9] =	ssyncset.done $0x0  }
0x5c: {  	[sflag:s9] =	ssyncadd.s32 $0xFFFFC000  }
0x5d: {  	_ =	swait.ge [sflag:s13], $0x4000  }
0x5e: {  	[sflag:s13] =	ssyncset.done $0x0  }
0x5f: {  	s24 =	rddreg [dreg:$0xe];
	[sflag:s13] =	ssyncadd.s32 $0xFFFFC000  }
0x60: {  	[tilespmem:s12], [sflag:$0x1] =	stream.indirect.gather [hbm4b:s5+s11], $0x80, s24, s11, $0xb8;
	[tilespmem:$0x1D000] =	vst v63  }
0x61: {  	s7 =	rddreg [dreg:$0xf]  }
0x62: {  	[spmem:s3] =	stream.indirect.scatter.add.f32 [tilespmem:s14], [sflag:$0x2], $0x80, s7, s11, $0xb8;
	[tilespmem:$0x1D000] =	vst v63  }
0x63: {  	_ =	swait.ge [sflag:s9], $0x4000  }
0x64: {  	[sflag:s9] =	ssyncset.done $0x0  }
0x65: {  	[sflag:s9] =	ssyncadd.s32 $0xFFFFC000  }
0x66: {  	_ =	swait.ge [sflag:s13], $0x4000  }
0x67: {  	[sflag:s13] =	ssyncset.done $0x0  }
0x68: {  	s24 =	rddreg [dreg:$0x10];
	[sflag:s13] =	ssyncadd.s32 $0xFFFFC000  }
0x69: {  	[tilespmem:s14], [sflag:$0x1] =	stream.indirect.gather [hbm4b:s5+s11], $0x80, s24, s11, $0xb8;
	[tilespmem:$0x1D000] =	vst v63  }
0x6a: {  	_ = 	snop  }
0x6b: {  	[spmem:s3] =	stream.indirect.scatter.add.f32 [tilespmem:s12], [sflag:$0x2], $0x80, s15, s11, $0xb8;
	[tilespmem:$0x1D000] =	vst v63  }
0x6c: {  	_ =	swait.ge [sflag:s9], $0x4000  }
0x6d: {  	[sflag:s9] =	ssyncset.done $0x0  }
0x6e: {  	[sflag:s9] =	ssyncadd.s32 $0xFFFFC000  }
0x6f: {  	_ =	swait.ge [sflag:s13], $0x4000  }
0x70: {  	[sflag:s13] =	ssyncset.done $0x0  }
0x71: {  	[sflag:s13] =	ssyncadd.s32 $0xFFFFC000  }
0x72: {  	[tilespmem:s12], [sflag:$0x1] =	stream.indirect.gather [hbm4b:s5+s11], $0x80, s16, s11, $0xb8;
	[tilespmem:$0x1D000] =	vst v63  }
0x73: {  	_ = 	snop  }
0x74: {  	[spmem:s3] =	stream.indirect.scatter.add.f32 [tilespmem:s14], [sflag:$0x2], $0x80, s17, s11, $0xb8;
	[tilespmem:$0x1D000] =	vst v63  }
0x75: {  	_ =	swait.ge [sflag:s9], $0x4000  }
0x76: {  	[sflag:s9] =	ssyncset.done $0x0  }
0x77: {  	[sflag:s9] =	ssyncadd.s32 $0xFFFFC000  }
0x78: {  	_ =	swait.ge [sflag:s13], $0x4000  }
0x79: {  	[sflag:s13] =	ssyncset.done $0x0  }
0x7a: {  	[sflag:s13] =	ssyncadd.s32 $0xFFFFC000  }
0x7b: {  	[tilespmem:s14], [sflag:$0x1] =	stream.indirect.gather [hbm4b:s5+s11], $0x80, s18, s11, $0xb8;
	[tilespmem:$0x1D000] =	vst v63  }
0x7c: {  	_ = 	snop  }
0x7d: {  	[spmem:s3] =	stream.indirect.scatter.add.f32 [tilespmem:s12], [sflag:$0x2], $0x80, s19, s11, $0xb8;
	[tilespmem:$0x1D000] =	vst v63  }
0x7e: {  	_ =	swait.ge [sflag:s9], $0x4000  }
0x7f: {  	[sflag:s9] =	ssyncset.done $0x0  }
0x80: {  	[sflag:s9] =	ssyncadd.s32 $0xFFFFC000  }
0x81: {  	_ =	swait.ge [sflag:s13], $0x4000  }
0x82: {  	[sflag:s13] =	ssyncset.done $0x0  }
0x83: {  	[sflag:s13] =	ssyncadd.s32 $0xFFFFC000  }
0x84: {  	[tilespmem:s12], [sflag:$0x1] =	stream.indirect.gather [hbm4b:s5+s11], $0x80, s20, s11, $0xb8;
	[tilespmem:$0x1D000] =	vst v63  }
0x85: {  	_ = 	snop  }
0x86: {  	[spmem:s3] =	stream.indirect.scatter.add.f32 [tilespmem:s14], [sflag:$0x2], $0x80, s21, s11, $0xb8;
	[tilespmem:$0x1D000] =	vst v63  }
0x87: {  	_ =	swait.ge [sflag:s9], $0x4000  }
0x88: {  	[sflag:s9] =	ssyncset.done $0x0  }
0x89: {  	[sflag:s9] =	ssyncadd.s32 $0xFFFFC000  }
0x8a: {  	_ =	swait.ge [sflag:s13], $0x4000  }
0x8b: {  	[sflag:s13] =	ssyncset.done $0x0  }
0x8c: {  	[sflag:s13] =	ssyncadd.s32 $0xFFFFC000  }
0x8d: {  	[tilespmem:s14], [sflag:$0x1] =	stream.indirect.gather [hbm4b:s5+s11], $0x80, s22, s11, $0xb8;
	[tilespmem:$0x1D000] =	vst v63  }
0x8e: {  	_ = 	snop  }
0x8f: {  	[spmem:s3] =	stream.indirect.scatter.add.f32 [tilespmem:s12], [sflag:$0x2], $0x80, s23, s11, $0xb8;
	[tilespmem:$0x1D000] =	vst v63  }
0x90: {  	_ =	swait.ge [sflag:s9], $0x4000  }
0x91: {  	[sflag:s9] =	ssyncset.done $0x0  }
0x92: {  	[sflag:s9] =	ssyncadd.s32 $0xFFFFC000  }
0x93: {  	_ =	swait.ge [sflag:s13], $0x4000  }
0x94: {  	[sflag:s13] =	ssyncset.done $0x0  }
0x95: {  	[sflag:s13] =	ssyncadd.s32 $0xFFFFC000  }
0x96: {  	[tilespmem:s12], [sflag:$0x1] =	stream.indirect.gather [hbm4b:s5+s11], $0x80, s25, s11, $0xb8;
	[tilespmem:$0x1D000] =	vst v63  }
0x97: {  	_ = 	snop  }
0x98: {  	[spmem:s3] =	stream.indirect.scatter.add.f32 [tilespmem:s14], [sflag:$0x2], $0x80, s26, s11, $0xb8;
	[tilespmem:$0x1D000] =	vst v63  }
0x99: {  	_ =	swait.ge [sflag:s9], $0x4000  }
0x9a: {  	[sflag:s9] =	ssyncset.done $0x0  }
0x9b: {  	[sflag:s9] =	ssyncadd.s32 $0xFFFFC000  }
0x9c: {  	_ =	swait.ge [sflag:s13], $0x4000  }
0x9d: {  	[sflag:s13] =	ssyncset.done $0x0  }
0x9e: {  	[sflag:s13] =	ssyncadd.s32 $0xFFFFC000  }
0x9f: {  	[tilespmem:s14], [sflag:$0x1] =	stream.indirect.gather [hbm4b:s5+s11], $0x80, s28, s11, $0xb8;
	[tilespmem:$0x1D000] =	vst v63  }
0xa0: {  	_ = 	snop  }
0xa1: {  	[spmem:s3] =	stream.indirect.scatter.add.f32 [tilespmem:s12], [sflag:$0x2], $0x80, s29, s11, $0xb8;
	[tilespmem:$0x1D000] =	vst v63  }
0xa2: {  	_ =	swait.ge [sflag:s9], $0x4000  }
0xa3: {  	[sflag:s9] =	ssyncset.done $0x0  }
0xa4: {  	[sflag:s9] =	ssyncadd.s32 $0xFFFFC000  }
0xa5: {  	_ =	swait.ge [sflag:s13], $0x4000  }
0xa6: {  	[sflag:s13] =	ssyncset.done $0x0  }
0xa7: {  	[sflag:s13] =	ssyncadd.s32 $0xFFFFC000  }
0xa8: {  	[tilespmem:s12], [sflag:$0x1] =	stream.indirect.gather [hbm4b:s5+s11], $0x80, s30, s11, $0xb8;
	[tilespmem:$0x1D000] =	vst v63  }
0xa9: {  	_ = 	snop  }
0xaa: {  	[spmem:s3] =	stream.indirect.scatter.add.f32 [tilespmem:s14], [sflag:$0x2], $0x80, s31, s11, $0xb8;
	[tilespmem:$0x1D000] =	vst v63  }
0xab: {  	_ =	swait.ge [sflag:s9], $0x4000  }
0xac: {  	[sflag:s9] =	ssyncset.done $0x0  }
0xad: {  	[sflag:s9] =	ssyncadd.s32 $0xFFFFC000  }
0xae: {  	_ =	swait.ge [sflag:s13], $0x4000  }
0xaf: {  	[sflag:s13] =	ssyncset.done $0x0  }
0xb0: {  	[sflag:s13] =	ssyncadd.s32 $0xFFFFC000  }
0xb1: {  	[tilespmem:s14], [sflag:$0x1] =	stream.indirect.gather [hbm4b:s5+s11], $0x80, s0, s11, $0xb8;
	[tilespmem:$0x1D000] =	vst v63  }
0xb2: {  	_ = 	snop  }
0xb3: {  	[spmem:s3] =	stream.indirect.scatter.add.f32 [tilespmem:s12], [sflag:$0x2], $0x80, s1, s11, $0xb8;
	[tilespmem:$0x1D000] =	vst v63  }
0xb4: {  	_ =	swait.ge [sflag:s9], $0x4000  }
0xb5: {  	[sflag:s9] =	ssyncset.done $0x0  }
0xb6: {  	[sflag:s9] =	ssyncadd.s32 $0xFFFFC000  }
0xb7: {  	_ =	swait.ge [sflag:s13], $0x4000  }
0xb8: {  	[sflag:s13] =	ssyncset.done $0x0  }
0xb9: {  	[sflag:s13] =	ssyncadd.s32 $0xFFFFC000  }
0xba: {  	[spmem:s3] =	stream.indirect.scatter.add.f32 [tilespmem:s14], [sflag:$0x2], $0x80, s2, s11, $0xb8;
	[tilespmem:$0x1D000] =	vst v63  }
0xbb: {  	s6 =	simm.s32 $0x200;
	_ =	swait.ge [sflag:s9], $0x4000  }
0xbc: {  	s24 =	simm.s32 $0x100;
	s8 =	rddreg [dreg:$0x4];
	[sflag:s9] =	ssyncset.done $0x0  }
.LBB2_2:
0xbd: {  	[sflag:s9] =	ssyncadd.s32 $0xFFFFC000;
	s8 =	sadd.s32 s24, s8  }
0xbe: {  	[tilespmem:s4], [sflag:$0x2] =	stream.linear.gather [hbm4b:s8+s4], $0x800, $0x38;
	[tilespmem:$0x1D000] =	vst v63  }
0xbf: {  	_ =	swait.ge [sflag:s9], $0x800  }
0xc0: {  	s8 =	rddreg [dreg:$0x5];
	[sflag:s9] =	ssyncset.done $0x0  }
0xc1: {  	[sflag:s9] =	ssyncadd.s32 $0xFFFFF800;
	s8 =	sadd.s32 s24, s8  }
0xc2: {  	[tilespmem:s10], [sflag:$0x2] =	stream.linear.gather [hbm4b:s8+s4], $0x800, $0x38;
	[tilespmem:$0x1D000] =	vst v63  }
0xc3: {  	_ =	swait.ge [sflag:s9], $0x800  }
0xc4: {  	[sflag:s9] =	ssyncset.done $0x0  }
0xc5: {  	[sflag:s9] =	ssyncadd.s32 $0xFFFFF800  }
0xc6: {  	[tilespmem:s12], [sflag:$0x1] =	stream.indirect.gather [hbm4b:s5+s11], $0x80, s4, s11, $0xb8;
	[tilespmem:$0x1D000] =	vst v63  }
0xc7: {  	_ =	swait.ge [sflag:s13], $0x4000  }
0xc8: {  	[sflag:s13] =	ssyncset.done $0x0  }
0xc9: {  	[sflag:s13] =	ssyncadd.s32 $0xFFFFC000  }
0xca: {  	[tilespmem:s14], [sflag:$0x1] =	stream.indirect.gather [hbm4b:s5+s11], $0x80, s11, s11, $0xb8;
	[tilespmem:$0x1D000] =	vst v63  }
0xcb: {  	_ = 	snop  }
0xcc: {  	[spmem:s3] =	stream.indirect.scatter.add.f32 [tilespmem:s12], [sflag:$0x2], $0x80, s10, s11, $0xb8;
	[tilespmem:$0x1D000] =	vst v63  }
0xcd: {  	_ =	swait.ge [sflag:s9], $0x4000  }
0xce: {  	[sflag:s9] =	ssyncset.done $0x0  }
0xcf: {  	[sflag:s9] =	ssyncadd.s32 $0xFFFFC000  }
0xd0: {  	_ =	swait.ge [sflag:s13], $0x4000  }
0xd1: {  	s7 =	smov.u32 s6;
	[sflag:s13] =	ssyncset.done $0x0  }
0xd2: {  	s24 =	smov.u32 s7;
	s7 =	rddreg [dreg:$0x6];
	[sflag:s13] =	ssyncadd.s32 $0xFFFFC000  }
0xd3: {  	[tilespmem:s12], [sflag:$0x1] =	stream.indirect.gather [hbm4b:s5+s11], $0x80, s7, s11, $0xb8;
	[tilespmem:$0x1D000] =	vst v63  }
0xd4: {  	s8 =	rddreg [dreg:$0x7]  }
0xd5: {  	[spmem:s3] =	stream.indirect.scatter.add.f32 [tilespmem:s14], [sflag:$0x2], $0x80, s8, s11, $0xb8;
	[tilespmem:$0x1D000] =	vst v63  }
0xd6: {  	_ =	swait.ge [sflag:s9], $0x4000  }
0xd7: {  	[sflag:s9] =	ssyncset.done $0x0  }
0xd8: {  	[sflag:s9] =	ssyncadd.s32 $0xFFFFC000  }
0xd9: {  	_ =	swait.ge [sflag:s13], $0x4000  }
0xda: {  	[sflag:s13] =	ssyncset.done $0x0  }
0xdb: {  	s7 =	rddreg [dreg:$0x8];
	[sflag:s13] =	ssyncadd.s32 $0xFFFFC000  }
0xdc: {  	[tilespmem:s14], [sflag:$0x1] =	stream.indirect.gather [hbm4b:s5+s11], $0x80, s7, s11, $0xb8;
	[tilespmem:$0x1D000] =	vst v63  }
0xdd: {  	s8 =	rddreg [dreg:$0x9]  }
0xde: {  	[spmem:s3] =	stream.indirect.scatter.add.f32 [tilespmem:s12], [sflag:$0x2], $0x80, s8, s11, $0xb8;
	[tilespmem:$0x1D000] =	vst v63  }
0xdf: {  	_ =	swait.ge [sflag:s9], $0x4000  }
0xe0: {  	[sflag:s9] =	ssyncset.done $0x0  }
0xe1: {  	[sflag:s9] =	ssyncadd.s32 $0xFFFFC000  }
0xe2: {  	_ =	swait.ge [sflag:s13], $0x4000  }
0xe3: {  	[sflag:s13] =	ssyncset.done $0x0  }
0xe4: {  	s7 =	rddreg [dreg:$0xa];
	[sflag:s13] =	ssyncadd.s32 $0xFFFFC000  }
0xe5: {  	[tilespmem:s12], [sflag:$0x1] =	stream.indirect.gather [hbm4b:s5+s11], $0x80, s7, s11, $0xb8;
	[tilespmem:$0x1D000] =	vst v63  }
0xe6: {  	s8 =	rddreg [dreg:$0xb]  }
0xe7: {  	[spmem:s3] =	stream.indirect.scatter.add.f32 [tilespmem:s14], [sflag:$0x2], $0x80, s8, s11, $0xb8;
	[tilespmem:$0x1D000] =	vst v63  }
0xe8: {  	_ =	swait.ge [sflag:s9], $0x4000  }
0xe9: {  	[sflag:s9] =	ssyncset.done $0x0  }
0xea: {  	[sflag:s9] =	ssyncadd.s32 $0xFFFFC000  }
0xeb: {  	_ =	swait.ge [sflag:s13], $0x4000  }
0xec: {  	[sflag:s13] =	ssyncset.done $0x0  }
0xed: {  	s7 =	rddreg [dreg:$0xc];
	[sflag:s13] =	ssyncadd.s32 $0xFFFFC000  }
0xee: {  	[tilespmem:s14], [sflag:$0x1] =	stream.indirect.gather [hbm4b:s5+s11], $0x80, s7, s11, $0xb8;
	[tilespmem:$0x1D000] =	vst v63  }
0xef: {  	s8 =	rddreg [dreg:$0xd]  }
0xf0: {  	[spmem:s3] =	stream.indirect.scatter.add.f32 [tilespmem:s12], [sflag:$0x2], $0x80, s8, s11, $0xb8;
	[tilespmem:$0x1D000] =	vst v63  }
0xf1: {  	_ =	swait.ge [sflag:s9], $0x4000  }
0xf2: {  	[sflag:s9] =	ssyncset.done $0x0  }
0xf3: {  	[sflag:s9] =	ssyncadd.s32 $0xFFFFC000  }
0xf4: {  	_ =	swait.ge [sflag:s13], $0x4000  }
0xf5: {  	[sflag:s13] =	ssyncset.done $0x0  }
0xf6: {  	s7 =	rddreg [dreg:$0xe];
	[sflag:s13] =	ssyncadd.s32 $0xFFFFC000  }
0xf7: {  	[tilespmem:s12], [sflag:$0x1] =	stream.indirect.gather [hbm4b:s5+s11], $0x80, s7, s11, $0xb8;
	[tilespmem:$0x1D000] =	vst v63  }
0xf8: {  	s8 =	rddreg [dreg:$0xf]  }
0xf9: {  	[spmem:s3] =	stream.indirect.scatter.add.f32 [tilespmem:s14], [sflag:$0x2], $0x80, s8, s11, $0xb8;
	[tilespmem:$0x1D000] =	vst v63  }
0xfa: {  	_ =	swait.ge [sflag:s9], $0x4000  }
0xfb: {  	[sflag:s9] =	ssyncset.done $0x0  }
0xfc: {  	[sflag:s9] =	ssyncadd.s32 $0xFFFFC000  }
0xfd: {  	_ =	swait.ge [sflag:s13], $0x4000  }
0xfe: {  	[sflag:s13] =	ssyncset.done $0x0  }
0xff: {  	s8 =	rddreg [dreg:$0x10];
	[sflag:s13] =	ssyncadd.s32 $0xFFFFC000  }
0x100: {  	[tilespmem:s14], [sflag:$0x1] =	stream.indirect.gather [hbm4b:s5+s11], $0x80, s8, s11, $0xb8;
	[tilespmem:$0x1D000] =	vst v63  }
0x101: {  	_ = 	snop  }
0x102: {  	[spmem:s3] =	stream.indirect.scatter.add.f32 [tilespmem:s12], [sflag:$0x2], $0x80, s15, s11, $0xb8;
	[tilespmem:$0x1D000] =	vst v63  }
0x103: {  	_ =	swait.ge [sflag:s9], $0x4000  }
0x104: {  	[sflag:s9] =	ssyncset.done $0x0  }
0x105: {  	[sflag:s9] =	ssyncadd.s32 $0xFFFFC000  }
0x106: {  	_ =	swait.ge [sflag:s13], $0x4000  }
0x107: {  	[sflag:s13] =	ssyncset.done $0x0  }
0x108: {  	[sflag:s13] =	ssyncadd.s32 $0xFFFFC000  }
0x109: {  	[tilespmem:s12], [sflag:$0x1] =	stream.indirect.gather [hbm4b:s5+s11], $0x80, s16, s11, $0xb8;
	[tilespmem:$0x1D000] =	vst v63  }
0x10a: {  	_ = 	snop  }
0x10b: {  	[spmem:s3] =	stream.indirect.scatter.add.f32 [tilespmem:s14], [sflag:$0x2], $0x80, s17, s11, $0xb8;
	[tilespmem:$0x1D000] =	vst v63  }
0x10c: {  	_ =	swait.ge [sflag:s9], $0x4000  }
0x10d: {  	[sflag:s9] =	ssyncset.done $0x0  }
0x10e: {  	[sflag:s9] =	ssyncadd.s32 $0xFFFFC000  }
0x10f: {  	_ =	swait.ge [sflag:s13], $0x4000  }
0x110: {  	[sflag:s13] =	ssyncset.done $0x0  }
0x111: {  	[sflag:s13] =	ssyncadd.s32 $0xFFFFC000  }
0x112: {  	[tilespmem:s14], [sflag:$0x1] =	stream.indirect.gather [hbm4b:s5+s11], $0x80, s18, s11, $0xb8;
	[tilespmem:$0x1D000] =	vst v63  }
0x113: {  	_ = 	snop  }
0x114: {  	[spmem:s3] =	stream.indirect.scatter.add.f32 [tilespmem:s12], [sflag:$0x2], $0x80, s19, s11, $0xb8;
	[tilespmem:$0x1D000] =	vst v63  }
0x115: {  	_ =	swait.ge [sflag:s9], $0x4000  }
0x116: {  	[sflag:s9] =	ssyncset.done $0x0  }
0x117: {  	[sflag:s9] =	ssyncadd.s32 $0xFFFFC000  }
0x118: {  	_ =	swait.ge [sflag:s13], $0x4000  }
0x119: {  	[sflag:s13] =	ssyncset.done $0x0  }
0x11a: {  	[sflag:s13] =	ssyncadd.s32 $0xFFFFC000  }
0x11b: {  	[tilespmem:s12], [sflag:$0x1] =	stream.indirect.gather [hbm4b:s5+s11], $0x80, s20, s11, $0xb8;
	[tilespmem:$0x1D000] =	vst v63  }
0x11c: {  	_ = 	snop  }
0x11d: {  	[spmem:s3] =	stream.indirect.scatter.add.f32 [tilespmem:s14], [sflag:$0x2], $0x80, s21, s11, $0xb8;
	[tilespmem:$0x1D000] =	vst v63  }
0x11e: {  	_ =	swait.ge [sflag:s9], $0x4000  }
0x11f: {  	[sflag:s9] =	ssyncset.done $0x0  }
0x120: {  	[sflag:s9] =	ssyncadd.s32 $0xFFFFC000  }
0x121: {  	_ =	swait.ge [sflag:s13], $0x4000  }
0x122: {  	[sflag:s13] =	ssyncset.done $0x0  }
0x123: {  	[sflag:s13] =	ssyncadd.s32 $0xFFFFC000  }
0x124: {  	[tilespmem:s14], [sflag:$0x1] =	stream.indirect.gather [hbm4b:s5+s11], $0x80, s22, s11, $0xb8;
	[tilespmem:$0x1D000] =	vst v63  }
0x125: {  	_ = 	snop  }
0x126: {  	[spmem:s3] =	stream.indirect.scatter.add.f32 [tilespmem:s12], [sflag:$0x2], $0x80, s23, s11, $0xb8;
	[tilespmem:$0x1D000] =	vst v63  }
0x127: {  	_ =	swait.ge [sflag:s9], $0x4000  }
0x128: {  	[sflag:s9] =	ssyncset.done $0x0  }
0x129: {  	[sflag:s9] =	ssyncadd.s32 $0xFFFFC000  }
0x12a: {  	_ =	swait.ge [sflag:s13], $0x4000  }
0x12b: {  	[sflag:s13] =	ssyncset.done $0x0  }
0x12c: {  	[sflag:s13] =	ssyncadd.s32 $0xFFFFC000  }
0x12d: {  	[tilespmem:s12], [sflag:$0x1] =	stream.indirect.gather [hbm4b:s5+s11], $0x80, s25, s11, $0xb8;
	[tilespmem:$0x1D000] =	vst v63  }
0x12e: {  	_ = 	snop  }
0x12f: {  	[spmem:s3] =	stream.indirect.scatter.add.f32 [tilespmem:s14], [sflag:$0x2], $0x80, s26, s11, $0xb8;
	[tilespmem:$0x1D000] =	vst v63  }
0x130: {  	_ =	swait.ge [sflag:s9], $0x4000  }
0x131: {  	[sflag:s9] =	ssyncset.done $0x0  }
0x132: {  	[sflag:s9] =	ssyncadd.s32 $0xFFFFC000  }
0x133: {  	_ =	swait.ge [sflag:s13], $0x4000  }
0x134: {  	[sflag:s13] =	ssyncset.done $0x0  }
0x135: {  	[sflag:s13] =	ssyncadd.s32 $0xFFFFC000  }
0x136: {  	[tilespmem:s14], [sflag:$0x1] =	stream.indirect.gather [hbm4b:s5+s11], $0x80, s28, s11, $0xb8;
	[tilespmem:$0x1D000] =	vst v63  }
0x137: {  	_ = 	snop  }
0x138: {  	[spmem:s3] =	stream.indirect.scatter.add.f32 [tilespmem:s12], [sflag:$0x2], $0x80, s29, s11, $0xb8;
	[tilespmem:$0x1D000] =	vst v63  }
0x139: {  	_ =	swait.ge [sflag:s9], $0x4000  }
0x13a: {  	[sflag:s9] =	ssyncset.done $0x0  }
0x13b: {  	[sflag:s9] =	ssyncadd.s32 $0xFFFFC000  }
0x13c: {  	_ =	swait.ge [sflag:s13], $0x4000  }
0x13d: {  	[sflag:s13] =	ssyncset.done $0x0  }
0x13e: {  	[sflag:s13] =	ssyncadd.s32 $0xFFFFC000  }
0x13f: {  	[tilespmem:s12], [sflag:$0x1] =	stream.indirect.gather [hbm4b:s5+s11], $0x80, s30, s11, $0xb8;
	[tilespmem:$0x1D000] =	vst v63  }
0x140: {  	_ = 	snop  }
0x141: {  	[spmem:s3] =	stream.indirect.scatter.add.f32 [tilespmem:s14], [sflag:$0x2], $0x80, s31, s11, $0xb8;
	[tilespmem:$0x1D000] =	vst v63  }
0x142: {  	_ =	swait.ge [sflag:s9], $0x4000  }
0x143: {  	[sflag:s9] =	ssyncset.done $0x0  }
0x144: {  	[sflag:s9] =	ssyncadd.s32 $0xFFFFC000  }
0x145: {  	_ =	swait.ge [sflag:s13], $0x4000  }
0x146: {  	[sflag:s13] =	ssyncset.done $0x0  }
0x147: {  	[sflag:s13] =	ssyncadd.s32 $0xFFFFC000  }
0x148: {  	[tilespmem:s14], [sflag:$0x1] =	stream.indirect.gather [hbm4b:s5+s11], $0x80, s0, s11, $0xb8;
	[tilespmem:$0x1D000] =	vst v63  }
0x149: {  	_ = 	snop  }
0x14a: {  	[spmem:s3] =	stream.indirect.scatter.add.f32 [tilespmem:s12], [sflag:$0x2], $0x80, s1, s11, $0xb8;
	[tilespmem:$0x1D000] =	vst v63  }
0x14b: {  	_ =	swait.ge [sflag:s9], $0x4000  }
0x14c: {  	[sflag:s9] =	ssyncset.done $0x0  }
0x14d: {  	[sflag:s9] =	ssyncadd.s32 $0xFFFFC000  }
0x14e: {  	p0 =	sne.s32 s6, $0x900;
	_ =	swait.ge [sflag:s13], $0x4000  }
.Ltmp0:
0x14f: {  	[sflag:s13] =	ssyncset.done $0x0;
	(pc) =	sbr.rel @p0 .LBB2_2-.Ltmp0, $4  }
0x150: {  	[sflag:s13] =	ssyncadd.s32 $0xFFFFC000  }
0x151: {  	[spmem:s3] =	stream.indirect.scatter.add.f32 [tilespmem:s14], [sflag:$0x2], $0x80, s2, s11, $0xb8;
	[tilespmem:$0x1D000] =	vst v63  }
0x152: {  	_ =	swait.ge [sflag:s9], $0x4000  }
0x153: {  	s6 =	sadd.s32 $0x100, s6;
	s8 =	rddreg [dreg:$0x4];
	[sflag:s9] =	ssyncset.done $0x0  }
0x154: {  	[sflag:s9] =	ssyncadd.s32 $0xFFFFC000;
	s6 =	sadd.s32 s24, s8  }
0x155: {  	[tilespmem:s4], [sflag:$0x2] =	stream.linear.gather [hbm4b:s6+s4], $0x800, $0x38;
	[tilespmem:$0x1D000] =	vst v63  }
0x156: {  	_ =	swait.ge [sflag:s9], $0x800  }
0x157: {  	s8 =	rddreg [dreg:$0x5];
	[sflag:s9] =	ssyncset.done $0x0  }
0x158: {  	[sflag:s9] =	ssyncadd.s32 $0xFFFFF800;
	s6 =	sadd.s32 s24, s8  }
0x159: {  	[tilespmem:s10], [sflag:$0x2] =	stream.linear.gather [hbm4b:s6+s4], $0x800, $0x38;
	[tilespmem:$0x1D000] =	vst v63  }
0x15a: {  	_ =	swait.ge [sflag:s9], $0x800  }
0x15b: {  	[sflag:s9] =	ssyncset.done $0x0  }
0x15c: {  	[sflag:s9] =	ssyncadd.s32 $0xFFFFF800  }
0x15d: {  	[tilespmem:s12], [sflag:$0x1] =	stream.indirect.gather [hbm4b:s5+s11], $0x80, s4, s11, $0xb8;
	[tilespmem:$0x1D000] =	vst v63  }
0x15e: {  	_ =	swait.ge [sflag:s13], $0x4000  }
0x15f: {  	[sflag:s13] =	ssyncset.done $0x0  }
0x160: {  	[sflag:s13] =	ssyncadd.s32 $0xFFFFC000  }
0x161: {  	[tilespmem:s14], [sflag:$0x1] =	stream.indirect.gather [hbm4b:s5+s11], $0x80, s11, s11, $0xb8;
	[tilespmem:$0x1D000] =	vst v63  }
0x162: {  	_ = 	snop  }
0x163: {  	[spmem:s3] =	stream.indirect.scatter.add.f32 [tilespmem:s12], [sflag:$0x2], $0x80, s10, s11, $0xb8;
	[tilespmem:$0x1D000] =	vst v63  }
0x164: {  	_ =	swait.ge [sflag:s9], $0x4000  }
0x165: {  	[sflag:s9] =	ssyncset.done $0x0  }
0x166: {  	[sflag:s9] =	ssyncadd.s32 $0xFFFFC000  }
0x167: {  	_ =	swait.ge [sflag:s13], $0x4000  }
0x168: {  	[sflag:s13] =	ssyncset.done $0x0  }
0x169: {  	s24 =	rddreg [dreg:$0x6];
	[sflag:s13] =	ssyncadd.s32 $0xFFFFC000  }
0x16a: {  	[tilespmem:s12], [sflag:$0x1] =	stream.indirect.gather [hbm4b:s5+s11], $0x80, s24, s11, $0xb8;
	[tilespmem:$0x1D000] =	vst v63  }
0x16b: {  	s7 =	rddreg [dreg:$0x7]  }
0x16c: {  	[spmem:s3] =	stream.indirect.scatter.add.f32 [tilespmem:s14], [sflag:$0x2], $0x80, s7, s11, $0xb8;
	[tilespmem:$0x1D000] =	vst v63  }
0x16d: {  	_ =	swait.ge [sflag:s9], $0x4000  }
0x16e: {  	[sflag:s9] =	ssyncset.done $0x0  }
0x16f: {  	[sflag:s9] =	ssyncadd.s32 $0xFFFFC000  }
0x170: {  	_ =	swait.ge [sflag:s13], $0x4000  }
0x171: {  	[sflag:s13] =	ssyncset.done $0x0  }
0x172: {  	s8 =	rddreg [dreg:$0x8];
	[sflag:s13] =	ssyncadd.s32 $0xFFFFC000  }
0x173: {  	[tilespmem:s14], [sflag:$0x1] =	stream.indirect.gather [hbm4b:s5+s11], $0x80, s8, s11, $0xb8;
	[tilespmem:$0x1D000] =	vst v63  }
0x174: {  	s24 =	rddreg [dreg:$0x9]  }
0x175: {  	[spmem:s3] =	stream.indirect.scatter.add.f32 [tilespmem:s12], [sflag:$0x2], $0x80, s24, s11, $0xb8;
	[tilespmem:$0x1D000] =	vst v63  }
0x176: {  	_ =	swait.ge [sflag:s9], $0x4000  }
0x177: {  	[sflag:s9] =	ssyncset.done $0x0  }
0x178: {  	[sflag:s9] =	ssyncadd.s32 $0xFFFFC000  }
0x179: {  	_ =	swait.ge [sflag:s13], $0x4000  }
0x17a: {  	[sflag:s13] =	ssyncset.done $0x0  }
0x17b: {  	s8 =	rddreg [dreg:$0xa];
	[sflag:s13] =	ssyncadd.s32 $0xFFFFC000  }
0x17c: {  	[tilespmem:s12], [sflag:$0x1] =	stream.indirect.gather [hbm4b:s5+s11], $0x80, s8, s11, $0xb8;
	[tilespmem:$0x1D000] =	vst v63  }
0x17d: {  	s24 =	rddreg [dreg:$0xb]  }
0x17e: {  	[spmem:s3] =	stream.indirect.scatter.add.f32 [tilespmem:s14], [sflag:$0x2], $0x80, s24, s11, $0xb8;
	[tilespmem:$0x1D000] =	vst v63  }
0x17f: {  	_ =	swait.ge [sflag:s9], $0x4000  }
0x180: {  	[sflag:s9] =	ssyncset.done $0x0  }
0x181: {  	[sflag:s9] =	ssyncadd.s32 $0xFFFFC000  }
0x182: {  	_ =	swait.ge [sflag:s13], $0x4000  }
0x183: {  	[sflag:s13] =	ssyncset.done $0x0  }
0x184: {  	s8 =	rddreg [dreg:$0xc];
	[sflag:s13] =	ssyncadd.s32 $0xFFFFC000  }
0x185: {  	[tilespmem:s14], [sflag:$0x1] =	stream.indirect.gather [hbm4b:s5+s11], $0x80, s8, s11, $0xb8;
	[tilespmem:$0x1D000] =	vst v63  }
0x186: {  	s24 =	rddreg [dreg:$0xd]  }
0x187: {  	[spmem:s3] =	stream.indirect.scatter.add.f32 [tilespmem:s12], [sflag:$0x2], $0x80, s24, s11, $0xb8;
	[tilespmem:$0x1D000] =	vst v63  }
0x188: {  	_ =	swait.ge [sflag:s9], $0x4000  }
0x189: {  	[sflag:s9] =	ssyncset.done $0x0  }
0x18a: {  	[sflag:s9] =	ssyncadd.s32 $0xFFFFC000  }
0x18b: {  	_ =	swait.ge [sflag:s13], $0x4000  }
0x18c: {  	[sflag:s13] =	ssyncset.done $0x0  }
0x18d: {  	s8 =	rddreg [dreg:$0xe];
	[sflag:s13] =	ssyncadd.s32 $0xFFFFC000  }
0x18e: {  	[tilespmem:s12], [sflag:$0x1] =	stream.indirect.gather [hbm4b:s5+s11], $0x80, s8, s11, $0xb8;
	[tilespmem:$0x1D000] =	vst v63  }
0x18f: {  	s24 =	rddreg [dreg:$0xf]  }
0x190: {  	[spmem:s3] =	stream.indirect.scatter.add.f32 [tilespmem:s14], [sflag:$0x2], $0x80, s24, s11, $0xb8;
	[tilespmem:$0x1D000] =	vst v63  }
0x191: {  	_ =	swait.ge [sflag:s9], $0x4000  }
0x192: {  	[sflag:s9] =	ssyncset.done $0x0  }
0x193: {  	[sflag:s9] =	ssyncadd.s32 $0xFFFFC000  }
0x194: {  	_ =	swait.ge [sflag:s13], $0x4000  }
0x195: {  	[sflag:s13] =	ssyncset.done $0x0  }
0x196: {  	s8 =	rddreg [dreg:$0x10];
	[sflag:s13] =	ssyncadd.s32 $0xFFFFC000  }
0x197: {  	[tilespmem:s14], [sflag:$0x1] =	stream.indirect.gather [hbm4b:s5+s11], $0x80, s8, s11, $0xb8;
	[tilespmem:$0x1D000] =	vst v63  }
0x198: {  	_ = 	snop  }
0x199: {  	[spmem:s3] =	stream.indirect.scatter.add.f32 [tilespmem:s12], [sflag:$0x2], $0x80, s15, s11, $0xb8;
	[tilespmem:$0x1D000] =	vst v63  }
0x19a: {  	_ =	swait.ge [sflag:s9], $0x4000  }
0x19b: {  	[sflag:s9] =	ssyncset.done $0x0  }
0x19c: {  	[sflag:s9] =	ssyncadd.s32 $0xFFFFC000  }
0x19d: {  	_ =	swait.ge [sflag:s13], $0x4000  }
0x19e: {  	[sflag:s13] =	ssyncset.done $0x0  }
0x19f: {  	[sflag:s13] =	ssyncadd.s32 $0xFFFFC000  }
0x1a0: {  	[tilespmem:s12], [sflag:$0x1] =	stream.indirect.gather [hbm4b:s5+s11], $0x80, s16, s11, $0xb8;
	[tilespmem:$0x1D000] =	vst v63  }
0x1a1: {  	_ = 	snop  }
0x1a2: {  	[spmem:s3] =	stream.indirect.scatter.add.f32 [tilespmem:s14], [sflag:$0x2], $0x80, s17, s11, $0xb8;
	[tilespmem:$0x1D000] =	vst v63  }
0x1a3: {  	_ =	swait.ge [sflag:s9], $0x4000  }
0x1a4: {  	[sflag:s9] =	ssyncset.done $0x0  }
0x1a5: {  	[sflag:s9] =	ssyncadd.s32 $0xFFFFC000  }
0x1a6: {  	_ =	swait.ge [sflag:s13], $0x4000  }
0x1a7: {  	[sflag:s13] =	ssyncset.done $0x0  }
0x1a8: {  	[sflag:s13] =	ssyncadd.s32 $0xFFFFC000  }
0x1a9: {  	[tilespmem:s14], [sflag:$0x1] =	stream.indirect.gather [hbm4b:s5+s11], $0x80, s18, s11, $0xb8;
	[tilespmem:$0x1D000] =	vst v63  }
0x1aa: {  	_ = 	snop  }
0x1ab: {  	[spmem:s3] =	stream.indirect.scatter.add.f32 [tilespmem:s12], [sflag:$0x2], $0x80, s19, s11, $0xb8;
	[tilespmem:$0x1D000] =	vst v63  }
0x1ac: {  	_ =	swait.ge [sflag:s9], $0x4000  }
0x1ad: {  	[sflag:s9] =	ssyncset.done $0x0  }
0x1ae: {  	[sflag:s9] =	ssyncadd.s32 $0xFFFFC000  }
0x1af: {  	_ =	swait.ge [sflag:s13], $0x4000  }
0x1b0: {  	[sflag:s13] =	ssyncset.done $0x0  }
0x1b1: {  	[sflag:s13] =	ssyncadd.s32 $0xFFFFC000  }
0x1b2: {  	[tilespmem:s12], [sflag:$0x1] =	stream.indirect.gather [hbm4b:s5+s11], $0x80, s20, s11, $0xb8;
	[tilespmem:$0x1D000] =	vst v63  }
0x1b3: {  	_ = 	snop  }
0x1b4: {  	[spmem:s3] =	stream.indirect.scatter.add.f32 [tilespmem:s14], [sflag:$0x2], $0x80, s21, s11, $0xb8;
	[tilespmem:$0x1D000] =	vst v63  }
0x1b5: {  	_ =	swait.ge [sflag:s9], $0x4000  }
0x1b6: {  	[sflag:s9] =	ssyncset.done $0x0  }
0x1b7: {  	[sflag:s9] =	ssyncadd.s32 $0xFFFFC000  }
0x1b8: {  	_ =	swait.ge [sflag:s13], $0x4000  }
0x1b9: {  	[sflag:s13] =	ssyncset.done $0x0  }
0x1ba: {  	[sflag:s13] =	ssyncadd.s32 $0xFFFFC000  }
0x1bb: {  	[tilespmem:s14], [sflag:$0x1] =	stream.indirect.gather [hbm4b:s5+s11], $0x80, s22, s11, $0xb8;
	[tilespmem:$0x1D000] =	vst v63  }
0x1bc: {  	_ = 	snop  }
0x1bd: {  	[spmem:s3] =	stream.indirect.scatter.add.f32 [tilespmem:s12], [sflag:$0x2], $0x80, s23, s11, $0xb8;
	[tilespmem:$0x1D000] =	vst v63  }
0x1be: {  	_ =	swait.ge [sflag:s9], $0x4000  }
0x1bf: {  	[sflag:s9] =	ssyncset.done $0x0  }
0x1c0: {  	[sflag:s9] =	ssyncadd.s32 $0xFFFFC000  }
0x1c1: {  	_ =	swait.ge [sflag:s13], $0x4000  }
0x1c2: {  	[sflag:s13] =	ssyncset.done $0x0  }
0x1c3: {  	[sflag:s13] =	ssyncadd.s32 $0xFFFFC000  }
0x1c4: {  	[tilespmem:s12], [sflag:$0x1] =	stream.indirect.gather [hbm4b:s5+s11], $0x80, s25, s11, $0xb8;
	[tilespmem:$0x1D000] =	vst v63  }
0x1c5: {  	_ = 	snop  }
0x1c6: {  	[spmem:s3] =	stream.indirect.scatter.add.f32 [tilespmem:s14], [sflag:$0x2], $0x80, s26, s11, $0xb8;
	[tilespmem:$0x1D000] =	vst v63  }
0x1c7: {  	_ =	swait.ge [sflag:s9], $0x4000  }
0x1c8: {  	[sflag:s9] =	ssyncset.done $0x0  }
0x1c9: {  	[sflag:s9] =	ssyncadd.s32 $0xFFFFC000  }
0x1ca: {  	_ =	swait.ge [sflag:s13], $0x4000  }
0x1cb: {  	[sflag:s13] =	ssyncset.done $0x0  }
0x1cc: {  	[sflag:s13] =	ssyncadd.s32 $0xFFFFC000  }
0x1cd: {  	[tilespmem:s14], [sflag:$0x1] =	stream.indirect.gather [hbm4b:s5+s11], $0x80, s28, s11, $0xb8;
	[tilespmem:$0x1D000] =	vst v63  }
0x1ce: {  	_ = 	snop  }
0x1cf: {  	[spmem:s3] =	stream.indirect.scatter.add.f32 [tilespmem:s12], [sflag:$0x2], $0x80, s29, s11, $0xb8;
	[tilespmem:$0x1D000] =	vst v63  }
0x1d0: {  	_ =	swait.ge [sflag:s9], $0x4000  }
0x1d1: {  	[sflag:s9] =	ssyncset.done $0x0  }
0x1d2: {  	[sflag:s9] =	ssyncadd.s32 $0xFFFFC000  }
0x1d3: {  	_ =	swait.ge [sflag:s13], $0x4000  }
0x1d4: {  	[sflag:s13] =	ssyncset.done $0x0  }
0x1d5: {  	[sflag:s13] =	ssyncadd.s32 $0xFFFFC000  }
0x1d6: {  	[tilespmem:s12], [sflag:$0x1] =	stream.indirect.gather [hbm4b:s5+s11], $0x80, s30, s11, $0xb8;
	[tilespmem:$0x1D000] =	vst v63  }
0x1d7: {  	_ = 	snop  }
0x1d8: {  	[spmem:s3] =	stream.indirect.scatter.add.f32 [tilespmem:s14], [sflag:$0x2], $0x80, s31, s11, $0xb8;
	[tilespmem:$0x1D000] =	vst v63  }
0x1d9: {  	_ =	swait.ge [sflag:s9], $0x4000  }
0x1da: {  	[sflag:s9] =	ssyncset.done $0x0  }
0x1db: {  	[sflag:s9] =	ssyncadd.s32 $0xFFFFC000  }
0x1dc: {  	_ =	swait.ge [sflag:s13], $0x4000  }
0x1dd: {  	[sflag:s13] =	ssyncset.done $0x0  }
0x1de: {  	[sflag:s13] =	ssyncadd.s32 $0xFFFFC000  }
0x1df: {  	[tilespmem:s14], [sflag:$0x1] =	stream.indirect.gather [hbm4b:s5+s11], $0x80, s0, s11, $0xb8;
	[tilespmem:$0x1D000] =	vst v63  }
0x1e0: {  	_ = 	snop  }
0x1e1: {  	[spmem:s3] =	stream.indirect.scatter.add.f32 [tilespmem:s12], [sflag:$0x2], $0x80, s1, s11, $0xb8;
	[tilespmem:$0x1D000] =	vst v63  }
0x1e2: {  	_ =	swait.ge [sflag:s9], $0x4000  }
0x1e3: {  	[sflag:s9] =	ssyncset.done $0x0  }
0x1e4: {  	[sflag:s9] =	ssyncadd.s32 $0xFFFFC000  }
0x1e5: {  	_ =	swait.ge [sflag:s13], $0x4000  }
0x1e6: {  	[sflag:s13] =	ssyncset.done $0x0  }
0x1e7: {  	[sflag:s13] =	ssyncadd.s32 $0xFFFFC000  }
0x1e8: {  	[spmem:s3] =	stream.indirect.scatter.add.f32 [tilespmem:s14], [sflag:$0x2], $0x80, s2, s11, $0xb8;
	[tilespmem:$0x1D000] =	vst v63  }
0x1e9: {  	_ =	swait.ge [sflag:s9], $0x4000  }
0x1ea: {  	[sflag:s9] =	ssyncset.done $0x0  }
0x1eb: {  	[sflag:s9] =	ssyncadd.s32 $0xFFFFC000  }
0x1ec: {  	[bflag:$0x0] =	sbarrier.arrive $0xFFFF  }
0x1ed: {  	s8 =	rddreg [dreg:$0x11]  }
0x1ee: {  	s7 =	rddreg [dreg:$0x13]  }
0x1ef: {  	s24 =	rddreg [dreg:$0x14]  }
0x1f0: {  	[hbm:s24], [sflag:s8] =	dma.local [spmem:s7], $0x2800  }
0x1f1: {  	_ =	swait.ge [sflag:s9], $0x2800  }
0x1f2: {  	s6 =	rddreg [dreg:$0x15]  }
0x1f3: {  	s24 =	sadd.s32 $0x1, s6;
	s6 =	rddreg [dreg:$0x12]  }
0x1f4: {  	p0 =	sne.s32 s24, s6  }
.Ltmp1:
0x1f5: {  	_ = 	snop;
	(pc) =	sbr.rel @p0 .LBB2_1-.Ltmp1, $3  }
0x1f6: {  	_ =	sdelay $0x1  }
0x1f7: {  	[sflag:s9] =	ssyncset.done $0x0  }
0x1f8: {  	[sflag:s9] =	ssyncadd.s32 $0xFFFFD800  }
0x1f9: {  	_ =	sfence.sel $0x180000  }
0x1fa: {  	[bflag:$0x0] =	sbarrier.arrive $0xFFFF  }
0x1fb: {  	_ =	strace $0x9000004D  }
0x1fc: {  	s0 =	stileid.u32;
	[bflag:$0x2] =	sbarrier.arrive $0xFFFF  }
0x1fd: {  	p0 =	sne.s32 s0, $0x0;
	s0 =	rddreg [dreg:$0x3]  }
0x1fe: {  	s0 =	sadd.s32 @!p0 $0x100000, s0  }
0x1ff: {  	[sflag:s0] =	ssyncadd.tile.s32 @!p0 $0x1;
	_ =	shalt  }
.Lfunc_end2:
_tile_overlayer_lowered:
.L_overlay_start_2:
0x200: {  	(tag) =	ssettag $0x2  }
0x201: {  	s0 =	rddreg [dreg:$0x0];
	s2 =	stileid.u32  }
0x202: {  	s1 =	rddreg [dreg:$0x1];
	p0 =	sne.s32 s2, $0x0  }
0x203: {  	s3 =	rddreg [dreg:$0x2];
	[bflag:$0x3] =	sbarrier.arrive $0xFFFF;
	s2 =	simm.s32 @!p0 $0x1C02  }
0x204: {  	[timem:s3], [sflag:s2] =	dma.local @!p0 [hbm:s0], s1  }
0x205: {  	s0 =	simm.s32 @!p0 $0x2  }
0x206: {  	_ =	swait.ge @!p0 [sflag:s0], s1  }
0x207: {  	s1 =	ssub.s32 @!p0 $0x0, s1;
	[sflag:s0] =	ssyncset.done @!p0 $0x0  }
0x208: {  	[sflag:s0] =	ssyncadd.s32 @!p0 s1  }
0x209: {  	[bflag:$0x3] =	sbarrier.arrive $0xFFFF  }
0x20a: {  	_ =	shalt  }

// kernel: kernel.25.cloned.1.call-start
scs
__scs_entry_jumppad:
0x0: {  	(pc) =	sbr.rel $0x88, $3  }
0x1: {  	(tag) =	ssettag $0x0;
	lr =	simm.s32 $0x1  }
0x2: {  	[smem:$0x3F94] =	sst lr;
	_ =	strace $0xD0000000  }
0x3: {  	_ = 	snop  }
0x4: {  	_ = 	snop  }
0x5: {  	_ = 	snop  }
0x6: {  	_ = 	snop  }
0x7: {  	_ = 	snop  }
__scs_overlays_trampoline_lowered:
0x8: {  	[smem:$0x3FA3] =	sst s0  }
0x9: {  	[smem:$0x3FA4] =	sst s1  }
0xa: {  	[smem:$0x3FA5] =	sst s2  }
0xb: {  	[smem:$0x3FA6] =	sst s3  }
0xc: {  	[smem:$0x3FA7] =	sst s4  }
0xd: {  	[smem:$0x3FA8] =	sst s5  }
0xe: {  	[smem:$0x3FA9] =	sst s6  }
0xf: {  	[smem:$0x3FAA] =	sst s7  }
0x10: {  	[smem:$0x3FAB] =	sst s8  }
0x11: {  	[smem:$0x3FAC] =	sst s9;
	s0 =	simm.s32 @!p0 $0x0  }
0x12: {  	s1 =	sld [smem:$0x3F92];
	s0 =	simm.s32 @p0 $0x1  }
0x13: {  	[smem:$0x3FAD] =	sst s0;
	s0 =	simm.s32 @!p1 $0x0  }
0x14: {  	s2 =	sld [smem:$0x3F91];
	s0 =	simm.s32 @p1 $0x1  }
0x15: {  	[smem:$0x3FAE] =	sst s0;
	s0 =	simm.s32 @!p2 $0x0  }
0x16: {  	s3 =	sld [smem:$0x3FDB];
	s0 =	simm.s32 @p2 $0x1  }
0x17: {  	s4 =	simm.s32 $0x1BF5;
	[smem:$0x3FB0] =	sst s0  }
0x18: {  	s0 =	sld [smem:$0x3F93];
	_ =	swait.ge [sflag:s4], $0x0  }
0x19: {  	s7 =	sld [smem:$0x3F94]  }
0x1a: {  	s8 =	sadd.s32 $0xFFFFE003, lr  }
0x1b: {  	s9 =	sadd.s32 $0xFFFFFEF7, lr;
	s5 =	simm.s32 $0xFFFFFFFF;
	p2 =	slt.u32 s8, $0xFFFFF086  }
0x1c: {  	p1 =	slt.u32 s9, $0xF7A;
	s5 =	simm.s32 @!p2 $0x0  }
0x1d: {  	s5 =	simm.s32 @p1 $0x1;
	p0 =	seq.s32 s7, s2  }
0x1e: {  	s7 =	smul.u32 @!p0 $0xF7A, s2;
	p2 =	seq.s32 @!p0 s5, $0x0  }
0x1f: {  	s9 =	smul.u32 $0xF7A, s1;
	s8 =	simm.s32 @!p0 $0x1BF5;
	p2 =	por !p2, p0  }
0x20: {  	[sflag:s8] =	ssyncset.s32 @!p0 $0xFFFFF086;
	s6 =	sadd.s32 @!p0 s3, s7;
	s7 =	simm.s32 @!p0 $0x108  }
0x21: {  	s3 =	sadd.s32 s3, s9;
	s6 =	sadd.s32 @!p0 $0x88, s6;
	s7 =	simm.s32 @p2 $0x1082  }
0x22: {  	[simem:s7], [sflag:s8] =	dma.local @!p0 [hbm:s6], $0xF7A  }
0x23: {  	s9 =	sor.u32 $0xD0000000, s2;
	s6 =	simm.s32 $0x108;
	_ =	swait.ge @!p0 [sflag:s8], $0x0  }
0x24: {  	s3 =	sadd.s32 $0x88, s3;
	s6 =	simm.s32 @!p1 $0x1082;
	[sflag:s4] =	ssyncset.s32 $0xFFFFF086  }
0x25: {  	[simem:s6], [sflag:s4] =	dma.local [hbm:s3], $0xF7A  }
0x26: {  	[smem:$0x3F94] =	sst s1;
	(tag) =	ssettag s2;
	_ =	strace s9  }
0x27: {  	s1 =	sld [smem:$0x3FA4]  }
0x28: {  	s2 =	sld [smem:$0x3FA5]  }
0x29: {  	s4 =	sld [smem:$0x3FA7]  }
0x2a: {  	p0 =	seq.s32 s5, $0x0;
	s5 =	sld [smem:$0x3FA8]  }
0x2b: {  	s6 =	sld [smem:$0x3FA9]  }
0x2c: {  	s7 =	sld [smem:$0x3FAA]  }
0x2d: {  	s3 =	simm.s32 $0x108;
	s8 =	sld [smem:$0x3FAB]  }
0x2e: {  	s3 =	simm.s32 @!p0 $0x1082;
	s9 =	sld [smem:$0x3FAC]  }
0x2f: {  	lr =	sadd.s32 s0, s3;
	s0 =	sld [smem:$0x3FA3]  }
0x30: {  	s3 =	sld [smem:$0x3FA6]  }
0x31: {  	[smem:$0x3FAF] =	sst s10  }
0x32: {  	s10 =	sld [smem:$0x3FAD];
	_ =	sdelay $0x3  }
0x33: {  	p0 =	seq.s32 s10, $0x1;
	s10 =	sld [smem:$0x3FAF];
	_ =	sdelay $0x3  }
0x34: {  	[smem:$0x3FAF] =	sst s10  }
0x35: {  	s10 =	sld [smem:$0x3FAE];
	_ =	sdelay $0x3  }
0x36: {  	p1 =	seq.s32 s10, $0x1;
	s10 =	sld [smem:$0x3FAF];
	_ =	sdelay $0x3  }
0x37: {  	[smem:$0x3FAF] =	sst s10  }
0x38: {  	s10 =	sld [smem:$0x3FB0]  }
0x39: {  	_ = 	snop;
	(pc) =	sbr.ind lr, $3  }
0x3a: {  	_ = 	snop  }
0x3b: {  	_ = 	snop  }
0x3c: {  	p2 =	seq.s32 s10, $0x1;
	s10 =	sld [smem:$0x3FAF]  }
0x3d: {  	_ =	shalt  }
0x3e: {  	_ =	shalt  }
0x3f: {  	_ =	shalt  }
0x40: {  	_ =	shalt  }
0x41: {  	_ =	shalt  }
0x42: {  	_ =	shalt  }
0x43: {  	_ =	shalt  }
0x44: {  	_ =	shalt  }
0x45: {  	_ =	shalt  }
0x46: {  	_ =	shalt  }
0x47: {  	_ =	shalt  }
0x48: {  	_ =	shalt  }
0x49: {  	_ =	shalt  }
0x4a: {  	_ =	shalt  }
0x4b: {  	_ =	shalt  }
0x4c: {  	_ =	shalt  }
0x4d: {  	_ =	shalt  }
0x4e: {  	_ =	shalt  }
0x4f: {  	_ =	shalt  }
0x50: {  	_ =	shalt  }
0x51: {  	_ =	shalt  }
0x52: {  	_ =	shalt  }
0x53: {  	_ =	shalt  }
0x54: {  	_ =	shalt  }
0x55: {  	_ =	shalt  }
0x56: {  	_ =	shalt  }
0x57: {  	_ =	shalt  }
0x58: {  	_ =	shalt  }
0x59: {  	_ =	shalt  }
0x5a: {  	_ =	shalt  }
0x5b: {  	_ =	shalt  }
0x5c: {  	_ =	shalt  }
0x5d: {  	_ =	shalt  }
0x5e: {  	_ =	shalt  }
0x5f: {  	_ =	shalt  }
0x60: {  	_ =	shalt  }
0x61: {  	_ =	shalt  }
0x62: {  	_ =	shalt  }
0x63: {  	_ =	shalt  }
0x64: {  	_ =	shalt  }
0x65: {  	_ =	shalt  }
0x66: {  	_ =	shalt  }
0x67: {  	_ =	shalt  }
0x68: {  	_ =	shalt  }
0x69: {  	_ =	shalt  }
0x6a: {  	_ =	shalt  }
0x6b: {  	_ =	shalt  }
0x6c: {  	_ =	shalt  }
0x6d: {  	_ =	shalt  }
0x6e: {  	_ =	shalt  }
0x6f: {  	_ =	shalt  }
0x70: {  	_ =	shalt  }
0x71: {  	_ =	shalt  }
0x72: {  	_ =	shalt  }
0x73: {  	_ =	shalt  }
0x74: {  	_ =	shalt  }
0x75: {  	_ =	shalt  }
0x76: {  	_ =	shalt  }
0x77: {  	_ =	shalt  }
0x78: {  	_ =	shalt  }
0x79: {  	_ =	shalt  }
0x7a: {  	_ =	shalt  }
0x7b: {  	_ =	shalt  }
0x7c: {  	_ =	shalt  }
0x7d: {  	_ =	shalt  }
0x7e: {  	_ =	shalt  }
0x7f: {  	_ =	shalt  }
0x80: {  	_ =	shalt  }
0x81: {  	_ =	shalt  }
0x82: {  	_ =	shalt  }
0x83: {  	_ =	shalt  }
0x84: {  	_ =	shalt  }
0x85: {  	_ =	shalt  }
0x86: {  	_ =	shalt  }
0x87: {  	_ =	shalt  }
.Lfunc_end0:
.L_simem_size_0:
called_computation.3_lowered:
.L_overlay_start_0:
0x88: {  	s2 =	sld [smem:$0x3FD9]  }
0x89: {  	s3 =	sld [smem:$0x3FFE];
	_ =	sdelay $0x1  }
0x8a: {  	s1 =	srdreg.scid  }
0x8b: {  	s0 =	sand.u32 $0x1, s1  }
0x8c: {  	s17 =	sshll.u32 s0, $0xA;
	s2 =	sadd.s32 s3, s2  }
0x8d: {  	s2 =	sadd.s32 s2, s17  }
0x8e: {  	[smem:$0x3FBB] =	sst s2  }
0x8f: {  	_ = 	snop  }
0x90: {  	s2 =	sld [smem:$0x3FD0];
	(tm) =	ssettm $0x1  }
0x91: {  	s18 =	sld [smem:$0x3FFB];
	_ =	sdelay $0x3  }
0x92: {  	_ =	strace s18  }
0x93: {  	s3 =	sld [smem:$0x3FFC];
	_ =	sdelay $0x3  }
0x94: {  	_ =	strace s3  }
0x95: {  	s3 =	sld [smem:$0x3FFD];
	_ =	sdelay $0x3  }
0x96: {  	_ =	strace s3  }
0x97: {  	_ =	strace $0x8FFFFFFF  }
0x98: {  	s19 =	sld [smem:$0x3FDB];
	_ =	sdelay $0x1  }
0x99: {  	s4 =	simm.s32 $_scs_section_size  }
0x9a: {  	s5 =	simm.s32 $_size__tile_overlayer_lowered;
	s6 =	simm.s32 $_tile_overlayer_lowered  }
0x9b: {  	s22 =	simm.s32 $0x1BFF;
	s21 =	sshll.u32 s6, $0x1;
	s3 =	sadd.s32 s4, s19  }
0x9c: {  	s7 =	simm.s32 $0x0;
	s20 =	sshll.u32 s5, $0x1;
	s5 =	sadd.s32 s21, s3  }
0x9d: {  	[timem:s7], [sflag:s22] =	dma.local [hbm:s5], s20  }
0x9e: {  	_ =	swait.ge [sflag:s22], s20  }
0x9f: {  	s4 =	ssub.s32 $0x0, s20;
	[sflag:s22] =	ssyncset.done $0x0  }
0xa0: {  	[sflag:s22] =	ssyncadd.s32 s4;
	_ =	sdelay $0x1  }
0xa1: {  	s23 =	simm.s32 $0x1B8B  }
0xa2: {  	_ =	swait.ge [sflag:s23], $0x1  }
0xa3: {  	[sflag:s23] =	ssyncset.done $0x0  }
0xa4: {  	s25 =	simm.s32 $0x1B8E;
	s24 =	sld [smem:$0x3FFE];
	[sflag:s23] =	ssyncadd.s32 $0xFFFFFFFF  }
0xa5: {  	s26 =	simm.s32 $execute0_lowered;
	[smem:$0x3FD2] =	sst s25  }
0xa6: {  	s5 =	sshll.u32 s26, $0x1;
	_ =	strace $0x8000004F;
	[dreg:$0x1] =	wrdreg $0xFFFFFFFF  }
0xa7: {  	s28 =	simm.s32 $_size_execute0_lowered;
	s3 =	sadd.s32 s3, s5;
	[dreg:$0x0] =	wrdreg $0x0  }
0xa8: {  	s5 =	sshll.u32 s28, $0x1;
	[dreg:$0x2] =	wrdreg s3  }
0xa9: {  	[dreg:$0x3] =	wrdreg s5  }
0xaa: {  	[dreg:$0x4] =	wrdreg $0xC0  }
0xab: {  	_ =	task [dreg:s7], $0x5FFFF  }
0xac: {  	[dreg:$0x1] =	wrdreg $0xFFFFFFFF  }
0xad: {  	[dreg:$0x0] =	wrdreg $0x60  }
0xae: {  	[dreg:$0x2] =	wrdreg s24  }
0xaf: {  	[dreg:$0x3] =	wrdreg s2  }
0xb0: {  	[dreg:$0x4] =	wrdreg $0x90000  }
0xb1: {  	[dreg:$0x5] =	wrdreg $0x9  }
0xb2: {  	_ =	task.clear_ibuf [dreg:s7], $0x6FFFF;
	_ =	strace $0x9000004F  }
0xb3: {  	s29 =	simm.s32 $0x9;
	_ =	strace $0x80000051  }
0xb4: {  	_ =	swait.ge [sflag:s29], $0x1  }
0xb5: {  	[sflag:s29] =	ssyncadd.s32 $0xFFFFFFFF  }
0xb6: {  	_ =	strace $0x90000051  }
0xb7: {  	_ =	sfence  }
0xb8: {  	s30 =	sld [smem:$0x0];
	_ =	sdelay $0x2  }
0xb9: {  	s31 =	sshll.u32 s1, $0xD;
	s1 =	sshrl.u32 s1, $0x2  }
0xba: {  	s3 =	sand.u32 $0x4000, s31;
	s1 =	sadd.s32 s1, s30  }
0xbb: {  	s0 =	sor.u32 s3, s0;
	s1 =	sshll.u32 s1, $0x11  }
0xbc: {  	s0 =	sor.u32 s1, s0  }
0xbd: {  	s0 =	sadd.s32 $0x8F2B, s0  }
0xbe: {  	[sflag:s0] =	ssyncadd.remote.s32 $0x1  }
0xbf: {  	_ =	sfence.sel $0xFFFF  }
0xc0: {  	[dreg:$0x0] =	wrdreg $0xFFFFFFFF;
	(pc) =	sbr.abs _section_cstart, $3  }
0xc1: {  	[dreg:$0x1] =	wrdreg $0xFFFFFFFF  }
0xc2: {  	_ =	task.clear_ibuf [dreg:s7], $0x2FFFF;
	_ =	strace $0x9FFFFFFF  }
0xc3: {  	(tm) =	ssettm $0x7FFFFFFF  }
tec
execute0_lowered:
.L_overlay_start_1:
0x0: {  	(tag) =	ssettag $0x1  }
0x1: {  	s0 =	rddreg [dreg:$0x0];
	s1 =	srdreg.scid  }
0x2: {  	s3 =	rddreg [dreg:$0x2];
	s9 =	stileid.u32;
	s4 =	simm.s32 $0x0  }
0x3: {  	s16 =	simm.s32 $0x100;
	s17 =	simm.s32 $0x880;
	s18 =	simm.s32 $0x180  }
0x4: {  	s19 =	simm.s32 $0x900;
	s20 =	simm.s32 $0x200;
	[smem:$0x7FF] =	sst s4  }
0x5: {  	s21 =	simm.s32 $0x980;
	_ =	strace $0x80000050;
	[dreg:$0x6] =	wrdreg s16  }
0x6: {  	s10 =	simm.s32 $0x800;
	s22 =	simm.s32 $0x280;
	[dreg:$0x7] =	wrdreg s17  }
0x7: {  	s11 =	simm.s32 $0x80;
	s23 =	simm.s32 $0xA00;
	[dreg:$0x8] =	wrdreg s18  }
0x8: {  	s24 =	simm.s32 $0x300;
	s25 =	simm.s32 $0xA80;
	[dreg:$0x9] =	wrdreg s19  }
0x9: {  	s26 =	simm.s32 $0x380;
	s28 =	simm.s32 $0x680;
	[dreg:$0xa] =	wrdreg s20  }
0xa: {  	s29 =	simm.s32 $0xE00;
	s5 =	smul.u32 $0x5000, s9;
	[dreg:$0xb] =	wrdreg s21  }
0xb: {  	s30 =	simm.s32 $0x700;
	s6 =	smul.u32 $0xA00, s9;
	[dreg:$0xc] =	wrdreg s22  }
0xc: {  	s1 =	sand.u32 $0x1, s1;
	s8 =	smul.u32 $0x50000, s9;
	[dreg:$0xd] =	wrdreg s23  }
0xd: {  	s31 =	simm.s32 $0xE80;
	s2 =	smul.u32 $0x50000, s1;
	[dreg:$0xe] =	wrdreg s24  }
0xe: {  	s14 =	sshll.u32 s9, $0x6;
	s7 =	smul.u32 $0x28000, s1;
	[dreg:$0xf] =	wrdreg s25  }
0xf: {  	s1 =	ssub.s32 $0x2, s1;
	[dreg:$0x10] =	wrdreg s26;
	s16 =	simm.s32 $0x400  }
0x10: {  	s17 =	simm.s32 $0xB80;
	s18 =	simm.s32 $0x480;
	s19 =	simm.s32 $0xC00  }
0x11: {  	s20 =	simm.s32 $0x500;
	s21 =	simm.s32 $0xC80;
	s22 =	simm.s32 $0x580  }
0x12: {  	s23 =	simm.s32 $0xD00;
	s25 =	simm.s32 $0x600;
	s26 =	simm.s32 $0xD80  }
0x13: {  	s24 =	simm.s32 $0x0;
	s6 =	sadd.s32 s6, s0;
	s12 =	sshrl.u32 s1, $0x1  }
0x14: {  	s8 =	sshrl.u32 s8, $0x2;
	s2 =	sadd.s32 s2, s5;
	s5 =	sadd.s32 $0xC5E00, s0  }
0x15: {  	s1 =	ssub.s32 s1, s12;
	s13 =	sadd.s32 s8, s3;
	s15 =	sadd.s32 $0x59C00, s6  }
0x16: {  	s8 =	sor.u32 $0x1C02, s14;
	s6 =	smul.u32 $0x2800, s9;
	s9 =	simm.s32 $0x2  }
0x17: {  	s12 =	simm.s32 $0x1000;
	s14 =	simm.s32 $0x5000;
	s2 =	sshrl.u32 s2, $0x3  }
0x18: {  	[dreg:$0x5] =	wrdreg s15;
	s1 =	smax.u32 s1, $0x1;
	s15 =	simm.s32 $0xB00  }
0x19: {  	[dreg:$0x11] =	wrdreg s8;
	s2 =	sadd.s32 s2, s0;
	s0 =	sadd.s32 s7, s0  }
0x1a: {  	[dreg:$0x12] =	wrdreg s1;
	s7 =	sshrl.u32 s13, $0x3;
	s13 =	simm.s32 $0x1  }
0x1b: {  	s2 =	sadd.s32 $0x63C00, s2;
	s0 =	sadd.s32 $0x114000, s0;
	[dreg:$0x13] =	wrdreg s7  }
0x1c: {  	s1 =	simm.s32 $0xF00;
	[dreg:$0x4] =	wrdreg s2;
	s0 =	sadd.s32 s6, s0  }
0x1d: {  	s2 =	simm.s32 $0xF80;
	[dreg:$0x14] =	wrdreg s0;
	s0 =	simm.s32 $0x780  }
.LBB2_1:
0x1e: {  	[dreg:$0x15] =	wrdreg s24  }
0x1f: {  	s6 =	rddreg [dreg:$0x1]  }
0x20: {  	[spmem:s7], [sflag:s8] =	dma.local [hbm:s6], $0x2800  }
0x21: {  	_ =	swait.ge [sflag:s9], $0x2800  }
0x22: {  	[sflag:s9] =	ssyncset.done $0x0  }
0x23: {  	[sflag:s9] =	ssyncadd.s32 $0xFFFFD800  }
0x24: {  	[bflag:$0x0] =	sbarrier.arrive $0xFFFF  }
0x25: {  	s7 =	rddreg [dreg:$0x4]  }
0x26: {  	s6 =	sadd.s32 $0x0, s7  }
0x27: {  	[tilespmem:s4], [sflag:$0x2] =	stream.linear.gather [hbm4b:s6+s4], $0x800, $0x38;
	[tilespmem:$0x1D000] =	vst v63  }
0x28: {  	_ =	swait.ge [sflag:s9], $0x800  }
0x29: {  	s8 =	rddreg [dreg:$0x5];
	[sflag:s9] =	ssyncset.done $0x0  }
0x2a: {  	[sflag:s9] =	ssyncadd.s32 $0xFFFFF800;
	s6 =	sadd.s32 $0x0, s8  }
0x2b: {  	[tilespmem:s10], [sflag:$0x2] =	stream.linear.gather [hbm4b:s6+s4], $0x800, $0x38;
	[tilespmem:$0x1D000] =	vst v63  }
0x2c: {  	_ =	swait.ge [sflag:s9], $0x800  }
0x2d: {  	[sflag:s9] =	ssyncset.done $0x0  }
0x2e: {  	[sflag:s9] =	ssyncadd.s32 $0xFFFFF800  }
0x2f: {  	[tilespmem:s12], [sflag:$0x1] =	stream.indirect.gather [hbm4b:s5+s11], $0x80, s4, s11, $0xb8;
	[tilespmem:$0x1D000] =	vst v63  }
0x30: {  	_ =	swait.ge [sflag:s13], $0x4000  }
0x31: {  	[sflag:s13] =	ssyncset.done $0x0  }
0x32: {  	[sflag:s13] =	ssyncadd.s32 $0xFFFFC000  }
0x33: {  	[tilespmem:s14], [sflag:$0x1] =	stream.indirect.gather [hbm4b:s5+s11], $0x80, s11, s11, $0xb8;
	[tilespmem:$0x1D000] =	vst v63  }
0x34: {  	_ = 	snop  }
0x35: {  	[spmem:s3] =	stream.indirect.scatter.add.f32 [tilespmem:s12], [sflag:$0x2], $0x80, s10, s11, $0xb8;
	[tilespmem:$0x1D000] =	vst v63  }
0x36: {  	_ =	swait.ge [sflag:s9], $0x4000  }
0x37: {  	[sflag:s9] =	ssyncset.done $0x0  }
0x38: {  	[sflag:s9] =	ssyncadd.s32 $0xFFFFC000  }
0x39: {  	_ =	swait.ge [sflag:s13], $0x4000  }
0x3a: {  	[sflag:s13] =	ssyncset.done $0x0  }
0x3b: {  	s24 =	rddreg [dreg:$0x6];
	[sflag:s13] =	ssyncadd.s32 $0xFFFFC000  }
0x3c: {  	[tilespmem:s12], [sflag:$0x1] =	stream.indirect.gather [hbm4b:s5+s11], $0x80, s24, s11, $0xb8;
	[tilespmem:$0x1D000] =	vst v63  }
0x3d: {  	s7 =	rddreg [dreg:$0x7]  }
0x3e: {  	[spmem:s3] =	stream.indirect.scatter.add.f32 [tilespmem:s14], [sflag:$0x2], $0x80, s7, s11, $0xb8;
	[tilespmem:$0x1D000] =	vst v63  }
0x3f: {  	_ =	swait.ge [sflag:s9], $0x4000  }
0x40: {  	[sflag:s9] =	ssyncset.done $0x0  }
0x41: {  	[sflag:s9] =	ssyncadd.s32 $0xFFFFC000  }
0x42: {  	_ =	swait.ge [sflag:s13], $0x4000  }
0x43: {  	[sflag:s13] =	ssyncset.done $0x0  }
0x44: {  	s24 =	rddreg [dreg:$0x8];
	[sflag:s13] =	ssyncadd.s32 $0xFFFFC000  }
0x45: {  	[tilespmem:s14], [sflag:$0x1] =	stream.indirect.gather [hbm4b:s5+s11], $0x80, s24, s11, $0xb8;
	[tilespmem:$0x1D000] =	vst v63  }
0x46: {  	s7 =	rddreg [dreg:$0x9]  }
0x47: {  	[spmem:s3] =	stream.indirect.scatter.add.f32 [tilespmem:s12], [sflag:$0x2], $0x80, s7, s11, $0xb8;
	[tilespmem:$0x1D000] =	vst v63  }
0x48: {  	_ =	swait.ge [sflag:s9], $0x4000  }
0x49: {  	[sflag:s9] =	ssyncset.done $0x0  }
0x4a: {  	[sflag:s9] =	ssyncadd.s32 $0xFFFFC000  }
0x4b: {  	_ =	swait.ge [sflag:s13], $0x4000  }
0x4c: {  	[sflag:s13] =	ssyncset.done $0x0  }
0x4d: {  	s24 =	rddreg [dreg:$0xa];
	[sflag:s13] =	ssyncadd.s32 $0xFFFFC000  }
0x4e: {  	[tilespmem:s12], [sflag:$0x1] =	stream.indirect.gather [hbm4b:s5+s11], $0x80, s24, s11, $0xb8;
	[tilespmem:$0x1D000] =	vst v63  }
0x4f: {  	s7 =	rddreg [dreg:$0xb]  }
0x50: {  	[spmem:s3] =	stream.indirect.scatter.add.f32 [tilespmem:s14], [sflag:$0x2], $0x80, s7, s11, $0xb8;
	[tilespmem:$0x1D000] =	vst v63  }
0x51: {  	_ =	swait.ge [sflag:s9], $0x4000  }
0x52: {  	[sflag:s9] =	ssyncset.done $0x0  }
0x53: {  	[sflag:s9] =	ssyncadd.s32 $0xFFFFC000  }
0x54: {  	_ =	swait.ge [sflag:s13], $0x4000  }
0x55: {  	[sflag:s13] =	ssyncset.done $0x0  }
0x56: {  	s24 =	rddreg [dreg:$0xc];
	[sflag:s13] =	ssyncadd.s32 $0xFFFFC000  }
0x57: {  	[tilespmem:s14], [sflag:$0x1] =	stream.indirect.gather [hbm4b:s5+s11], $0x80, s24, s11, $0xb8;
	[tilespmem:$0x1D000] =	vst v63  }
0x58: {  	s7 =	rddreg [dreg:$0xd]  }
0x59: {  	[spmem:s3] =	stream.indirect.scatter.add.f32 [tilespmem:s12], [sflag:$0x2], $0x80, s7, s11, $0xb8;
	[tilespmem:$0x1D000] =	vst v63  }
0x5a: {  	_ =	swait.ge [sflag:s9], $0x4000  }
0x5b: {  	[sflag:s9] =	ssyncset.done $0x0  }
0x5c: {  	[sflag:s9] =	ssyncadd.s32 $0xFFFFC000  }
0x5d: {  	_ =	swait.ge [sflag:s13], $0x4000  }
0x5e: {  	[sflag:s13] =	ssyncset.done $0x0  }
0x5f: {  	s24 =	rddreg [dreg:$0xe];
	[sflag:s13] =	ssyncadd.s32 $0xFFFFC000  }
0x60: {  	[tilespmem:s12], [sflag:$0x1] =	stream.indirect.gather [hbm4b:s5+s11], $0x80, s24, s11, $0xb8;
	[tilespmem:$0x1D000] =	vst v63  }
0x61: {  	s7 =	rddreg [dreg:$0xf]  }
0x62: {  	[spmem:s3] =	stream.indirect.scatter.add.f32 [tilespmem:s14], [sflag:$0x2], $0x80, s7, s11, $0xb8;
	[tilespmem:$0x1D000] =	vst v63  }
0x63: {  	_ =	swait.ge [sflag:s9], $0x4000  }
0x64: {  	[sflag:s9] =	ssyncset.done $0x0  }
0x65: {  	[sflag:s9] =	ssyncadd.s32 $0xFFFFC000  }
0x66: {  	_ =	swait.ge [sflag:s13], $0x4000  }
0x67: {  	[sflag:s13] =	ssyncset.done $0x0  }
0x68: {  	s24 =	rddreg [dreg:$0x10];
	[sflag:s13] =	ssyncadd.s32 $0xFFFFC000  }
0x69: {  	[tilespmem:s14], [sflag:$0x1] =	stream.indirect.gather [hbm4b:s5+s11], $0x80, s24, s11, $0xb8;
	[tilespmem:$0x1D000] =	vst v63  }
0x6a: {  	_ = 	snop  }
0x6b: {  	[spmem:s3] =	stream.indirect.scatter.add.f32 [tilespmem:s12], [sflag:$0x2], $0x80, s15, s11, $0xb8;
	[tilespmem:$0x1D000] =	vst v63  }
0x6c: {  	_ =	swait.ge [sflag:s9], $0x4000  }
0x6d: {  	[sflag:s9] =	ssyncset.done $0x0  }
0x6e: {  	[sflag:s9] =	ssyncadd.s32 $0xFFFFC000  }
0x6f: {  	_ =	swait.ge [sflag:s13], $0x4000  }
0x70: {  	[sflag:s13] =	ssyncset.done $0x0  }
0x71: {  	[sflag:s13] =	ssyncadd.s32 $0xFFFFC000  }
0x72: {  	[tilespmem:s12], [sflag:$0x1] =	stream.indirect.gather [hbm4b:s5+s11], $0x80, s16, s11, $0xb8;
	[tilespmem:$0x1D000] =	vst v63  }
0x73: {  	_ = 	snop  }
0x74: {  	[spmem:s3] =	stream.indirect.scatter.add.f32 [tilespmem:s14], [sflag:$0x2], $0x80, s17, s11, $0xb8;
	[tilespmem:$0x1D000] =	vst v63  }
0x75: {  	_ =	swait.ge [sflag:s9], $0x4000  }
0x76: {  	[sflag:s9] =	ssyncset.done $0x0  }
0x77: {  	[sflag:s9] =	ssyncadd.s32 $0xFFFFC000  }
0x78: {  	_ =	swait.ge [sflag:s13], $0x4000  }
0x79: {  	[sflag:s13] =	ssyncset.done $0x0  }
0x7a: {  	[sflag:s13] =	ssyncadd.s32 $0xFFFFC000  }
0x7b: {  	[tilespmem:s14], [sflag:$0x1] =	stream.indirect.gather [hbm4b:s5+s11], $0x80, s18, s11, $0xb8;
	[tilespmem:$0x1D000] =	vst v63  }
0x7c: {  	_ = 	snop  }
0x7d: {  	[spmem:s3] =	stream.indirect.scatter.add.f32 [tilespmem:s12], [sflag:$0x2], $0x80, s19, s11, $0xb8;
	[tilespmem:$0x1D000] =	vst v63  }
0x7e: {  	_ =	swait.ge [sflag:s9], $0x4000  }
0x7f: {  	[sflag:s9] =	ssyncset.done $0x0  }
0x80: {  	[sflag:s9] =	ssyncadd.s32 $0xFFFFC000  }
0x81: {  	_ =	swait.ge [sflag:s13], $0x4000  }
0x82: {  	[sflag:s13] =	ssyncset.done $0x0  }
0x83: {  	[sflag:s13] =	ssyncadd.s32 $0xFFFFC000  }
0x84: {  	[tilespmem:s12], [sflag:$0x1] =	stream.indirect.gather [hbm4b:s5+s11], $0x80, s20, s11, $0xb8;
	[tilespmem:$0x1D000] =	vst v63  }
0x85: {  	_ = 	snop  }
0x86: {  	[spmem:s3] =	stream.indirect.scatter.add.f32 [tilespmem:s14], [sflag:$0x2], $0x80, s21, s11, $0xb8;
	[tilespmem:$0x1D000] =	vst v63  }
0x87: {  	_ =	swait.ge [sflag:s9], $0x4000  }
0x88: {  	[sflag:s9] =	ssyncset.done $0x0  }
0x89: {  	[sflag:s9] =	ssyncadd.s32 $0xFFFFC000  }
0x8a: {  	_ =	swait.ge [sflag:s13], $0x4000  }
0x8b: {  	[sflag:s13] =	ssyncset.done $0x0  }
0x8c: {  	[sflag:s13] =	ssyncadd.s32 $0xFFFFC000  }
0x8d: {  	[tilespmem:s14], [sflag:$0x1] =	stream.indirect.gather [hbm4b:s5+s11], $0x80, s22, s11, $0xb8;
	[tilespmem:$0x1D000] =	vst v63  }
0x8e: {  	_ = 	snop  }
0x8f: {  	[spmem:s3] =	stream.indirect.scatter.add.f32 [tilespmem:s12], [sflag:$0x2], $0x80, s23, s11, $0xb8;
	[tilespmem:$0x1D000] =	vst v63  }
0x90: {  	_ =	swait.ge [sflag:s9], $0x4000  }
0x91: {  	[sflag:s9] =	ssyncset.done $0x0  }
0x92: {  	[sflag:s9] =	ssyncadd.s32 $0xFFFFC000  }
0x93: {  	_ =	swait.ge [sflag:s13], $0x4000  }
0x94: {  	[sflag:s13] =	ssyncset.done $0x0  }
0x95: {  	[sflag:s13] =	ssyncadd.s32 $0xFFFFC000  }
0x96: {  	[tilespmem:s12], [sflag:$0x1] =	stream.indirect.gather [hbm4b:s5+s11], $0x80, s25, s11, $0xb8;
	[tilespmem:$0x1D000] =	vst v63  }
0x97: {  	_ = 	snop  }
0x98: {  	[spmem:s3] =	stream.indirect.scatter.add.f32 [tilespmem:s14], [sflag:$0x2], $0x80, s26, s11, $0xb8;
	[tilespmem:$0x1D000] =	vst v63  }
0x99: {  	_ =	swait.ge [sflag:s9], $0x4000  }
0x9a: {  	[sflag:s9] =	ssyncset.done $0x0  }
0x9b: {  	[sflag:s9] =	ssyncadd.s32 $0xFFFFC000  }
0x9c: {  	_ =	swait.ge [sflag:s13], $0x4000  }
0x9d: {  	[sflag:s13] =	ssyncset.done $0x0  }
0x9e: {  	[sflag:s13] =	ssyncadd.s32 $0xFFFFC000  }
0x9f: {  	[tilespmem:s14], [sflag:$0x1] =	stream.indirect.gather [hbm4b:s5+s11], $0x80, s28, s11, $0xb8;
	[tilespmem:$0x1D000] =	vst v63  }
0xa0: {  	_ = 	snop  }
0xa1: {  	[spmem:s3] =	stream.indirect.scatter.add.f32 [tilespmem:s12], [sflag:$0x2], $0x80, s29, s11, $0xb8;
	[tilespmem:$0x1D000] =	vst v63  }
0xa2: {  	_ =	swait.ge [sflag:s9], $0x4000  }
0xa3: {  	[sflag:s9] =	ssyncset.done $0x0  }
0xa4: {  	[sflag:s9] =	ssyncadd.s32 $0xFFFFC000  }
0xa5: {  	_ =	swait.ge [sflag:s13], $0x4000  }
0xa6: {  	[sflag:s13] =	ssyncset.done $0x0  }
0xa7: {  	[sflag:s13] =	ssyncadd.s32 $0xFFFFC000  }
0xa8: {  	[tilespmem:s12], [sflag:$0x1] =	stream.indirect.gather [hbm4b:s5+s11], $0x80, s30, s11, $0xb8;
	[tilespmem:$0x1D000] =	vst v63  }
0xa9: {  	_ = 	snop  }
0xaa: {  	[spmem:s3] =	stream.indirect.scatter.add.f32 [tilespmem:s14], [sflag:$0x2], $0x80, s31, s11, $0xb8;
	[tilespmem:$0x1D000] =	vst v63  }
0xab: {  	_ =	swait.ge [sflag:s9], $0x4000  }
0xac: {  	[sflag:s9] =	ssyncset.done $0x0  }
0xad: {  	[sflag:s9] =	ssyncadd.s32 $0xFFFFC000  }
0xae: {  	_ =	swait.ge [sflag:s13], $0x4000  }
0xaf: {  	[sflag:s13] =	ssyncset.done $0x0  }
0xb0: {  	[sflag:s13] =	ssyncadd.s32 $0xFFFFC000  }
0xb1: {  	[tilespmem:s14], [sflag:$0x1] =	stream.indirect.gather [hbm4b:s5+s11], $0x80, s0, s11, $0xb8;
	[tilespmem:$0x1D000] =	vst v63  }
0xb2: {  	_ = 	snop  }
0xb3: {  	[spmem:s3] =	stream.indirect.scatter.add.f32 [tilespmem:s12], [sflag:$0x2], $0x80, s1, s11, $0xb8;
	[tilespmem:$0x1D000] =	vst v63  }
0xb4: {  	_ =	swait.ge [sflag:s9], $0x4000  }
0xb5: {  	[sflag:s9] =	ssyncset.done $0x0  }
0xb6: {  	[sflag:s9] =	ssyncadd.s32 $0xFFFFC000  }
0xb7: {  	_ =	swait.ge [sflag:s13], $0x4000  }
0xb8: {  	[sflag:s13] =	ssyncset.done $0x0  }
0xb9: {  	[sflag:s13] =	ssyncadd.s32 $0xFFFFC000  }
0xba: {  	[spmem:s3] =	stream.indirect.scatter.add.f32 [tilespmem:s14], [sflag:$0x2], $0x80, s2, s11, $0xb8;
	[tilespmem:$0x1D000] =	vst v63  }
0xbb: {  	s6 =	simm.s32 $0x200;
	_ =	swait.ge [sflag:s9], $0x4000  }
0xbc: {  	s24 =	simm.s32 $0x100;
	s8 =	rddreg [dreg:$0x4];
	[sflag:s9] =	ssyncset.done $0x0  }
.LBB2_2:
0xbd: {  	[sflag:s9] =	ssyncadd.s32 $0xFFFFC000;
	s8 =	sadd.s32 s24, s8  }
0xbe: {  	[tilespmem:s4], [sflag:$0x2] =	stream.linear.gather [hbm4b:s8+s4], $0x800, $0x38;
	[tilespmem:$0x1D000] =	vst v63  }
0xbf: {  	_ =	swait.ge [sflag:s9], $0x800  }
0xc0: {  	s8 =	rddreg [dreg:$0x5];
	[sflag:s9] =	ssyncset.done $0x0  }
0xc1: {  	[sflag:s9] =	ssyncadd.s32 $0xFFFFF800;
	s8 =	sadd.s32 s24, s8  }
0xc2: {  	[tilespmem:s10], [sflag:$0x2] =	stream.linear.gather [hbm4b:s8+s4], $0x800, $0x38;
	[tilespmem:$0x1D000] =	vst v63  }
0xc3: {  	_ =	swait.ge [sflag:s9], $0x800  }
0xc4: {  	[sflag:s9] =	ssyncset.done $0x0  }
0xc5: {  	[sflag:s9] =	ssyncadd.s32 $0xFFFFF800  }
0xc6: {  	[tilespmem:s12], [sflag:$0x1] =	stream.indirect.gather [hbm4b:s5+s11], $0x80, s4, s11, $0xb8;
	[tilespmem:$0x1D000] =	vst v63  }
0xc7: {  	_ =	swait.ge [sflag:s13], $0x4000  }
0xc8: {  	[sflag:s13] =	ssyncset.done $0x0  }
0xc9: {  	[sflag:s13] =	ssyncadd.s32 $0xFFFFC000  }
0xca: {  	[tilespmem:s14], [sflag:$0x1] =	stream.indirect.gather [hbm4b:s5+s11], $0x80, s11, s11, $0xb8;
	[tilespmem:$0x1D000] =	vst v63  }
0xcb: {  	_ = 	snop  }
0xcc: {  	[spmem:s3] =	stream.indirect.scatter.add.f32 [tilespmem:s12], [sflag:$0x2], $0x80, s10, s11, $0xb8;
	[tilespmem:$0x1D000] =	vst v63  }
0xcd: {  	_ =	swait.ge [sflag:s9], $0x4000  }
0xce: {  	[sflag:s9] =	ssyncset.done $0x0  }
0xcf: {  	[sflag:s9] =	ssyncadd.s32 $0xFFFFC000  }
0xd0: {  	_ =	swait.ge [sflag:s13], $0x4000  }
0xd1: {  	s7 =	smov.u32 s6;
	[sflag:s13] =	ssyncset.done $0x0  }
0xd2: {  	s24 =	smov.u32 s7;
	s7 =	rddreg [dreg:$0x6];
	[sflag:s13] =	ssyncadd.s32 $0xFFFFC000  }
0xd3: {  	[tilespmem:s12], [sflag:$0x1] =	stream.indirect.gather [hbm4b:s5+s11], $0x80, s7, s11, $0xb8;
	[tilespmem:$0x1D000] =	vst v63  }
0xd4: {  	s8 =	rddreg [dreg:$0x7]  }
0xd5: {  	[spmem:s3] =	stream.indirect.scatter.add.f32 [tilespmem:s14], [sflag:$0x2], $0x80, s8, s11, $0xb8;
	[tilespmem:$0x1D000] =	vst v63  }
0xd6: {  	_ =	swait.ge [sflag:s9], $0x4000  }
0xd7: {  	[sflag:s9] =	ssyncset.done $0x0  }
0xd8: {  	[sflag:s9] =	ssyncadd.s32 $0xFFFFC000  }
0xd9: {  	_ =	swait.ge [sflag:s13], $0x4000  }
0xda: {  	[sflag:s13] =	ssyncset.done $0x0  }
0xdb: {  	s7 =	rddreg [dreg:$0x8];
	[sflag:s13] =	ssyncadd.s32 $0xFFFFC000  }
0xdc: {  	[tilespmem:s14], [sflag:$0x1] =	stream.indirect.gather [hbm4b:s5+s11], $0x80, s7, s11, $0xb8;
	[tilespmem:$0x1D000] =	vst v63  }
0xdd: {  	s8 =	rddreg [dreg:$0x9]  }
0xde: {  	[spmem:s3] =	stream.indirect.scatter.add.f32 [tilespmem:s12], [sflag:$0x2], $0x80, s8, s11, $0xb8;
	[tilespmem:$0x1D000] =	vst v63  }
0xdf: {  	_ =	swait.ge [sflag:s9], $0x4000  }
0xe0: {  	[sflag:s9] =	ssyncset.done $0x0  }
0xe1: {  	[sflag:s9] =	ssyncadd.s32 $0xFFFFC000  }
0xe2: {  	_ =	swait.ge [sflag:s13], $0x4000  }
0xe3: {  	[sflag:s13] =	ssyncset.done $0x0  }
0xe4: {  	s7 =	rddreg [dreg:$0xa];
	[sflag:s13] =	ssyncadd.s32 $0xFFFFC000  }
0xe5: {  	[tilespmem:s12], [sflag:$0x1] =	stream.indirect.gather [hbm4b:s5+s11], $0x80, s7, s11, $0xb8;
	[tilespmem:$0x1D000] =	vst v63  }
0xe6: {  	s8 =	rddreg [dreg:$0xb]  }
0xe7: {  	[spmem:s3] =	stream.indirect.scatter.add.f32 [tilespmem:s14], [sflag:$0x2], $0x80, s8, s11, $0xb8;
	[tilespmem:$0x1D000] =	vst v63  }
0xe8: {  	_ =	swait.ge [sflag:s9], $0x4000  }
0xe9: {  	[sflag:s9] =	ssyncset.done $0x0  }
0xea: {  	[sflag:s9] =	ssyncadd.s32 $0xFFFFC000  }
0xeb: {  	_ =	swait.ge [sflag:s13], $0x4000  }
0xec: {  	[sflag:s13] =	ssyncset.done $0x0  }
0xed: {  	s7 =	rddreg [dreg:$0xc];
	[sflag:s13] =	ssyncadd.s32 $0xFFFFC000  }
0xee: {  	[tilespmem:s14], [sflag:$0x1] =	stream.indirect.gather [hbm4b:s5+s11], $0x80, s7, s11, $0xb8;
	[tilespmem:$0x1D000] =	vst v63  }
0xef: {  	s8 =	rddreg [dreg:$0xd]  }
0xf0: {  	[spmem:s3] =	stream.indirect.scatter.add.f32 [tilespmem:s12], [sflag:$0x2], $0x80, s8, s11, $0xb8;
	[tilespmem:$0x1D000] =	vst v63  }
0xf1: {  	_ =	swait.ge [sflag:s9], $0x4000  }
0xf2: {  	[sflag:s9] =	ssyncset.done $0x0  }
0xf3: {  	[sflag:s9] =	ssyncadd.s32 $0xFFFFC000  }
0xf4: {  	_ =	swait.ge [sflag:s13], $0x4000  }
0xf5: {  	[sflag:s13] =	ssyncset.done $0x0  }
0xf6: {  	s7 =	rddreg [dreg:$0xe];
	[sflag:s13] =	ssyncadd.s32 $0xFFFFC000  }
0xf7: {  	[tilespmem:s12], [sflag:$0x1] =	stream.indirect.gather [hbm4b:s5+s11], $0x80, s7, s11, $0xb8;
	[tilespmem:$0x1D000] =	vst v63  }
0xf8: {  	s8 =	rddreg [dreg:$0xf]  }
0xf9: {  	[spmem:s3] =	stream.indirect.scatter.add.f32 [tilespmem:s14], [sflag:$0x2], $0x80, s8, s11, $0xb8;
	[tilespmem:$0x1D000] =	vst v63  }
0xfa: {  	_ =	swait.ge [sflag:s9], $0x4000  }
0xfb: {  	[sflag:s9] =	ssyncset.done $0x0  }
0xfc: {  	[sflag:s9] =	ssyncadd.s32 $0xFFFFC000  }
0xfd: {  	_ =	swait.ge [sflag:s13], $0x4000  }
0xfe: {  	[sflag:s13] =	ssyncset.done $0x0  }
0xff: {  	s8 =	rddreg [dreg:$0x10];
	[sflag:s13] =	ssyncadd.s32 $0xFFFFC000  }
0x100: {  	[tilespmem:s14], [sflag:$0x1] =	stream.indirect.gather [hbm4b:s5+s11], $0x80, s8, s11, $0xb8;
	[tilespmem:$0x1D000] =	vst v63  }
0x101: {  	_ = 	snop  }
0x102: {  	[spmem:s3] =	stream.indirect.scatter.add.f32 [tilespmem:s12], [sflag:$0x2], $0x80, s15, s11, $0xb8;
	[tilespmem:$0x1D000] =	vst v63  }
0x103: {  	_ =	swait.ge [sflag:s9], $0x4000  }
0x104: {  	[sflag:s9] =	ssyncset.done $0x0  }
0x105: {  	[sflag:s9] =	ssyncadd.s32 $0xFFFFC000  }
0x106: {  	_ =	swait.ge [sflag:s13], $0x4000  }
0x107: {  	[sflag:s13] =	ssyncset.done $0x0  }
0x108: {  	[sflag:s13] =	ssyncadd.s32 $0xFFFFC000  }
0x109: {  	[tilespmem:s12], [sflag:$0x1] =	stream.indirect.gather [hbm4b:s5+s11], $0x80, s16, s11, $0xb8;
	[tilespmem:$0x1D000] =	vst v63  }
0x10a: {  	_ = 	snop  }
0x10b: {  	[spmem:s3] =	stream.indirect.scatter.add.f32 [tilespmem:s14], [sflag:$0x2], $0x80, s17, s11, $0xb8;
	[tilespmem:$0x1D000] =	vst v63  }
0x10c: {  	_ =	swait.ge [sflag:s9], $0x4000  }
0x10d: {  	[sflag:s9] =	ssyncset.done $0x0  }
0x10e: {  	[sflag:s9] =	ssyncadd.s32 $0xFFFFC000  }
0x10f: {  	_ =	swait.ge [sflag:s13], $0x4000  }
0x110: {  	[sflag:s13] =	ssyncset.done $0x0  }
0x111: {  	[sflag:s13] =	ssyncadd.s32 $0xFFFFC000  }
0x112: {  	[tilespmem:s14], [sflag:$0x1] =	stream.indirect.gather [hbm4b:s5+s11], $0x80, s18, s11, $0xb8;
	[tilespmem:$0x1D000] =	vst v63  }
0x113: {  	_ = 	snop  }
0x114: {  	[spmem:s3] =	stream.indirect.scatter.add.f32 [tilespmem:s12], [sflag:$0x2], $0x80, s19, s11, $0xb8;
	[tilespmem:$0x1D000] =	vst v63  }
0x115: {  	_ =	swait.ge [sflag:s9], $0x4000  }
0x116: {  	[sflag:s9] =	ssyncset.done $0x0  }
0x117: {  	[sflag:s9] =	ssyncadd.s32 $0xFFFFC000  }
0x118: {  	_ =	swait.ge [sflag:s13], $0x4000  }
0x119: {  	[sflag:s13] =	ssyncset.done $0x0  }
0x11a: {  	[sflag:s13] =	ssyncadd.s32 $0xFFFFC000  }
0x11b: {  	[tilespmem:s12], [sflag:$0x1] =	stream.indirect.gather [hbm4b:s5+s11], $0x80, s20, s11, $0xb8;
	[tilespmem:$0x1D000] =	vst v63  }
0x11c: {  	_ = 	snop  }
0x11d: {  	[spmem:s3] =	stream.indirect.scatter.add.f32 [tilespmem:s14], [sflag:$0x2], $0x80, s21, s11, $0xb8;
	[tilespmem:$0x1D000] =	vst v63  }
0x11e: {  	_ =	swait.ge [sflag:s9], $0x4000  }
0x11f: {  	[sflag:s9] =	ssyncset.done $0x0  }
0x120: {  	[sflag:s9] =	ssyncadd.s32 $0xFFFFC000  }
0x121: {  	_ =	swait.ge [sflag:s13], $0x4000  }
0x122: {  	[sflag:s13] =	ssyncset.done $0x0  }
0x123: {  	[sflag:s13] =	ssyncadd.s32 $0xFFFFC000  }
0x124: {  	[tilespmem:s14], [sflag:$0x1] =	stream.indirect.gather [hbm4b:s5+s11], $0x80, s22, s11, $0xb8;
	[tilespmem:$0x1D000] =	vst v63  }
0x125: {  	_ = 	snop  }
0x126: {  	[spmem:s3] =	stream.indirect.scatter.add.f32 [tilespmem:s12], [sflag:$0x2], $0x80, s23, s11, $0xb8;
	[tilespmem:$0x1D000] =	vst v63  }
0x127: {  	_ =	swait.ge [sflag:s9], $0x4000  }
0x128: {  	[sflag:s9] =	ssyncset.done $0x0  }
0x129: {  	[sflag:s9] =	ssyncadd.s32 $0xFFFFC000  }
0x12a: {  	_ =	swait.ge [sflag:s13], $0x4000  }
0x12b: {  	[sflag:s13] =	ssyncset.done $0x0  }
0x12c: {  	[sflag:s13] =	ssyncadd.s32 $0xFFFFC000  }
0x12d: {  	[tilespmem:s12], [sflag:$0x1] =	stream.indirect.gather [hbm4b:s5+s11], $0x80, s25, s11, $0xb8;
	[tilespmem:$0x1D000] =	vst v63  }
0x12e: {  	_ = 	snop  }
0x12f: {  	[spmem:s3] =	stream.indirect.scatter.add.f32 [tilespmem:s14], [sflag:$0x2], $0x80, s26, s11, $0xb8;
	[tilespmem:$0x1D000] =	vst v63  }
0x130: {  	_ =	swait.ge [sflag:s9], $0x4000  }
0x131: {  	[sflag:s9] =	ssyncset.done $0x0  }
0x132: {  	[sflag:s9] =	ssyncadd.s32 $0xFFFFC000  }
0x133: {  	_ =	swait.ge [sflag:s13], $0x4000  }
0x134: {  	[sflag:s13] =	ssyncset.done $0x0  }
0x135: {  	[sflag:s13] =	ssyncadd.s32 $0xFFFFC000  }
0x136: {  	[tilespmem:s14], [sflag:$0x1] =	stream.indirect.gather [hbm4b:s5+s11], $0x80, s28, s11, $0xb8;
	[tilespmem:$0x1D000] =	vst v63  }
0x137: {  	_ = 	snop  }
0x138: {  	[spmem:s3] =	stream.indirect.scatter.add.f32 [tilespmem:s12], [sflag:$0x2], $0x80, s29, s11, $0xb8;
	[tilespmem:$0x1D000] =	vst v63  }
0x139: {  	_ =	swait.ge [sflag:s9], $0x4000  }
0x13a: {  	[sflag:s9] =	ssyncset.done $0x0  }
0x13b: {  	[sflag:s9] =	ssyncadd.s32 $0xFFFFC000  }
0x13c: {  	_ =	swait.ge [sflag:s13], $0x4000  }
0x13d: {  	[sflag:s13] =	ssyncset.done $0x0  }
0x13e: {  	[sflag:s13] =	ssyncadd.s32 $0xFFFFC000  }
0x13f: {  	[tilespmem:s12], [sflag:$0x1] =	stream.indirect.gather [hbm4b:s5+s11], $0x80, s30, s11, $0xb8;
	[tilespmem:$0x1D000] =	vst v63  }
0x140: {  	_ = 	snop  }
0x141: {  	[spmem:s3] =	stream.indirect.scatter.add.f32 [tilespmem:s14], [sflag:$0x2], $0x80, s31, s11, $0xb8;
	[tilespmem:$0x1D000] =	vst v63  }
0x142: {  	_ =	swait.ge [sflag:s9], $0x4000  }
0x143: {  	[sflag:s9] =	ssyncset.done $0x0  }
0x144: {  	[sflag:s9] =	ssyncadd.s32 $0xFFFFC000  }
0x145: {  	_ =	swait.ge [sflag:s13], $0x4000  }
0x146: {  	[sflag:s13] =	ssyncset.done $0x0  }
0x147: {  	[sflag:s13] =	ssyncadd.s32 $0xFFFFC000  }
0x148: {  	[tilespmem:s14], [sflag:$0x1] =	stream.indirect.gather [hbm4b:s5+s11], $0x80, s0, s11, $0xb8;
	[tilespmem:$0x1D000] =	vst v63  }
0x149: {  	_ = 	snop  }
0x14a: {  	[spmem:s3] =	stream.indirect.scatter.add.f32 [tilespmem:s12], [sflag:$0x2], $0x80, s1, s11, $0xb8;
	[tilespmem:$0x1D000] =	vst v63  }
0x14b: {  	_ =	swait.ge [sflag:s9], $0x4000  }
0x14c: {  	[sflag:s9] =	ssyncset.done $0x0  }
0x14d: {  	[sflag:s9] =	ssyncadd.s32 $0xFFFFC000  }
0x14e: {  	p0 =	sne.s32 s6, $0x900;
	_ =	swait.ge [sflag:s13], $0x4000  }
.Ltmp0:
0x14f: {  	[sflag:s13] =	ssyncset.done $0x0;
	(pc) =	sbr.rel @p0 .LBB2_2-.Ltmp0, $4  }
0x150: {  	[sflag:s13] =	ssyncadd.s32 $0xFFFFC000  }
0x151: {  	[spmem:s3] =	stream.indirect.scatter.add.f32 [tilespmem:s14], [sflag:$0x2], $0x80, s2, s11, $0xb8;
	[tilespmem:$0x1D000] =	vst v63  }
0x152: {  	_ =	swait.ge [sflag:s9], $0x4000  }
0x153: {  	s6 =	sadd.s32 $0x100, s6;
	s8 =	rddreg [dreg:$0x4];
	[sflag:s9] =	ssyncset.done $0x0  }
0x154: {  	[sflag:s9] =	ssyncadd.s32 $0xFFFFC000;
	s6 =	sadd.s32 s24, s8  }
0x155: {  	[tilespmem:s4], [sflag:$0x2] =	stream.linear.gather [hbm4b:s6+s4], $0x800, $0x38;
	[tilespmem:$0x1D000] =	vst v63  }
0x156: {  	_ =	swait.ge [sflag:s9], $0x800  }
0x157: {  	s8 =	rddreg [dreg:$0x5];
	[sflag:s9] =	ssyncset.done $0x0  }
0x158: {  	[sflag:s9] =	ssyncadd.s32 $0xFFFFF800;
	s6 =	sadd.s32 s24, s8  }
0x159: {  	[tilespmem:s10], [sflag:$0x2] =	stream.linear.gather [hbm4b:s6+s4], $0x800, $0x38;
	[tilespmem:$0x1D000] =	vst v63  }
0x15a: {  	_ =	swait.ge [sflag:s9], $0x800  }
0x15b: {  	[sflag:s9] =	ssyncset.done $0x0  }
0x15c: {  	[sflag:s9] =	ssyncadd.s32 $0xFFFFF800  }
0x15d: {  	[tilespmem:s12], [sflag:$0x1] =	stream.indirect.gather [hbm4b:s5+s11], $0x80, s4, s11, $0xb8;
	[tilespmem:$0x1D000] =	vst v63  }
0x15e: {  	_ =	swait.ge [sflag:s13], $0x4000  }
0x15f: {  	[sflag:s13] =	ssyncset.done $0x0  }
0x160: {  	[sflag:s13] =	ssyncadd.s32 $0xFFFFC000  }
0x161: {  	[tilespmem:s14], [sflag:$0x1] =	stream.indirect.gather [hbm4b:s5+s11], $0x80, s11, s11, $0xb8;
	[tilespmem:$0x1D000] =	vst v63  }
0x162: {  	_ = 	snop  }
0x163: {  	[spmem:s3] =	stream.indirect.scatter.add.f32 [tilespmem:s12], [sflag:$0x2], $0x80, s10, s11, $0xb8;
	[tilespmem:$0x1D000] =	vst v63  }
0x164: {  	_ =	swait.ge [sflag:s9], $0x4000  }
0x165: {  	[sflag:s9] =	ssyncset.done $0x0  }
0x166: {  	[sflag:s9] =	ssyncadd.s32 $0xFFFFC000  }
0x167: {  	_ =	swait.ge [sflag:s13], $0x4000  }
0x168: {  	[sflag:s13] =	ssyncset.done $0x0  }
0x169: {  	s24 =	rddreg [dreg:$0x6];
	[sflag:s13] =	ssyncadd.s32 $0xFFFFC000  }
0x16a: {  	[tilespmem:s12], [sflag:$0x1] =	stream.indirect.gather [hbm4b:s5+s11], $0x80, s24, s11, $0xb8;
	[tilespmem:$0x1D000] =	vst v63  }
0x16b: {  	s7 =	rddreg [dreg:$0x7]  }
0x16c: {  	[spmem:s3] =	stream.indirect.scatter.add.f32 [tilespmem:s14], [sflag:$0x2], $0x80, s7, s11, $0xb8;
	[tilespmem:$0x1D000] =	vst v63  }
0x16d: {  	_ =	swait.ge [sflag:s9], $0x4000  }
0x16e: {  	[sflag:s9] =	ssyncset.done $0x0  }
0x16f: {  	[sflag:s9] =	ssyncadd.s32 $0xFFFFC000  }
0x170: {  	_ =	swait.ge [sflag:s13], $0x4000  }
0x171: {  	[sflag:s13] =	ssyncset.done $0x0  }
0x172: {  	s8 =	rddreg [dreg:$0x8];
	[sflag:s13] =	ssyncadd.s32 $0xFFFFC000  }
0x173: {  	[tilespmem:s14], [sflag:$0x1] =	stream.indirect.gather [hbm4b:s5+s11], $0x80, s8, s11, $0xb8;
	[tilespmem:$0x1D000] =	vst v63  }
0x174: {  	s24 =	rddreg [dreg:$0x9]  }
0x175: {  	[spmem:s3] =	stream.indirect.scatter.add.f32 [tilespmem:s12], [sflag:$0x2], $0x80, s24, s11, $0xb8;
	[tilespmem:$0x1D000] =	vst v63  }
0x176: {  	_ =	swait.ge [sflag:s9], $0x4000  }
0x177: {  	[sflag:s9] =	ssyncset.done $0x0  }
0x178: {  	[sflag:s9] =	ssyncadd.s32 $0xFFFFC000  }
0x179: {  	_ =	swait.ge [sflag:s13], $0x4000  }
0x17a: {  	[sflag:s13] =	ssyncset.done $0x0  }
0x17b: {  	s8 =	rddreg [dreg:$0xa];
	[sflag:s13] =	ssyncadd.s32 $0xFFFFC000  }
0x17c: {  	[tilespmem:s12], [sflag:$0x1] =	stream.indirect.gather [hbm4b:s5+s11], $0x80, s8, s11, $0xb8;
	[tilespmem:$0x1D000] =	vst v63  }
0x17d: {  	s24 =	rddreg [dreg:$0xb]  }
0x17e: {  	[spmem:s3] =	stream.indirect.scatter.add.f32 [tilespmem:s14], [sflag:$0x2], $0x80, s24, s11, $0xb8;
	[tilespmem:$0x1D000] =	vst v63  }
0x17f: {  	_ =	swait.ge [sflag:s9], $0x4000  }
0x180: {  	[sflag:s9] =	ssyncset.done $0x0  }
0x181: {  	[sflag:s9] =	ssyncadd.s32 $0xFFFFC000  }
0x182: {  	_ =	swait.ge [sflag:s13], $0x4000  }
0x183: {  	[sflag:s13] =	ssyncset.done $0x0  }
0x184: {  	s8 =	rddreg [dreg:$0xc];
	[sflag:s13] =	ssyncadd.s32 $0xFFFFC000  }
0x185: {  	[tilespmem:s14], [sflag:$0x1] =	stream.indirect.gather [hbm4b:s5+s11], $0x80, s8, s11, $0xb8;
	[tilespmem:$0x1D000] =	vst v63  }
0x186: {  	s24 =	rddreg [dreg:$0xd]  }
0x187: {  	[spmem:s3] =	stream.indirect.scatter.add.f32 [tilespmem:s12], [sflag:$0x2], $0x80, s24, s11, $0xb8;
	[tilespmem:$0x1D000] =	vst v63  }
0x188: {  	_ =	swait.ge [sflag:s9], $0x4000  }
0x189: {  	[sflag:s9] =	ssyncset.done $0x0  }
0x18a: {  	[sflag:s9] =	ssyncadd.s32 $0xFFFFC000  }
0x18b: {  	_ =	swait.ge [sflag:s13], $0x4000  }
0x18c: {  	[sflag:s13] =	ssyncset.done $0x0  }
0x18d: {  	s8 =	rddreg [dreg:$0xe];
	[sflag:s13] =	ssyncadd.s32 $0xFFFFC000  }
0x18e: {  	[tilespmem:s12], [sflag:$0x1] =	stream.indirect.gather [hbm4b:s5+s11], $0x80, s8, s11, $0xb8;
	[tilespmem:$0x1D000] =	vst v63  }
0x18f: {  	s24 =	rddreg [dreg:$0xf]  }
0x190: {  	[spmem:s3] =	stream.indirect.scatter.add.f32 [tilespmem:s14], [sflag:$0x2], $0x80, s24, s11, $0xb8;
	[tilespmem:$0x1D000] =	vst v63  }
0x191: {  	_ =	swait.ge [sflag:s9], $0x4000  }
0x192: {  	[sflag:s9] =	ssyncset.done $0x0  }
0x193: {  	[sflag:s9] =	ssyncadd.s32 $0xFFFFC000  }
0x194: {  	_ =	swait.ge [sflag:s13], $0x4000  }
0x195: {  	[sflag:s13] =	ssyncset.done $0x0  }
0x196: {  	s8 =	rddreg [dreg:$0x10];
	[sflag:s13] =	ssyncadd.s32 $0xFFFFC000  }
0x197: {  	[tilespmem:s14], [sflag:$0x1] =	stream.indirect.gather [hbm4b:s5+s11], $0x80, s8, s11, $0xb8;
	[tilespmem:$0x1D000] =	vst v63  }
0x198: {  	_ = 	snop  }
0x199: {  	[spmem:s3] =	stream.indirect.scatter.add.f32 [tilespmem:s12], [sflag:$0x2], $0x80, s15, s11, $0xb8;
	[tilespmem:$0x1D000] =	vst v63  }
0x19a: {  	_ =	swait.ge [sflag:s9], $0x4000  }
0x19b: {  	[sflag:s9] =	ssyncset.done $0x0  }
0x19c: {  	[sflag:s9] =	ssyncadd.s32 $0xFFFFC000  }
0x19d: {  	_ =	swait.ge [sflag:s13], $0x4000  }
0x19e: {  	[sflag:s13] =	ssyncset.done $0x0  }
0x19f: {  	[sflag:s13] =	ssyncadd.s32 $0xFFFFC000  }
0x1a0: {  	[tilespmem:s12], [sflag:$0x1] =	stream.indirect.gather [hbm4b:s5+s11], $0x80, s16, s11, $0xb8;
	[tilespmem:$0x1D000] =	vst v63  }
0x1a1: {  	_ = 	snop  }
0x1a2: {  	[spmem:s3] =	stream.indirect.scatter.add.f32 [tilespmem:s14], [sflag:$0x2], $0x80, s17, s11, $0xb8;
	[tilespmem:$0x1D000] =	vst v63  }
0x1a3: {  	_ =	swait.ge [sflag:s9], $0x4000  }
0x1a4: {  	[sflag:s9] =	ssyncset.done $0x0  }
0x1a5: {  	[sflag:s9] =	ssyncadd.s32 $0xFFFFC000  }
0x1a6: {  	_ =	swait.ge [sflag:s13], $0x4000  }
0x1a7: {  	[sflag:s13] =	ssyncset.done $0x0  }
0x1a8: {  	[sflag:s13] =	ssyncadd.s32 $0xFFFFC000  }
0x1a9: {  	[tilespmem:s14], [sflag:$0x1] =	stream.indirect.gather [hbm4b:s5+s11], $0x80, s18, s11, $0xb8;
	[tilespmem:$0x1D000] =	vst v63  }
0x1aa: {  	_ = 	snop  }
0x1ab: {  	[spmem:s3] =	stream.indirect.scatter.add.f32 [tilespmem:s12], [sflag:$0x2], $0x80, s19, s11, $0xb8;
	[tilespmem:$0x1D000] =	vst v63  }
0x1ac: {  	_ =	swait.ge [sflag:s9], $0x4000  }
0x1ad: {  	[sflag:s9] =	ssyncset.done $0x0  }
0x1ae: {  	[sflag:s9] =	ssyncadd.s32 $0xFFFFC000  }
0x1af: {  	_ =	swait.ge [sflag:s13], $0x4000  }
0x1b0: {  	[sflag:s13] =	ssyncset.done $0x0  }
0x1b1: {  	[sflag:s13] =	ssyncadd.s32 $0xFFFFC000  }
0x1b2: {  	[tilespmem:s12], [sflag:$0x1] =	stream.indirect.gather [hbm4b:s5+s11], $0x80, s20, s11, $0xb8;
	[tilespmem:$0x1D000] =	vst v63  }
0x1b3: {  	_ = 	snop  }
0x1b4: {  	[spmem:s3] =	stream.indirect.scatter.add.f32 [tilespmem:s14], [sflag:$0x2], $0x80, s21, s11, $0xb8;
	[tilespmem:$0x1D000] =	vst v63  }
0x1b5: {  	_ =	swait.ge [sflag:s9], $0x4000  }
0x1b6: {  	[sflag:s9] =	ssyncset.done $0x0  }
0x1b7: {  	[sflag:s9] =	ssyncadd.s32 $0xFFFFC000  }
0x1b8: {  	_ =	swait.ge [sflag:s13], $0x4000  }
0x1b9: {  	[sflag:s13] =	ssyncset.done $0x0  }
0x1ba: {  	[sflag:s13] =	ssyncadd.s32 $0xFFFFC000  }
0x1bb: {  	[tilespmem:s14], [sflag:$0x1] =	stream.indirect.gather [hbm4b:s5+s11], $0x80, s22, s11, $0xb8;
	[tilespmem:$0x1D000] =	vst v63  }
0x1bc: {  	_ = 	snop  }
0x1bd: {  	[spmem:s3] =	stream.indirect.scatter.add.f32 [tilespmem:s12], [sflag:$0x2], $0x80, s23, s11, $0xb8;
	[tilespmem:$0x1D000] =	vst v63  }
0x1be: {  	_ =	swait.ge [sflag:s9], $0x4000  }
0x1bf: {  	[sflag:s9] =	ssyncset.done $0x0  }
0x1c0: {  	[sflag:s9] =	ssyncadd.s32 $0xFFFFC000  }
0x1c1: {  	_ =	swait.ge [sflag:s13], $0x4000  }
0x1c2: {  	[sflag:s13] =	ssyncset.done $0x0  }
0x1c3: {  	[sflag:s13] =	ssyncadd.s32 $0xFFFFC000  }
0x1c4: {  	[tilespmem:s12], [sflag:$0x1] =	stream.indirect.gather [hbm4b:s5+s11], $0x80, s25, s11, $0xb8;
	[tilespmem:$0x1D000] =	vst v63  }
0x1c5: {  	_ = 	snop  }
0x1c6: {  	[spmem:s3] =	stream.indirect.scatter.add.f32 [tilespmem:s14], [sflag:$0x2], $0x80, s26, s11, $0xb8;
	[tilespmem:$0x1D000] =	vst v63  }
0x1c7: {  	_ =	swait.ge [sflag:s9], $0x4000  }
0x1c8: {  	[sflag:s9] =	ssyncset.done $0x0  }
0x1c9: {  	[sflag:s9] =	ssyncadd.s32 $0xFFFFC000  }
0x1ca: {  	_ =	swait.ge [sflag:s13], $0x4000  }
0x1cb: {  	[sflag:s13] =	ssyncset.done $0x0  }
0x1cc: {  	[sflag:s13] =	ssyncadd.s32 $0xFFFFC000  }
0x1cd: {  	[tilespmem:s14], [sflag:$0x1] =	stream.indirect.gather [hbm4b:s5+s11], $0x80, s28, s11, $0xb8;
	[tilespmem:$0x1D000] =	vst v63  }
0x1ce: {  	_ = 	snop  }
0x1cf: {  	[spmem:s3] =	stream.indirect.scatter.add.f32 [tilespmem:s12], [sflag:$0x2], $0x80, s29, s11, $0xb8;
	[tilespmem:$0x1D000] =	vst v63  }
0x1d0: {  	_ =	swait.ge [sflag:s9], $0x4000  }
0x1d1: {  	[sflag:s9] =	ssyncset.done $0x0  }
0x1d2: {  	[sflag:s9] =	ssyncadd.s32 $0xFFFFC000  }
0x1d3: {  	_ =	swait.ge [sflag:s13], $0x4000  }
0x1d4: {  	[sflag:s13] =	ssyncset.done $0x0  }
0x1d5: {  	[sflag:s13] =	ssyncadd.s32 $0xFFFFC000  }
0x1d6: {  	[tilespmem:s12], [sflag:$0x1] =	stream.indirect.gather [hbm4b:s5+s11], $0x80, s30, s11, $0xb8;
	[tilespmem:$0x1D000] =	vst v63  }
0x1d7: {  	_ = 	snop  }
0x1d8: {  	[spmem:s3] =	stream.indirect.scatter.add.f32 [tilespmem:s14], [sflag:$0x2], $0x80, s31, s11, $0xb8;
	[tilespmem:$0x1D000] =	vst v63  }
0x1d9: {  	_ =	swait.ge [sflag:s9], $0x4000  }
0x1da: {  	[sflag:s9] =	ssyncset.done $0x0  }
0x1db: {  	[sflag:s9] =	ssyncadd.s32 $0xFFFFC000  }
0x1dc: {  	_ =	swait.ge [sflag:s13], $0x4000  }
0x1dd: {  	[sflag:s13] =	ssyncset.done $0x0  }
0x1de: {  	[sflag:s13] =	ssyncadd.s32 $0xFFFFC000  }
0x1df: {  	[tilespmem:s14], [sflag:$0x1] =	stream.indirect.gather [hbm4b:s5+s11], $0x80, s0, s11, $0xb8;
	[tilespmem:$0x1D000] =	vst v63  }
0x1e0: {  	_ = 	snop  }
0x1e1: {  	[spmem:s3] =	stream.indirect.scatter.add.f32 [tilespmem:s12], [sflag:$0x2], $0x80, s1, s11, $0xb8;
	[tilespmem:$0x1D000] =	vst v63  }
0x1e2: {  	_ =	swait.ge [sflag:s9], $0x4000  }
0x1e3: {  	[sflag:s9] =	ssyncset.done $0x0  }
0x1e4: {  	[sflag:s9] =	ssyncadd.s32 $0xFFFFC000  }
0x1e5: {  	_ =	swait.ge [sflag:s13], $0x4000  }
0x1e6: {  	[sflag:s13] =	ssyncset.done $0x0  }
0x1e7: {  	[sflag:s13] =	ssyncadd.s32 $0xFFFFC000  }
0x1e8: {  	[spmem:s3] =	stream.indirect.scatter.add.f32 [tilespmem:s14], [sflag:$0x2], $0x80, s2, s11, $0xb8;
	[tilespmem:$0x1D000] =	vst v63  }
0x1e9: {  	_ =	swait.ge [sflag:s9], $0x4000  }
0x1ea: {  	[sflag:s9] =	ssyncset.done $0x0  }
0x1eb: {  	[sflag:s9] =	ssyncadd.s32 $0xFFFFC000  }
0x1ec: {  	[bflag:$0x0] =	sbarrier.arrive $0xFFFF  }
0x1ed: {  	s8 =	rddreg [dreg:$0x11]  }
0x1ee: {  	s7 =	rddreg [dreg:$0x13]  }
0x1ef: {  	s24 =	rddreg [dreg:$0x14]  }
0x1f0: {  	[hbm:s24], [sflag:s8] =	dma.local [spmem:s7], $0x2800  }
0x1f1: {  	_ =	swait.ge [sflag:s9], $0x2800  }
0x1f2: {  	s6 =	rddreg [dreg:$0x15]  }
0x1f3: {  	s24 =	sadd.s32 $0x1, s6;
	s6 =	rddreg [dreg:$0x12]  }
0x1f4: {  	p0 =	sne.s32 s24, s6  }
.Ltmp1:
0x1f5: {  	_ = 	snop;
	(pc) =	sbr.rel @p0 .LBB2_1-.Ltmp1, $3  }
0x1f6: {  	_ =	sdelay $0x1  }
0x1f7: {  	[sflag:s9] =	ssyncset.done $0x0  }
0x1f8: {  	[sflag:s9] =	ssyncadd.s32 $0xFFFFD800  }
0x1f9: {  	_ =	sfence.sel $0x180000  }
0x1fa: {  	[bflag:$0x0] =	sbarrier.arrive $0xFFFF  }
0x1fb: {  	_ =	strace $0x90000050  }
0x1fc: {  	s0 =	stileid.u32;
	[bflag:$0x2] =	sbarrier.arrive $0xFFFF  }
0x1fd: {  	p0 =	sne.s32 s0, $0x0;
	s0 =	rddreg [dreg:$0x3]  }
0x1fe: {  	s0 =	sadd.s32 @!p0 $0x100000, s0  }
0x1ff: {  	[sflag:s0] =	ssyncadd.tile.s32 @!p0 $0x1;
	_ =	shalt  }
.Lfunc_end2:
_tile_overlayer_lowered:
.L_overlay_start_2:
0x200: {  	(tag) =	ssettag $0x2  }
0x201: {  	s0 =	rddreg [dreg:$0x0];
	s2 =	stileid.u32  }
0x202: {  	s1 =	rddreg [dreg:$0x1];
	p0 =	sne.s32 s2, $0x0  }
0x203: {  	s3 =	rddreg [dreg:$0x2];
	[bflag:$0x3] =	sbarrier.arrive $0xFFFF;
	s2 =	simm.s32 @!p0 $0x1C02  }
0x204: {  	[timem:s3], [sflag:s2] =	dma.local @!p0 [hbm:s0], s1  }
0x205: {  	s0 =	simm.s32 @!p0 $0x2  }
0x206: {  	_ =	swait.ge @!p0 [sflag:s0], s1  }
0x207: {  	s1 =	ssub.s32 @!p0 $0x0, s1;
	[sflag:s0] =	ssyncset.done @!p0 $0x0  }
0x208: {  	[sflag:s0] =	ssyncadd.s32 @!p0 s1  }
0x209: {  	[bflag:$0x3] =	sbarrier.arrive $0xFFFF  }
0x20a: {  	_ =	shalt  }

</sc_bundles>
